<compile_context>
chip_gen: v7x
topology: tpu7x:2x2x1
jax: 0.10.2.dev20260603
libtpu: 0.0.44.dev20260713+nightly
codegen_flags: <defaults>
</compile_context>

<pallas_src>
import functools

import jax
import jax.numpy as jnp
from jax import lax
from jax.experimental import pallas as pl
from jax.experimental.pallas import tpu as pltpu
from jax.experimental.pallas import tpu_sc as plsc

N_NODES = 10000
N_PAD = 10112
PAD_IDX = N_NODES
CHUNK = 128
N_CORES = 2
N_SUB = 16
N_WORKERS = N_CORES * N_SUB
ROWS_PER_SUB = N_PAD // N_SUB


_NBUF = 8


def _zero_acc_slice(zbuf, acc, sid, d):
    @pl.loop(0, CHUNK)
    def _(i):
        if d == 16:
            zbuf[i, :] = jnp.zeros((16,), jnp.float32)
        else:
            for c in range(d // 16):
                zbuf[i, pl.ds(c * 16, 16)] = jnp.zeros((16,), jnp.float32)

    r0 = sid * ROWS_PER_SUB
    nfull = ROWS_PER_SUB // CHUNK
    for k in range(nfull):
        pltpu.sync_copy(zbuf, acc.at[pl.ds(r0 + k * CHUNK, CHUNK)])
    rem = ROWS_PER_SUB - nfull * CHUNK
    if rem:
        pltpu.sync_copy(zbuf.at[pl.ds(0, rem)],
                        acc.at[pl.ds(r0 + nfull * CHUNK, rem)])


def _sc_agg_body(ch_per_w, d, hs_hbm, src_hbm, dst_hbm, out_hbm,
                 sidx, didx, rows, gsems, ssems, zbuf, acc):
    cid = lax.axis_index("c")
    sid = lax.axis_index("s")
    wid = cid * N_SUB + sid

    base = wid * ch_per_w
    pltpu.async_copy(src_hbm.at[pl.ds(base, ch_per_w)], sidx, gsems[0])
    pltpu.async_copy(dst_hbm.at[pl.ds(base, ch_per_w)], didx, gsems[1])
    _zero_acc_slice(zbuf, acc, sid, d)
    pltpu.make_async_copy(src_hbm.at[pl.ds(base, ch_per_w)], sidx,
                          gsems[0]).wait()
    pltpu.make_async_copy(dst_hbm.at[pl.ds(base, ch_per_w)], didx,
                          gsems[1]).wait()
    plsc.subcore_barrier()

    def gather(j, b):
        pltpu.async_copy(hs_hbm.at[sidx.at[j]], rows[b], gsems[b])

    def wait_gather(b):
        pltpu.make_async_copy(hs_hbm.at[sidx.at[0]], rows[b], gsems[b]).wait()

    def scatter(j, b):
        pltpu.async_copy(rows[b], acc.at[didx.at[j]], ssems[b], add=True)

    def wait_scatter(b):
        pltpu.make_async_copy(rows[b], acc.at[didx.at[0]], ssems[b]).wait()

    for b in range(_NBUF):
        gather(b, b)

    @pl.loop(0, ch_per_w - _NBUF, step=_NBUF)
    def _(j):
        for b in range(_NBUF):
            wait_gather(b)
            scatter(j + b, b)
        for b in range(_NBUF):
            wait_scatter(b)
            gather(j + _NBUF + b, b)

    for b in range(_NBUF):
        wait_gather(b)
        scatter(ch_per_w - _NBUF + b, b)
    for b in range(_NBUF):
        wait_scatter(b)

    plsc.subcore_barrier()
    pltpu.sync_copy(acc.at[pl.ds(sid * ROWS_PER_SUB, ROWS_PER_SUB)],
                    out_hbm.at[pl.ds(sid * ROWS_PER_SUB, ROWS_PER_SUB),
                               pl.ds(cid * d, d)])


def _make_sc_agg(n_chunks, d):
    ch_per_w = n_chunks // N_WORKERS
    mesh = plsc.VectorSubcoreMesh(core_axis_name="c", subcore_axis_name="s")
    return pl.kernel(
        functools.partial(_sc_agg_body, ch_per_w, d),
        name=f"sc_agg{d}",
        out_type=jax.ShapeDtypeStruct((N_PAD, 2 * d), jnp.float32),
        mesh=mesh,
        scratch_types=[
            pltpu.VMEM((ch_per_w, CHUNK), jnp.int32),
            pltpu.VMEM((ch_per_w, CHUNK), jnp.int32),
            [pltpu.VMEM((CHUNK, d), jnp.float32) for _ in range(_NBUF)],
            [pltpu.SemaphoreType.DMA for _ in range(_NBUF)],
            [pltpu.SemaphoreType.DMA for _ in range(_NBUF)],
            pltpu.VMEM((CHUNK, d), jnp.float32),
            pltpu.VMEM_SHARED((N_PAD, d), jnp.float32),
        ],
        compiler_params=pltpu.CompilerParams(use_tc_tiling_on_sc=False,
                                             needs_layout_passes=False),
    )


def _sc_deg_body(ch_per_w, dst_hbm, out_hbm, didx, ones_v, zbuf, cbuf,
                 cvec, acc, sem):
    cid = lax.axis_index("c")
    sid = lax.axis_index("s")
    wid = cid * N_SUB + sid

    pltpu.async_copy(dst_hbm.at[pl.ds(wid * ch_per_w, ch_per_w)], didx, sem)

    @pl.loop(0, CHUNK)
    def _(i):
        ones_v[i, :] = jnp.full((16,), 1.0, jnp.float32)

    _zero_acc_slice(zbuf, acc, sid, 16)
    pltpu.make_async_copy(dst_hbm.at[pl.ds(wid * ch_per_w, ch_per_w)], didx,
                          sem).wait()
    plsc.subcore_barrier()

    @pl.loop(0, ch_per_w)
    def _(j):
        pltpu.async_copy(ones_v, acc.at[didx.at[j]], sem, add=True)

    @pl.loop(0, ch_per_w)
    def _(j):
        pltpu.make_async_copy(ones_v, acc.at[didx.at[0]], sem).wait()

    plsc.subcore_barrier()
    pltpu.sync_copy(acc.at[pl.ds(sid * ROWS_PER_SUB, ROWS_PER_SUB)], cbuf)
    zero16 = jnp.zeros((16,), jnp.int32)
    base = lax.iota(jnp.int32, 16)

    @pl.loop(0, ROWS_PER_SUB, step=16)
    def _(i):
        v = plsc.load_gather(cbuf, [base + i, zero16])
        cvec.at[pl.ds(i, 16)][...] = v

    pltpu.sync_copy(cvec, out_hbm.at[cid, pl.ds(sid * ROWS_PER_SUB,
                                                ROWS_PER_SUB)])


def _make_sc_deg(n_chunks):
    ch_per_w = n_chunks // N_WORKERS
    mesh = plsc.VectorSubcoreMesh(core_axis_name="c", subcore_axis_name="s")
    return pl.kernel(
        functools.partial(_sc_deg_body, ch_per_w),
        out_type=jax.ShapeDtypeStruct((N_CORES, N_PAD), jnp.float32),
        mesh=mesh,
        scratch_types=[
            pltpu.VMEM((ch_per_w, CHUNK), jnp.int32),
            pltpu.VMEM((CHUNK, 16), jnp.float32),
            pltpu.VMEM((CHUNK, 16), jnp.float32),
            pltpu.VMEM((ROWS_PER_SUB, 16), jnp.float32),
            pltpu.VMEM((ROWS_PER_SUB,), jnp.float32),
            pltpu.VMEM_SHARED((N_PAD, 16), jnp.float32),
            pltpu.SemaphoreType.DMA,
        ],
        compiler_params=pltpu.CompilerParams(use_tc_tiling_on_sc=False,
                                             needs_layout_passes=False),
    )


def _tc_matmul_body(x_ref, w_ref, o_ref):
    h = jnp.dot(x_ref[...], w_ref[...], preferred_element_type=jnp.float32)
    o_ref[...] = jnp.concatenate(
        [h, jnp.zeros((N_PAD - N_NODES, h.shape[1]), jnp.float32)], axis=0)


def _tc_scale_body(deg_ref, h_ref, hs_ref, dinv_ref):
    d = deg_ref[...]
    deg_row = d[0:1, :] + d[1:2, :] + 1.0
    dinv = lax.rsqrt(deg_row).reshape(N_PAD, 1)
    dinv_ref[...] = dinv
    hs_ref[...] = h_ref[...] * dinv


def _tc_mid_body(acc_ref, hs_ref, dinv_ref, b1_ref, w2_ref, o_ref):
    dinv = dinv_ref[...]
    a = acc_ref[...]
    out1 = (a[:, :32] + a[:, 32:] + hs_ref[...]) * dinv + b1_ref[...]
    out1 = jnp.maximum(out1, 0.0)
    h2 = jnp.dot(out1, w2_ref[...], preferred_element_type=jnp.float32)
    row = lax.broadcasted_iota(jnp.int32, (N_PAD, 1), 0)
    o_ref[...] = jnp.where(row < N_NODES, h2 * dinv, 0.0)


def _tc_out_body(acc_ref, hs_ref, dinv_ref, b2_ref, o_ref):
    a = acc_ref[...]
    full = (a[:, :16] + a[:, 16:] + hs_ref[...]) * dinv_ref[...]
    logits = full[:N_NODES, :7] + b2_ref[...]
    m = jnp.max(logits, axis=1, keepdims=True)
    e = jnp.exp(logits - m)
    o_ref[...] = e / jnp.sum(e, axis=1, keepdims=True)


def kernel(x, edge_index, W1, b1, W2, b2):
    x = x.astype(jnp.float32)
    src = edge_index[0].astype(jnp.int32)
    dst = edge_index[1].astype(jnp.int32)
    n_edges = src.shape[0]

    per_w = CHUNK * ((n_edges + N_WORKERS * CHUNK - 1) // (N_WORKERS * CHUNK))
    if (per_w // CHUNK) % _NBUF:
        per_w += CHUNK * (_NBUF - (per_w // CHUNK) % _NBUF)
    e_pad = per_w * N_WORKERS
    n_chunks = e_pad // CHUNK
    pad = PAD_IDX + (jnp.arange(e_pad - n_edges, dtype=jnp.int32)
                     % (N_PAD - N_NODES))
    dst_c = jnp.concatenate([dst, pad]).reshape(n_chunks, CHUNK)

    w2_p = jnp.pad(W2.astype(jnp.float32), ((0, 0), (0, 16 - W2.shape[1])))

    agg16 = _make_sc_agg(n_chunks, 16)
    agg32 = _make_sc_agg(n_chunks, 32)

    deg_parts = _make_sc_deg(n_chunks)(dst_c)
    src_c = jnp.concatenate([src, pad]).reshape(n_chunks, CHUNK)
    h1 = pl.pallas_call(
        _tc_matmul_body,
        out_shape=jax.ShapeDtypeStruct((N_PAD, 32), jnp.float32),
    )(x, W1.astype(jnp.float32))

    hs1, dinv = pl.pallas_call(
        _tc_scale_body,
        out_shape=(jax.ShapeDtypeStruct((N_PAD, 32), jnp.float32),
                   jax.ShapeDtypeStruct((N_PAD, 1), jnp.float32)),
    )(deg_parts, h1)

    acc1 = agg32(hs1, src_c, dst_c)

    hs2 = pl.pallas_call(
        _tc_mid_body,
        out_shape=jax.ShapeDtypeStruct((N_PAD, 16), jnp.float32),
    )(acc1, hs1, dinv, b1.astype(jnp.float32).reshape(1, 32), w2_p)

    acc2 = agg16(hs2, src_c, dst_c)

    out = pl.pallas_call(
        _tc_out_body,
        out_shape=jax.ShapeDtypeStruct((N_NODES, 7), jnp.float32),
    )(acc2, hs2, dinv, b2.astype(jnp.float32).reshape(1, 7))
    return out

# --- scband reference (transcript-rebuilt; emitter-appended) ---
"""Pipeline reference for scband-gcnnet-40407052321143 (READ-ONLY COPY).

The authoritative reference and input builder live on the scoring server;
editing this copy changes nothing except your own understanding.
"""

import jax, jax.numpy as jnp
import numpy as np

N_NODES = 10000


def gcn_conv(x, edge_index, W, b):
    num_nodes = x.shape[0]
    src = edge_index[0]
    dst = edge_index[1]
    # add self loops (PyG GCNConv default)
    loop = jnp.arange(num_nodes, dtype=edge_index.dtype)
    src = jnp.concatenate([src, loop])
    dst = jnp.concatenate([dst, loop])
    # symmetric degree normalization
    deg = jnp.zeros((num_nodes,), dtype=x.dtype).at[dst].add(1.0)
    dinv = jnp.where(deg > 0, deg ** -0.5, 0.0)
    norm = dinv[src] * dinv[dst]
    h = x @ W
    msg = h[src] * norm[:, None]
    out = jnp.zeros((num_nodes, W.shape[1]), dtype=x.dtype).at[dst].add(msg)
    return out + b


def setup_inputs(seed: int = 0) -> dict:
    key = jax.random.key(seed)
    k_x, k_e, k_w1, k_b1, k_w2, k_b2 = jax.random.split(key, 6)
    x = jax.random.normal(k_x, (N_NODES, 128), dtype=jnp.float32)
    edge_index = jax.random.randint(k_e, (2, 320000), 0, N_NODES, dtype=jnp.int64)
    # Glorot-style init for GCNConv weights
    W1 = jax.random.normal(k_w1, (128, 32), dtype=jnp.float32) * (1.0 / np.sqrt(128))
    b1 = jnp.zeros((32,), dtype=jnp.float32)
    W2 = jax.random.normal(k_w2, (32, 7), dtype=jnp.float32) * (1.0 / np.sqrt(32))
    b2 = jnp.zeros((7,), dtype=jnp.float32)
    return {"x": x, "edge_index": edge_index, "W1": W1, "b1": b1, "W2": W2, "b2": b2}


def reference(x, edge_index, W1, b1, W2, b2):
    h = gcn_conv(x, edge_index, W1, b1)
    h = jax.nn.relu(h)
    h = gcn_conv(h, edge_index, W2, b2)
    return jax.nn.softmax(h, axis=1)

if __name__ == "__main__":
    import jax
    _d = setup_inputs()
    print(jax.jit(kernel)(*tuple(_d.values())))

</pallas_src>

<mosaic_0001>
#map = affine_map<(d0, d1) -> (0, 0)>
module attributes {stable_mosaic.version = 14 : i64} {
  func.func @sc_agg32(%arg0: i32, %arg1: i32, %arg2: memref<10112x32xf32, #tpu.memory_space<hbm>>, %arg3: memref<2560x128xi32, #tpu.memory_space<hbm>>, %arg4: memref<2560x128xi32, #tpu.memory_space<hbm>>, %arg5: memref<10112x64xf32, #tpu.memory_space<hbm>>, %arg6: memref<80x128xi32, #tpu.memory_space<vmem>>, %arg7: memref<80x128xi32, #tpu.memory_space<vmem>>, %arg8: memref<128x32xf32, #tpu.memory_space<vmem>>, %arg9: memref<128x32xf32, #tpu.memory_space<vmem>>, %arg10: memref<128x32xf32, #tpu.memory_space<vmem>>, %arg11: memref<128x32xf32, #tpu.memory_space<vmem>>, %arg12: memref<128x32xf32, #tpu.memory_space<vmem>>, %arg13: memref<128x32xf32, #tpu.memory_space<vmem>>, %arg14: memref<128x32xf32, #tpu.memory_space<vmem>>, %arg15: memref<128x32xf32, #tpu.memory_space<vmem>>, %arg16: memref<!tpu.dma_semaphore, #tpu.memory_space<semaphore_mem>>, %arg17: memref<!tpu.dma_semaphore, #tpu.memory_space<semaphore_mem>>, %arg18: memref<!tpu.dma_semaphore, #tpu.memory_space<semaphore_mem>>, %arg19: memref<!tpu.dma_semaphore, #tpu.memory_space<semaphore_mem>>, %arg20: memref<!tpu.dma_semaphore, #tpu.memory_space<semaphore_mem>>, %arg21: memref<!tpu.dma_semaphore, #tpu.memory_space<semaphore_mem>>, %arg22: memref<!tpu.dma_semaphore, #tpu.memory_space<semaphore_mem>>, %arg23: memref<!tpu.dma_semaphore, #tpu.memory_space<semaphore_mem>>, %arg24: memref<!tpu.dma_semaphore, #tpu.memory_space<semaphore_mem>>, %arg25: memref<!tpu.dma_semaphore, #tpu.memory_space<semaphore_mem>>, %arg26: memref<!tpu.dma_semaphore, #tpu.memory_space<semaphore_mem>>, %arg27: memref<!tpu.dma_semaphore, #tpu.memory_space<semaphore_mem>>, %arg28: memref<!tpu.dma_semaphore, #tpu.memory_space<semaphore_mem>>, %arg29: memref<!tpu.dma_semaphore, #tpu.memory_space<semaphore_mem>>, %arg30: memref<!tpu.dma_semaphore, #tpu.memory_space<semaphore_mem>>, %arg31: memref<!tpu.dma_semaphore, #tpu.memory_space<semaphore_mem>>, %arg32: memref<128x32xf32, #tpu.memory_space<vmem>>, %arg33: memref<10112x32xf32, #tpu.memory_space<vmem_shared>>) attributes {dimension_semantics = [#tpu.dimension_semantics<core_parallel>, #tpu.dimension_semantics<subcore_parallel>], iteration_bounds = array<i64: 2, 16>, scalar_prefetch = 0 : i64, scratch_operands = 28 : i64, tpu.core_type = #tpu.core_type<sc_vector_subcore>, window_params = [{transform_indices = #map}, {transform_indices = #map}, {transform_indices = #map}, {transform_indices = #map}]} {
    %mul3A = arith.constant 16 : i32
    %mul3A_0 = arith.muli %arg0, %mul3A : i32
    %add3A = arith.addi %mul3A_0, %arg1 : i32
    %mul3A_1 = arith.constant 80 : i32
    %mul3A_2 = arith.muli %add3A, %mul3A_1 : i32
    %dma_start3A = arith.constant 0 : i32
    %dma_start3A_3 = tpu.memref_slice %arg3[%mul3A_2, %dma_start3A] : memref<2560x128xi32, #tpu.memory_space<hbm>> -> memref<80x128xi32, #tpu.memory_space<hbm>>
    %dma_start3A_4 = arith.constant 0 : i32
    %dma_start3A_5 = tpu.memref_slice %arg3[%mul3A_2, %dma_start3A_4] : memref<2560x128xi32, #tpu.memory_space<hbm>> -> memref<80x128xi32, #tpu.memory_space<hbm>>
    tpu.enqueue_dma source(%dma_start3A_5 : memref<80x128xi32, #tpu.memory_space<hbm>>) target(%arg6 : memref<80x128xi32, #tpu.memory_space<vmem>>) target_semaphore(%arg16 : memref<!tpu.dma_semaphore, #tpu.memory_space<semaphore_mem>>)
    %dma_start3A_6 = arith.constant 0 : i32
    %dma_start3A_7 = tpu.memref_slice %arg4[%mul3A_2, %dma_start3A_6] : memref<2560x128xi32, #tpu.memory_space<hbm>> -> memref<80x128xi32, #tpu.memory_space<hbm>>
    %dma_start3A_8 = arith.constant 0 : i32
    %dma_start3A_9 = tpu.memref_slice %arg4[%mul3A_2, %dma_start3A_8] : memref<2560x128xi32, #tpu.memory_space<hbm>> -> memref<80x128xi32, #tpu.memory_space<hbm>>
    tpu.enqueue_dma source(%dma_start3A_9 : memref<80x128xi32, #tpu.memory_space<hbm>>) target(%arg7 : memref<80x128xi32, #tpu.memory_space<vmem>>) target_semaphore(%arg17 : memref<!tpu.dma_semaphore, #tpu.memory_space<semaphore_mem>>)
    %scan3A = arith.constant 0 : i32
    %scan3A_10 = arith.constant 128 : i32
    %scan3A_11 = arith.addi %scan3A, %scan3A_10 : i32
    %scan3A_12 = arith.constant 1 : i32
    scf.for %scan3A_269 = %scan3A to %scan3A_11 step %scan3A_12  : i32 {
      %mul3A_270 = arith.constant 1 : i32
      %mul3A_271 = arith.muli %scan3A_269, %mul3A_270 : i32
      %add3A_272 = arith.constant 0 : i32
      %add3A_273 = arith.addi %add3A_272, %mul3A_271 : i32
      %broadcast_in_dim3A = arith.constant 0.000000e+00 : f32
      %broadcast_in_dim3A_274 = vector.broadcast %broadcast_in_dim3A : f32 to vector<16xf32>
      %swap3A = arith.index_cast %add3A_273 : i32 to index
      %swap3A_275 = arith.constant 0 : index
      %swap3A_276 = tpu.vector_load %arg32[%swap3A, %swap3A_275] {strides = array<i32>} : memref<128x32xf32, #tpu.memory_space<vmem>>, vector<16xf32>,
      tpu.vector_store %arg32[%swap3A, %swap3A_275], %broadcast_in_dim3A_274 {strides = array<i32>} : memref<128x32xf32, #tpu.memory_space<vmem>>, vector<16xf32>,
      %broadcast_in_dim3A_277 = arith.constant 0.000000e+00 : f32
      %broadcast_in_dim3A_278 = vector.broadcast %broadcast_in_dim3A_277 : f32 to vector<16xf32>
      %swap3A_279 = arith.index_cast %add3A_273 : i32 to index
      %swap3A_280 = arith.constant 16 : index
      %swap3A_281 = tpu.vector_load %arg32[%swap3A_279, %swap3A_280] {strides = array<i32>} : memref<128x32xf32, #tpu.memory_space<vmem>>, vector<16xf32>,
      tpu.vector_store %arg32[%swap3A_279, %swap3A_280], %broadcast_in_dim3A_278 {strides = array<i32>} : memref<128x32xf32, #tpu.memory_space<vmem>>, vector<16xf32>,
    }
    %scan3A_13 = arith.constant 128 : i32
    %mul3A_14 = arith.constant 632 : i32
    %mul3A_15 = arith.muli %arg1, %mul3A_14 : i32
    %add3A_16 = arith.constant 0 : i32
    %add3A_17 = arith.addi %mul3A_15, %add3A_16 : i32
    "tpu.region"() ({
      %run_scoped3A = tpu.sem_alloc : memref<!tpu.dma_semaphore, #tpu.memory_space<semaphore_mem>>
      %dma_start3A_269 = arith.constant 0 : i32
      %dma_start3A_270 = tpu.memref_slice %arg33[%add3A_17, %dma_start3A_269] : memref<10112x32xf32, #tpu.memory_space<vmem_shared>> -> memref<128x32xf32, #tpu.memory_space<vmem_shared>>
      %dma_start3A_271 = arith.constant 0 : i32
      %dma_start3A_272 = tpu.memref_slice %arg33[%add3A_17, %dma_start3A_271] : memref<10112x32xf32, #tpu.memory_space<vmem_shared>> -> memref<128x32xf32, #tpu.memory_space<vmem_shared>>
      tpu.enqueue_dma source(%arg32 : memref<128x32xf32, #tpu.memory_space<vmem>>) target(%dma_start3A_272 : memref<128x32xf32, #tpu.memory_space<vmem_shared>>) target_semaphore(%run_scoped3A : memref<!tpu.dma_semaphore, #tpu.memory_space<semaphore_mem>>)
      %dma_wait3A_273 = arith.constant 0 : i32
      %dma_wait3A_274 = tpu.memref_slice %arg33[%add3A_17, %dma_wait3A_273] : memref<10112x32xf32, #tpu.memory_space<vmem_shared>> -> memref<128x32xf32, #tpu.memory_space<vmem_shared>>
      %dma_wait3A_275 = arith.constant 0 : i32
      %dma_wait3A_276 = tpu.memref_slice %arg33[%add3A_17, %dma_wait3A_275] : memref<10112x32xf32, #tpu.memory_space<vmem_shared>> -> memref<128x32xf32, #tpu.memory_space<vmem_shared>>
      tpu.wait_dma2 semaphore(%run_scoped3A : memref<!tpu.dma_semaphore, #tpu.memory_space<semaphore_mem>>) src(%arg32 : memref<128x32xf32, #tpu.memory_space<vmem>>) dst(%dma_wait3A_276 : memref<128x32xf32, #tpu.memory_space<vmem_shared>>)
      tpu.yield
    }) : () -> ()
    %add3A_18 = arith.constant 128 : i32
    %add3A_19 = arith.addi %mul3A_15, %add3A_18 : i32
    "tpu.region"() ({
      %run_scoped3A = tpu.sem_alloc : memref<!tpu.dma_semaphore, #tpu.memory_space<semaphore_mem>>
      %dma_start3A_269 = arith.constant 0 : i32
      %dma_start3A_270 = tpu.memref_slice %arg33[%add3A_19, %dma_start3A_269] : memref<10112x32xf32, #tpu.memory_space<vmem_shared>> -> memref<128x32xf32, #tpu.memory_space<vmem_shared>>
      %dma_start3A_271 = arith.constant 0 : i32
      %dma_start3A_272 = tpu.memref_slice %arg33[%add3A_19, %dma_start3A_271] : memref<10112x32xf32, #tpu.memory_space<vmem_shared>> -> memref<128x32xf32, #tpu.memory_space<vmem_shared>>
      tpu.enqueue_dma source(%arg32 : memref<128x32xf32, #tpu.memory_space<vmem>>) target(%dma_start3A_272 : memref<128x32xf32, #tpu.memory_space<vmem_shared>>) target_semaphore(%run_scoped3A : memref<!tpu.dma_semaphore, #tpu.memory_space<semaphore_mem>>)
      %dma_wait3A_273 = arith.constant 0 : i32
      %dma_wait3A_274 = tpu.memref_slice %arg33[%add3A_19, %dma_wait3A_273] : memref<10112x32xf32, #tpu.memory_space<vmem_shared>> -> memref<128x32xf32, #tpu.memory_space<vmem_shared>>
      %dma_wait3A_275 = arith.constant 0 : i32
      %dma_wait3A_276 = tpu.memref_slice %arg33[%add3A_19, %dma_wait3A_275] : memref<10112x32xf32, #tpu.memory_space<vmem_shared>> -> memref<128x32xf32, #tpu.memory_space<vmem_shared>>
      tpu.wait_dma2 semaphore(%run_scoped3A : memref<!tpu.dma_semaphore, #tpu.memory_space<semaphore_mem>>) src(%arg32 : memref<128x32xf32, #tpu.memory_space<vmem>>) dst(%dma_wait3A_276 : memref<128x32xf32, #tpu.memory_space<vmem_shared>>)
      tpu.yield
    }) : () -> ()
    %add3A_20 = arith.constant 256 : i32
    %add3A_21 = arith.addi %mul3A_15, %add3A_20 : i32
    "tpu.region"() ({
      %run_scoped3A = tpu.sem_alloc : memref<!tpu.dma_semaphore, #tpu.memory_space<semaphore_mem>>
      %dma_start3A_269 = arith.constant 0 : i32
      %dma_start3A_270 = tpu.memref_slice %arg33[%add3A_21, %dma_start3A_269] : memref<10112x32xf32, #tpu.memory_space<vmem_shared>> -> memref<128x32xf32, #tpu.memory_space<vmem_shared>>
      %dma_start3A_271 = arith.constant 0 : i32
      %dma_start3A_272 = tpu.memref_slice %arg33[%add3A_21, %dma_start3A_271] : memref<10112x32xf32, #tpu.memory_space<vmem_shared>> -> memref<128x32xf32, #tpu.memory_space<vmem_shared>>
      tpu.enqueue_dma source(%arg32 : memref<128x32xf32, #tpu.memory_space<vmem>>) target(%dma_start3A_272 : memref<128x32xf32, #tpu.memory_space<vmem_shared>>) target_semaphore(%run_scoped3A : memref<!tpu.dma_semaphore, #tpu.memory_space<semaphore_mem>>)
      %dma_wait3A_273 = arith.constant 0 : i32
      %dma_wait3A_274 = tpu.memref_slice %arg33[%add3A_21, %dma_wait3A_273] : memref<10112x32xf32, #tpu.memory_space<vmem_shared>> -> memref<128x32xf32, #tpu.memory_space<vmem_shared>>
      %dma_wait3A_275 = arith.constant 0 : i32
      %dma_wait3A_276 = tpu.memref_slice %arg33[%add3A_21, %dma_wait3A_275] : memref<10112x32xf32, #tpu.memory_space<vmem_shared>> -> memref<128x32xf32, #tpu.memory_space<vmem_shared>>
      tpu.wait_dma2 semaphore(%run_scoped3A : memref<!tpu.dma_semaphore, #tpu.memory_space<semaphore_mem>>) src(%arg32 : memref<128x32xf32, #tpu.memory_space<vmem>>) dst(%dma_wait3A_276 : memref<128x32xf32, #tpu.memory_space<vmem_shared>>)
      tpu.yield
    }) : () -> ()
    %add3A_22 = arith.constant 384 : i32
    %add3A_23 = arith.addi %mul3A_15, %add3A_22 : i32
    "tpu.region"() ({
      %run_scoped3A = tpu.sem_alloc : memref<!tpu.dma_semaphore, #tpu.memory_space<semaphore_mem>>
      %dma_start3A_269 = arith.constant 0 : i32
      %dma_start3A_270 = tpu.memref_slice %arg33[%add3A_23, %dma_start3A_269] : memref<10112x32xf32, #tpu.memory_space<vmem_shared>> -> memref<128x32xf32, #tpu.memory_space<vmem_shared>>
      %dma_start3A_271 = arith.constant 0 : i32
      %dma_start3A_272 = tpu.memref_slice %arg33[%add3A_23, %dma_start3A_271] : memref<10112x32xf32, #tpu.memory_space<vmem_shared>> -> memref<128x32xf32, #tpu.memory_space<vmem_shared>>
      tpu.enqueue_dma source(%arg32 : memref<128x32xf32, #tpu.memory_space<vmem>>) target(%dma_start3A_272 : memref<128x32xf32, #tpu.memory_space<vmem_shared>>) target_semaphore(%run_scoped3A : memref<!tpu.dma_semaphore, #tpu.memory_space<semaphore_mem>>)
      %dma_wait3A_273 = arith.constant 0 : i32
      %dma_wait3A_274 = tpu.memref_slice %arg33[%add3A_23, %dma_wait3A_273] : memref<10112x32xf32, #tpu.memory_space<vmem_shared>> -> memref<128x32xf32, #tpu.memory_space<vmem_shared>>
      %dma_wait3A_275 = arith.constant 0 : i32
      %dma_wait3A_276 = tpu.memref_slice %arg33[%add3A_23, %dma_wait3A_275] : memref<10112x32xf32, #tpu.memory_space<vmem_shared>> -> memref<128x32xf32, #tpu.memory_space<vmem_shared>>
      tpu.wait_dma2 semaphore(%run_scoped3A : memref<!tpu.dma_semaphore, #tpu.memory_space<semaphore_mem>>) src(%arg32 : memref<128x32xf32, #tpu.memory_space<vmem>>) dst(%dma_wait3A_276 : memref<128x32xf32, #tpu.memory_space<vmem_shared>>)
      tpu.yield
    }) : () -> ()
    %add3A_24 = arith.constant 512 : i32
    %add3A_25 = arith.addi %mul3A_15, %add3A_24 : i32
    "tpu.region"() ({
      %run_scoped3A = tpu.sem_alloc : memref<!tpu.dma_semaphore, #tpu.memory_space<semaphore_mem>>
      %dma_start3A_269 = arith.constant 0 : i32
      %dma_start3A_270 = arith.constant 0 : i32
      %dma_start3A_271 = tpu.memref_slice %arg32[%dma_start3A_269, %dma_start3A_270] : memref<128x32xf32, #tpu.memory_space<vmem>> -> memref<120x32xf32, #tpu.memory_space<vmem>>
      %dma_start3A_272 = arith.constant 0 : i32
      %dma_start3A_273 = tpu.memref_slice %arg33[%add3A_25, %dma_start3A_272] : memref<10112x32xf32, #tpu.memory_space<vmem_shared>> -> memref<120x32xf32, #tpu.memory_space<vmem_shared>>
      %dma_start3A_274 = arith.constant 0 : i32
      %dma_start3A_275 = tpu.memref_slice %arg33[%add3A_25, %dma_start3A_274] : memref<10112x32xf32, #tpu.memory_space<vmem_shared>> -> memref<120x32xf32, #tpu.memory_space<vmem_shared>>
      %dma_start3A_276 = arith.constant 0 : i32
      %dma_start3A_277 = arith.constant 0 : i32
      %dma_start3A_278 = tpu.memref_slice %arg32[%dma_start3A_276, %dma_start3A_277] : memref<128x32xf32, #tpu.memory_space<vmem>> -> memref<120x32xf32, #tpu.memory_space<vmem>>
      tpu.enqueue_dma source(%dma_start3A_278 : memref<120x32xf32, #tpu.memory_space<vmem>>) target(%dma_start3A_275 : memref<120x32xf32, #tpu.memory_space<vmem_shared>>) target_semaphore(%run_scoped3A : memref<!tpu.dma_semaphore, #tpu.memory_space<semaphore_mem>>)
      %dma_wait3A_279 = arith.constant 0 : i32
      %dma_wait3A_280 = arith.constant 0 : i32
      %dma_wait3A_281 = tpu.memref_slice %arg32[%dma_wait3A_279, %dma_wait3A_280] : memref<128x32xf32, #tpu.memory_space<vmem>> -> memref<120x32xf32, #tpu.memory_space<vmem>>
      %dma_wait3A_282 = arith.constant 0 : i32
      %dma_wait3A_283 = tpu.memref_slice %arg33[%add3A_25, %dma_wait3A_282] : memref<10112x32xf32, #tpu.memory_space<vmem_shared>> -> memref<120x32xf32, #tpu.memory_space<vmem_shared>>
      %dma_wait3A_284 = arith.constant 0 : i32
      %dma_wait3A_285 = tpu.memref_slice %arg33[%add3A_25, %dma_wait3A_284] : memref<10112x32xf32, #tpu.memory_space<vmem_shared>> -> memref<120x32xf32, #tpu.memory_space<vmem_shared>>
      %dma_wait3A_286 = arith.constant 0 : i32
      %dma_wait3A_287 = arith.constant 0 : i32
      %dma_wait3A_288 = tpu.memref_slice %arg32[%dma_wait3A_286, %dma_wait3A_287] : memref<128x32xf32, #tpu.memory_space<vmem>> -> memref<120x32xf32, #tpu.memory_space<vmem>>
      tpu.wait_dma2 semaphore(%run_scoped3A : memref<!tpu.dma_semaphore, #tpu.memory_space<semaphore_mem>>) src(%dma_wait3A_288 : memref<120x32xf32, #tpu.memory_space<vmem>>) dst(%dma_wait3A_285 : memref<120x32xf32, #tpu.memory_space<vmem_shared>>)
      tpu.yield
    }) : () -> ()
    %dma_wait3A = arith.constant 0 : i32
    %dma_wait3A_26 = tpu.memref_slice %arg3[%mul3A_2, %dma_wait3A] : memref<2560x128xi32, #tpu.memory_space<hbm>> -> memref<80x128xi32, #tpu.memory_space<hbm>>
    %dma_wait3A_27 = arith.constant 0 : i32
    %dma_wait3A_28 = tpu.memref_slice %arg3[%mul3A_2, %dma_wait3A_27] : memref<2560x128xi32, #tpu.memory_space<hbm>> -> memref<80x128xi32, #tpu.memory_space<hbm>>
    tpu.wait_dma2 semaphore(%arg16 : memref<!tpu.dma_semaphore, #tpu.memory_space<semaphore_mem>>) src(%dma_wait3A_28 : memref<80x128xi32, #tpu.memory_space<hbm>>) dst(%arg6 : memref<80x128xi32, #tpu.memory_space<vmem>>)
    %dma_wait3A_29 = arith.constant 0 : i32
    %dma_wait3A_30 = tpu.memref_slice %arg4[%mul3A_2, %dma_wait3A_29] : memref<2560x128xi32, #tpu.memory_space<hbm>> -> memref<80x128xi32, #tpu.memory_space<hbm>>
    %dma_wait3A_31 = arith.constant 0 : i32
    %dma_wait3A_32 = tpu.memref_slice %arg4[%mul3A_2, %dma_wait3A_31] : memref<2560x128xi32, #tpu.memory_space<hbm>> -> memref<80x128xi32, #tpu.memory_space<hbm>>
    tpu.wait_dma2 semaphore(%arg17 : memref<!tpu.dma_semaphore, #tpu.memory_space<semaphore_mem>>) src(%dma_wait3A_32 : memref<80x128xi32, #tpu.memory_space<hbm>>) dst(%arg7 : memref<80x128xi32, #tpu.memory_space<vmem>>)
    %barrier3A = arith.constant 0 : index
    tpu.barrier barrier_id(%barrier3A)
    %dma_start3A_33 = arith.constant 0 : i32
    %dma_start3A_34 = arith.constant 0 : i32
    %dma_start3A_35 = tpu.memref_slice %arg6[%dma_start3A_33, %dma_start3A_34] : memref<80x128xi32, #tpu.memory_space<vmem>> -> memref<1x128xi32, #tpu.memory_space<vmem>>
    %dma_start3A_36 = tpu.memref_squeeze %dma_start3A_35 : memref<1x128xi32, #tpu.memory_space<vmem>> -> memref<128xi32, #tpu.memory_space<vmem>>
    %dma_start3A_37 = arith.constant 0 : i32
    %dma_start3A_38 = arith.constant 0 : i32
    %dma_start3A_39 = tpu.memref_slice %arg2[%dma_start3A_37, %dma_start3A_38] : memref<10112x32xf32, #tpu.memory_space<hbm>> -> memref<10112x32xf32, #tpu.memory_space<hbm>>
    tpu.enqueue_indirect_dma source(%dma_start3A_39 : memref<10112x32xf32, #tpu.memory_space<hbm>>) target(%arg8 : memref<128x32xf32, #tpu.memory_space<vmem>>) offsets(%dma_start3A_36 : memref<128xi32, #tpu.memory_space<vmem>>) semaphore(%arg16 : memref<!tpu.dma_semaphore, #tpu.memory_space<semaphore_mem>>)
    %dma_start3A_40 = arith.constant 1 : i32
    %dma_start3A_41 = arith.constant 0 : i32
    %dma_start3A_42 = tpu.memref_slice %arg6[%dma_start3A_40, %dma_start3A_41] : memref<80x128xi32, #tpu.memory_space<vmem>> -> memref<1x128xi32, #tpu.memory_space<vmem>>
    %dma_start3A_43 = tpu.memref_squeeze %dma_start3A_42 : memref<1x128xi32, #tpu.memory_space<vmem>> -> memref<128xi32, #tpu.memory_space<vmem>>
    %dma_start3A_44 = arith.constant 0 : i32
    %dma_start3A_45 = arith.constant 0 : i32
    %dma_start3A_46 = tpu.memref_slice %arg2[%dma_start3A_44, %dma_start3A_45] : memref<10112x32xf32, #tpu.memory_space<hbm>> -> memref<10112x32xf32, #tpu.memory_space<hbm>>
    tpu.enqueue_indirect_dma source(%dma_start3A_46 : memref<10112x32xf32, #tpu.memory_space<hbm>>) target(%arg9 : memref<128x32xf32, #tpu.memory_space<vmem>>) offsets(%dma_start3A_43 : memref<128xi32, #tpu.memory_space<vmem>>) semaphore(%arg17 : memref<!tpu.dma_semaphore, #tpu.memory_space<semaphore_mem>>)
    %dma_start3A_47 = arith.constant 2 : i32
    %dma_start3A_48 = arith.constant 0 : i32
    %dma_start3A_49 = tpu.memref_slice %arg6[%dma_start3A_47, %dma_start3A_48] : memref<80x128xi32, #tpu.memory_space<vmem>> -> memref<1x128xi32, #tpu.memory_space<vmem>>
    %dma_start3A_50 = tpu.memref_squeeze %dma_start3A_49 : memref<1x128xi32, #tpu.memory_space<vmem>> -> memref<128xi32, #tpu.memory_space<vmem>>
    %dma_start3A_51 = arith.constant 0 : i32
    %dma_start3A_52 = arith.constant 0 : i32
    %dma_start3A_53 = tpu.memref_slice %arg2[%dma_start3A_51, %dma_start3A_52] : memref<10112x32xf32, #tpu.memory_space<hbm>> -> memref<10112x32xf32, #tpu.memory_space<hbm>>
    tpu.enqueue_indirect_dma source(%dma_start3A_53 : memref<10112x32xf32, #tpu.memory_space<hbm>>) target(%arg10 : memref<128x32xf32, #tpu.memory_space<vmem>>) offsets(%dma_start3A_50 : memref<128xi32, #tpu.memory_space<vmem>>) semaphore(%arg18 : memref<!tpu.dma_semaphore, #tpu.memory_space<semaphore_mem>>)
    %dma_start3A_54 = arith.constant 3 : i32
    %dma_start3A_55 = arith.constant 0 : i32
    %dma_start3A_56 = tpu.memref_slice %arg6[%dma_start3A_54, %dma_start3A_55] : memref<80x128xi32, #tpu.memory_space<vmem>> -> memref<1x128xi32, #tpu.memory_space<vmem>>
    %dma_start3A_57 = tpu.memref_squeeze %dma_start3A_56 : memref<1x128xi32, #tpu.memory_space<vmem>> -> memref<128xi32, #tpu.memory_space<vmem>>
    %dma_start3A_58 = arith.constant 0 : i32
    %dma_start3A_59 = arith.constant 0 : i32
    %dma_start3A_60 = tpu.memref_slice %arg2[%dma_start3A_58, %dma_start3A_59] : memref<10112x32xf32, #tpu.memory_space<hbm>> -> memref<10112x32xf32, #tpu.memory_space<hbm>>
    tpu.enqueue_indirect_dma source(%dma_start3A_60 : memref<10112x32xf32, #tpu.memory_space<hbm>>) target(%arg11 : memref<128x32xf32, #tpu.memory_space<vmem>>) offsets(%dma_start3A_57 : memref<128xi32, #tpu.memory_space<vmem>>) semaphore(%arg19 : memref<!tpu.dma_semaphore, #tpu.memory_space<semaphore_mem>>)
    %dma_start3A_61 = arith.constant 4 : i32
    %dma_start3A_62 = arith.constant 0 : i32
    %dma_start3A_63 = tpu.memref_slice %arg6[%dma_start3A_61, %dma_start3A_62] : memref<80x128xi32, #tpu.memory_space<vmem>> -> memref<1x128xi32, #tpu.memory_space<vmem>>
    %dma_start3A_64 = tpu.memref_squeeze %dma_start3A_63 : memref<1x128xi32, #tpu.memory_space<vmem>> -> memref<128xi32, #tpu.memory_space<vmem>>
    %dma_start3A_65 = arith.constant 0 : i32
    %dma_start3A_66 = arith.constant 0 : i32
    %dma_start3A_67 = tpu.memref_slice %arg2[%dma_start3A_65, %dma_start3A_66] : memref<10112x32xf32, #tpu.memory_space<hbm>> -> memref<10112x32xf32, #tpu.memory_space<hbm>>
    tpu.enqueue_indirect_dma source(%dma_start3A_67 : memref<10112x32xf32, #tpu.memory_space<hbm>>) target(%arg12 : memref<128x32xf32, #tpu.memory_space<vmem>>) offsets(%dma_start3A_64 : memref<128xi32, #tpu.memory_space<vmem>>) semaphore(%arg20 : memref<!tpu.dma_semaphore, #tpu.memory_space<semaphore_mem>>)
    %dma_start3A_68 = arith.constant 5 : i32
    %dma_start3A_69 = arith.constant 0 : i32
    %dma_start3A_70 = tpu.memref_slice %arg6[%dma_start3A_68, %dma_start3A_69] : memref<80x128xi32, #tpu.memory_space<vmem>> -> memref<1x128xi32, #tpu.memory_space<vmem>>
    %dma_start3A_71 = tpu.memref_squeeze %dma_start3A_70 : memref<1x128xi32, #tpu.memory_space<vmem>> -> memref<128xi32, #tpu.memory_space<vmem>>
    %dma_start3A_72 = arith.constant 0 : i32
    %dma_start3A_73 = arith.constant 0 : i32
    %dma_start3A_74 = tpu.memref_slice %arg2[%dma_start3A_72, %dma_start3A_73] : memref<10112x32xf32, #tpu.memory_space<hbm>> -> memref<10112x32xf32, #tpu.memory_space<hbm>>
    tpu.enqueue_indirect_dma source(%dma_start3A_74 : memref<10112x32xf32, #tpu.memory_space<hbm>>) target(%arg13 : memref<128x32xf32, #tpu.memory_space<vmem>>) offsets(%dma_start3A_71 : memref<128xi32, #tpu.memory_space<vmem>>) semaphore(%arg21 : memref<!tpu.dma_semaphore, #tpu.memory_space<semaphore_mem>>)
    %dma_start3A_75 = arith.constant 6 : i32
    %dma_start3A_76 = arith.constant 0 : i32
    %dma_start3A_77 = tpu.memref_slice %arg6[%dma_start3A_75, %dma_start3A_76] : memref<80x128xi32, #tpu.memory_space<vmem>> -> memref<1x128xi32, #tpu.memory_space<vmem>>
    %dma_start3A_78 = tpu.memref_squeeze %dma_start3A_77 : memref<1x128xi32, #tpu.memory_space<vmem>> -> memref<128xi32, #tpu.memory_space<vmem>>
    %dma_start3A_79 = arith.constant 0 : i32
    %dma_start3A_80 = arith.constant 0 : i32
    %dma_start3A_81 = tpu.memref_slice %arg2[%dma_start3A_79, %dma_start3A_80] : memref<10112x32xf32, #tpu.memory_space<hbm>> -> memref<10112x32xf32, #tpu.memory_space<hbm>>
    tpu.enqueue_indirect_dma source(%dma_start3A_81 : memref<10112x32xf32, #tpu.memory_space<hbm>>) target(%arg14 : memref<128x32xf32, #tpu.memory_space<vmem>>) offsets(%dma_start3A_78 : memref<128xi32, #tpu.memory_space<vmem>>) semaphore(%arg22 : memref<!tpu.dma_semaphore, #tpu.memory_space<semaphore_mem>>)
    %dma_start3A_82 = arith.constant 7 : i32
    %dma_start3A_83 = arith.constant 0 : i32
    %dma_start3A_84 = tpu.memref_slice %arg6[%dma_start3A_82, %dma_start3A_83] : memref<80x128xi32, #tpu.memory_space<vmem>> -> memref<1x128xi32, #tpu.memory_space<vmem>>
    %dma_start3A_85 = tpu.memref_squeeze %dma_start3A_84 : memref<1x128xi32, #tpu.memory_space<vmem>> -> memref<128xi32, #tpu.memory_space<vmem>>
    %dma_start3A_86 = arith.constant 0 : i32
    %dma_start3A_87 = arith.constant 0 : i32
    %dma_start3A_88 = tpu.memref_slice %arg2[%dma_start3A_86, %dma_start3A_87] : memref<10112x32xf32, #tpu.memory_space<hbm>> -> memref<10112x32xf32, #tpu.memory_space<hbm>>
    tpu.enqueue_indirect_dma source(%dma_start3A_88 : memref<10112x32xf32, #tpu.memory_space<hbm>>) target(%arg15 : memref<128x32xf32, #tpu.memory_space<vmem>>) offsets(%dma_start3A_85 : memref<128xi32, #tpu.memory_space<vmem>>) semaphore(%arg23 : memref<!tpu.dma_semaphore, #tpu.memory_space<semaphore_mem>>)
    %scan3A_89 = arith.constant 0 : i32
    %scan3A_90 = arith.constant 9 : i32
    %scan3A_91 = arith.addi %scan3A_89, %scan3A_90 : i32
    %scan3A_92 = arith.constant 1 : i32
    scf.for %scan3A_269 = %scan3A_89 to %scan3A_91 step %scan3A_92  : i32 {
      %mul3A_270 = arith.constant 8 : i32
      %mul3A_271 = arith.muli %scan3A_269, %mul3A_270 : i32
      %add3A_272 = arith.constant 0 : i32
      %add3A_273 = arith.addi %add3A_272, %mul3A_271 : i32
      %dma_wait3A_274 = arith.constant 0 : i32
      %dma_wait3A_275 = arith.constant 0 : i32
      %dma_wait3A_276 = tpu.memref_slice %arg6[%dma_wait3A_274, %dma_wait3A_275] : memref<80x128xi32, #tpu.memory_space<vmem>> -> memref<1x128xi32, #tpu.memory_space<vmem>>
      %dma_wait3A_277 = tpu.memref_squeeze %dma_wait3A_276 : memref<1x128xi32, #tpu.memory_space<vmem>> -> memref<128xi32, #tpu.memory_space<vmem>>
      %dma_wait3A_278 = arith.constant 0 : i32
      %dma_wait3A_279 = arith.constant 0 : i32
      %dma_wait3A_280 = tpu.memref_slice %arg2[%dma_wait3A_278, %dma_wait3A_279] : memref<10112x32xf32, #tpu.memory_space<hbm>> -> memref<10112x32xf32, #tpu.memory_space<hbm>>
      tpu.wait_indirect_dma semaphore(%arg16 : memref<!tpu.dma_semaphore, #tpu.memory_space<semaphore_mem>>) src(%dma_wait3A_280 : memref<10112x32xf32, #tpu.memory_space<hbm>>) dst(%arg8 : memref<128x32xf32, #tpu.memory_space<vmem>>)
      %add3A_281 = arith.constant 0 : i32
      %add3A_282 = arith.addi %add3A_273, %add3A_281 : i32
      %dma_start3A_283 = arith.constant 0 : i32
      %dma_start3A_284 = tpu.memref_slice %arg7[%add3A_282, %dma_start3A_283] : memref<80x128xi32, #tpu.memory_space<vmem>> -> memref<1x128xi32, #tpu.memory_space<vmem>>
      %dma_start3A_285 = tpu.memref_squeeze %dma_start3A_284 : memref<1x128xi32, #tpu.memory_space<vmem>> -> memref<128xi32, #tpu.memory_space<vmem>>
      %dma_start3A_286 = arith.constant 0 : i32
      %dma_start3A_287 = arith.constant 0 : i32
      %dma_start3A_288 = tpu.memref_slice %arg33[%dma_start3A_286, %dma_start3A_287] : memref<10112x32xf32, #tpu.memory_space<vmem_shared>> -> memref<10112x32xf32, #tpu.memory_space<vmem_shared>>
      tpu.enqueue_indirect_dma source(%arg8 : memref<128x32xf32, #tpu.memory_space<vmem>>) target(%dma_start3A_288 : memref<10112x32xf32, #tpu.memory_space<vmem_shared>>) offsets(%dma_start3A_285 : memref<128xi32, #tpu.memory_space<vmem>>) semaphore(%arg24 : memref<!tpu.dma_semaphore, #tpu.memory_space<semaphore_mem>>) {add = true}
      %dma_wait3A_289 = arith.constant 0 : i32
      %dma_wait3A_290 = arith.constant 0 : i32
      %dma_wait3A_291 = tpu.memref_slice %arg6[%dma_wait3A_289, %dma_wait3A_290] : memref<80x128xi32, #tpu.memory_space<vmem>> -> memref<1x128xi32, #tpu.memory_space<vmem>>
      %dma_wait3A_292 = tpu.memref_squeeze %dma_wait3A_291 : memref<1x128xi32, #tpu.memory_space<vmem>> -> memref<128xi32, #tpu.memory_space<vmem>>
      %dma_wait3A_293 = arith.constant 0 : i32
      %dma_wait3A_294 = arith.constant 0 : i32
      %dma_wait3A_295 = tpu.memref_slice %arg2[%dma_wait3A_293, %dma_wait3A_294] : memref<10112x32xf32, #tpu.memory_space<hbm>> -> memref<10112x32xf32, #tpu.memory_space<hbm>>
      tpu.wait_indirect_dma semaphore(%arg17 : memref<!tpu.dma_semaphore, #tpu.memory_space<semaphore_mem>>) src(%dma_wait3A_295 : memref<10112x32xf32, #tpu.memory_space<hbm>>) dst(%arg9 : memref<128x32xf32, #tpu.memory_space<vmem>>)
      %add3A_296 = arith.constant 1 : i32
      %add3A_297 = arith.addi %add3A_273, %add3A_296 : i32
      %dma_start3A_298 = arith.constant 0 : i32
      %dma_start3A_299 = tpu.memref_slice %arg7[%add3A_297, %dma_start3A_298] : memref<80x128xi32, #tpu.memory_space<vmem>> -> memref<1x128xi32, #tpu.memory_space<vmem>>
      %dma_start3A_300 = tpu.memref_squeeze %dma_start3A_299 : memref<1x128xi32, #tpu.memory_space<vmem>> -> memref<128xi32, #tpu.memory_space<vmem>>
      %dma_start3A_301 = arith.constant 0 : i32
      %dma_start3A_302 = arith.constant 0 : i32
      %dma_start3A_303 = tpu.memref_slice %arg33[%dma_start3A_301, %dma_start3A_302] : memref<10112x32xf32, #tpu.memory_space<vmem_shared>> -> memref<10112x32xf32, #tpu.memory_space<vmem_shared>>
      tpu.enqueue_indirect_dma source(%arg9 : memref<128x32xf32, #tpu.memory_space<vmem>>) target(%dma_start3A_303 : memref<10112x32xf32, #tpu.memory_space<vmem_shared>>) offsets(%dma_start3A_300 : memref<128xi32, #tpu.memory_space<vmem>>) semaphore(%arg25 : memref<!tpu.dma_semaphore, #tpu.memory_space<semaphore_mem>>) {add = true}
      %dma_wait3A_304 = arith.constant 0 : i32
      %dma_wait3A_305 = arith.constant 0 : i32
      %dma_wait3A_306 = tpu.memref_slice %arg6[%dma_wait3A_304, %dma_wait3A_305] : memref<80x128xi32, #tpu.memory_space<vmem>> -> memref<1x128xi32, #tpu.memory_space<vmem>>
      %dma_wait3A_307 = tpu.memref_squeeze %dma_wait3A_306 : memref<1x128xi32, #tpu.memory_space<vmem>> -> memref<128xi32, #tpu.memory_space<vmem>>
      %dma_wait3A_308 = arith.constant 0 : i32
      %dma_wait3A_309 = arith.constant 0 : i32
      %dma_wait3A_310 = tpu.memref_slice %arg2[%dma_wait3A_308, %dma_wait3A_309] : memref<10112x32xf32, #tpu.memory_space<hbm>> -> memref<10112x32xf32, #tpu.memory_space<hbm>>
      tpu.wait_indirect_dma semaphore(%arg18 : memref<!tpu.dma_semaphore, #tpu.memory_space<semaphore_mem>>) src(%dma_wait3A_310 : memref<10112x32xf32, #tpu.memory_space<hbm>>) dst(%arg10 : memref<128x32xf32, #tpu.memory_space<vmem>>)
      %add3A_311 = arith.constant 2 : i32
      %add3A_312 = arith.addi %add3A_273, %add3A_311 : i32
      %dma_start3A_313 = arith.constant 0 : i32
      %dma_start3A_314 = tpu.memref_slice %arg7[%add3A_312, %dma_start3A_313] : memref<80x128xi32, #tpu.memory_space<vmem>> -> memref<1x128xi32, #tpu.memory_space<vmem>>
      %dma_start3A_315 = tpu.memref_squeeze %dma_start3A_314 : memref<1x128xi32, #tpu.memory_space<vmem>> -> memref<128xi32, #tpu.memory_space<vmem>>
      %dma_start3A_316 = arith.constant 0 : i32
      %dma_start3A_317 = arith.constant 0 : i32
      %dma_start3A_318 = tpu.memref_slice %arg33[%dma_start3A_316, %dma_start3A_317] : memref<10112x32xf32, #tpu.memory_space<vmem_shared>> -> memref<10112x32xf32, #tpu.memory_space<vmem_shared>>
      tpu.enqueue_indirect_dma source(%arg10 : memref<128x32xf32, #tpu.memory_space<vmem>>) target(%dma_start3A_318 : memref<10112x32xf32, #tpu.memory_space<vmem_shared>>) offsets(%dma_start3A_315 : memref<128xi32, #tpu.memory_space<vmem>>) semaphore(%arg26 : memref<!tpu.dma_semaphore, #tpu.memory_space<semaphore_mem>>) {add = true}
      %dma_wait3A_319 = arith.constant 0 : i32
      %dma_wait3A_320 = arith.constant 0 : i32
      %dma_wait3A_321 = tpu.memref_slice %arg6[%dma_wait3A_319, %dma_wait3A_320] : memref<80x128xi32, #tpu.memory_space<vmem>> -> memref<1x128xi32, #tpu.memory_space<vmem>>
      %dma_wait3A_322 = tpu.memref_squeeze %dma_wait3A_321 : memref<1x128xi32, #tpu.memory_space<vmem>> -> memref<128xi32, #tpu.memory_space<vmem>>
      %dma_wait3A_323 = arith.constant 0 : i32
      %dma_wait3A_324 = arith.constant 0 : i32
      %dma_wait3A_325 = tpu.memref_slice %arg2[%dma_wait3A_323, %dma_wait3A_324] : memref<10112x32xf32, #tpu.memory_space<hbm>> -> memref<10112x32xf32, #tpu.memory_space<hbm>>
      tpu.wait_indirect_dma semaphore(%arg19 : memref<!tpu.dma_semaphore, #tpu.memory_space<semaphore_mem>>) src(%dma_wait3A_325 : memref<10112x32xf32, #tpu.memory_space<hbm>>) dst(%arg11 : memref<128x32xf32, #tpu.memory_space<vmem>>)
      %add3A_326 = arith.constant 3 : i32
      %add3A_327 = arith.addi %add3A_273, %add3A_326 : i32
      %dma_start3A_328 = arith.constant 0 : i32
      %dma_start3A_329 = tpu.memref_slice %arg7[%add3A_327, %dma_start3A_328] : memref<80x128xi32, #tpu.memory_space<vmem>> -> memref<1x128xi32, #tpu.memory_space<vmem>>
      %dma_start3A_330 = tpu.memref_squeeze %dma_start3A_329 : memref<1x128xi32, #tpu.memory_space<vmem>> -> memref<128xi32, #tpu.memory_space<vmem>>
      %dma_start3A_331 = arith.constant 0 : i32
      %dma_start3A_332 = arith.constant 0 : i32
      %dma_start3A_333 = tpu.memref_slice %arg33[%dma_start3A_331, %dma_start3A_332] : memref<10112x32xf32, #tpu.memory_space<vmem_shared>> -> memref<10112x32xf32, #tpu.memory_space<vmem_shared>>
      tpu.enqueue_indirect_dma source(%arg11 : memref<128x32xf32, #tpu.memory_space<vmem>>) target(%dma_start3A_333 : memref<10112x32xf32, #tpu.memory_space<vmem_shared>>) offsets(%dma_start3A_330 : memref<128xi32, #tpu.memory_space<vmem>>) semaphore(%arg27 : memref<!tpu.dma_semaphore, #tpu.memory_space<semaphore_mem>>) {add = true}
      %dma_wait3A_334 = arith.constant 0 : i32
      %dma_wait3A_335 = arith.constant 0 : i32
      %dma_wait3A_336 = tpu.memref_slice %arg6[%dma_wait3A_334, %dma_wait3A_335] : memref<80x128xi32, #tpu.memory_space<vmem>> -> memref<1x128xi32, #tpu.memory_space<vmem>>
      %dma_wait3A_337 = tpu.memref_squeeze %dma_wait3A_336 : memref<1x128xi32, #tpu.memory_space<vmem>> -> memref<128xi32, #tpu.memory_space<vmem>>
      %dma_wait3A_338 = arith.constant 0 : i32
      %dma_wait3A_339 = arith.constant 0 : i32
      %dma_wait3A_340 = tpu.memref_slice %arg2[%dma_wait3A_338, %dma_wait3A_339] : memref<10112x32xf32, #tpu.memory_space<hbm>> -> memref<10112x32xf32, #tpu.memory_space<hbm>>
      tpu.wait_indirect_dma semaphore(%arg20 : memref<!tpu.dma_semaphore, #tpu.memory_space<semaphore_mem>>) src(%dma_wait3A_340 : memref<10112x32xf32, #tpu.memory_space<hbm>>) dst(%arg12 : memref<128x32xf32, #tpu.memory_space<vmem>>)
      %add3A_341 = arith.constant 4 : i32
      %add3A_342 = arith.addi %add3A_273, %add3A_341 : i32
      %dma_start3A_343 = arith.constant 0 : i32
      %dma_start3A_344 = tpu.memref_slice %arg7[%add3A_342, %dma_start3A_343] : memref<80x128xi32, #tpu.memory_space<vmem>> -> memref<1x128xi32, #tpu.memory_space<vmem>>
      %dma_start3A_345 = tpu.memref_squeeze %dma_start3A_344 : memref<1x128xi32, #tpu.memory_space<vmem>> -> memref<128xi32, #tpu.memory_space<vmem>>
      %dma_start3A_346 = arith.constant 0 : i32
      %dma_start3A_347 = arith.constant 0 : i32
      %dma_start3A_348 = tpu.memref_slice %arg33[%dma_start3A_346, %dma_start3A_347] : memref<10112x32xf32, #tpu.memory_space<vmem_shared>> -> memref<10112x32xf32, #tpu.memory_space<vmem_shared>>
      tpu.enqueue_indirect_dma source(%arg12 : memref<128x32xf32, #tpu.memory_space<vmem>>) target(%dma_start3A_348 : memref<10112x32xf32, #tpu.memory_space<vmem_shared>>) offsets(%dma_start3A_345 : memref<128xi32, #tpu.memory_space<vmem>>) semaphore(%arg28 : memref<!tpu.dma_semaphore, #tpu.memory_space<semaphore_mem>>) {add = true}
      %dma_wait3A_349 = arith.constant 0 : i32
      %dma_wait3A_350 = arith.constant 0 : i32
      %dma_wait3A_351 = tpu.memref_slice %arg6[%dma_wait3A_349, %dma_wait3A_350] : memref<80x128xi32, #tpu.memory_space<vmem>> -> memref<1x128xi32, #tpu.memory_space<vmem>>
      %dma_wait3A_352 = tpu.memref_squeeze %dma_wait3A_351 : memref<1x128xi32, #tpu.memory_space<vmem>> -> memref<128xi32, #tpu.memory_space<vmem>>
      %dma_wait3A_353 = arith.constant 0 : i32
      %dma_wait3A_354 = arith.constant 0 : i32
      %dma_wait3A_355 = tpu.memref_slice %arg2[%dma_wait3A_353, %dma_wait3A_354] : memref<10112x32xf32, #tpu.memory_space<hbm>> -> memref<10112x32xf32, #tpu.memory_space<hbm>>
      tpu.wait_indirect_dma semaphore(%arg21 : memref<!tpu.dma_semaphore, #tpu.memory_space<semaphore_mem>>) src(%dma_wait3A_355 : memref<10112x32xf32, #tpu.memory_space<hbm>>) dst(%arg13 : memref<128x32xf32, #tpu.memory_space<vmem>>)
      %add3A_356 = arith.constant 5 : i32
      %add3A_357 = arith.addi %add3A_273, %add3A_356 : i32
      %dma_start3A_358 = arith.constant 0 : i32
      %dma_start3A_359 = tpu.memref_slice %arg7[%add3A_357, %dma_start3A_358] : memref<80x128xi32, #tpu.memory_space<vmem>> -> memref<1x128xi32, #tpu.memory_space<vmem>>
      %dma_start3A_360 = tpu.memref_squeeze %dma_start3A_359 : memref<1x128xi32, #tpu.memory_space<vmem>> -> memref<128xi32, #tpu.memory_space<vmem>>
      %dma_start3A_361 = arith.constant 0 : i32
      %dma_start3A_362 = arith.constant 0 : i32
      %dma_start3A_363 = tpu.memref_slice %arg33[%dma_start3A_361, %dma_start3A_362] : memref<10112x32xf32, #tpu.memory_space<vmem_shared>> -> memref<10112x32xf32, #tpu.memory_space<vmem_shared>>
      tpu.enqueue_indirect_dma source(%arg13 : memref<128x32xf32, #tpu.memory_space<vmem>>) target(%dma_start3A_363 : memref<10112x32xf32, #tpu.memory_space<vmem_shared>>) offsets(%dma_start3A_360 : memref<128xi32, #tpu.memory_space<vmem>>) semaphore(%arg29 : memref<!tpu.dma_semaphore, #tpu.memory_space<semaphore_mem>>) {add = true}
      %dma_wait3A_364 = arith.constant 0 : i32
      %dma_wait3A_365 = arith.constant 0 : i32
      %dma_wait3A_366 = tpu.memref_slice %arg6[%dma_wait3A_364, %dma_wait3A_365] : memref<80x128xi32, #tpu.memory_space<vmem>> -> memref<1x128xi32, #tpu.memory_space<vmem>>
      %dma_wait3A_367 = tpu.memref_squeeze %dma_wait3A_366 : memref<1x128xi32, #tpu.memory_space<vmem>> -> memref<128xi32, #tpu.memory_space<vmem>>
      %dma_wait3A_368 = arith.constant 0 : i32
      %dma_wait3A_369 = arith.constant 0 : i32
      %dma_wait3A_370 = tpu.memref_slice %arg2[%dma_wait3A_368, %dma_wait3A_369] : memref<10112x32xf32, #tpu.memory_space<hbm>> -> memref<10112x32xf32, #tpu.memory_space<hbm>>
      tpu.wait_indirect_dma semaphore(%arg22 : memref<!tpu.dma_semaphore, #tpu.memory_space<semaphore_mem>>) src(%dma_wait3A_370 : memref<10112x32xf32, #tpu.memory_space<hbm>>) dst(%arg14 : memref<128x32xf32, #tpu.memory_space<vmem>>)
      %add3A_371 = arith.constant 6 : i32
      %add3A_372 = arith.addi %add3A_273, %add3A_371 : i32
      %dma_start3A_373 = arith.constant 0 : i32
      %dma_start3A_374 = tpu.memref_slice %arg7[%add3A_372, %dma_start3A_373] : memref<80x128xi32, #tpu.memory_space<vmem>> -> memref<1x128xi32, #tpu.memory_space<vmem>>
      %dma_start3A_375 = tpu.memref_squeeze %dma_start3A_374 : memref<1x128xi32, #tpu.memory_space<vmem>> -> memref<128xi32, #tpu.memory_space<vmem>>
      %dma_start3A_376 = arith.constant 0 : i32
      %dma_start3A_377 = arith.constant 0 : i32
      %dma_start3A_378 = tpu.memref_slice %arg33[%dma_start3A_376, %dma_start3A_377] : memref<10112x32xf32, #tpu.memory_space<vmem_shared>> -> memref<10112x32xf32, #tpu.memory_space<vmem_shared>>
      tpu.enqueue_indirect_dma source(%arg14 : memref<128x32xf32, #tpu.memory_space<vmem>>) target(%dma_start3A_378 : memref<10112x32xf32, #tpu.memory_space<vmem_shared>>) offsets(%dma_start3A_375 : memref<128xi32, #tpu.memory_space<vmem>>) semaphore(%arg30 : memref<!tpu.dma_semaphore, #tpu.memory_space<semaphore_mem>>) {add = true}
      %dma_wait3A_379 = arith.constant 0 : i32
      %dma_wait3A_380 = arith.constant 0 : i32
      %dma_wait3A_381 = tpu.memref_slice %arg6[%dma_wait3A_379, %dma_wait3A_380] : memref<80x128xi32, #tpu.memory_space<vmem>> -> memref<1x128xi32, #tpu.memory_space<vmem>>
      %dma_wait3A_382 = tpu.memref_squeeze %dma_wait3A_381 : memref<1x128xi32, #tpu.memory_space<vmem>> -> memref<128xi32, #tpu.memory_space<vmem>>
      %dma_wait3A_383 = arith.constant 0 : i32
      %dma_wait3A_384 = arith.constant 0 : i32
      %dma_wait3A_385 = tpu.memref_slice %arg2[%dma_wait3A_383, %dma_wait3A_384] : memref<10112x32xf32, #tpu.memory_space<hbm>> -> memref<10112x32xf32, #tpu.memory_space<hbm>>
      tpu.wait_indirect_dma semaphore(%arg23 : memref<!tpu.dma_semaphore, #tpu.memory_space<semaphore_mem>>) src(%dma_wait3A_385 : memref<10112x32xf32, #tpu.memory_space<hbm>>) dst(%arg15 : memref<128x32xf32, #tpu.memory_space<vmem>>)
      %add3A_386 = arith.constant 7 : i32
      %add3A_387 = arith.addi %add3A_273, %add3A_386 : i32
      %dma_start3A_388 = arith.constant 0 : i32
      %dma_start3A_389 = tpu.memref_slice %arg7[%add3A_387, %dma_start3A_388] : memref<80x128xi32, #tpu.memory_space<vmem>> -> memref<1x128xi32, #tpu.memory_space<vmem>>
      %dma_start3A_390 = tpu.memref_squeeze %dma_start3A_389 : memref<1x128xi32, #tpu.memory_space<vmem>> -> memref<128xi32, #tpu.memory_space<vmem>>
      %dma_start3A_391 = arith.constant 0 : i32
      %dma_start3A_392 = arith.constant 0 : i32
      %dma_start3A_393 = tpu.memref_slice %arg33[%dma_start3A_391, %dma_start3A_392] : memref<10112x32xf32, #tpu.memory_space<vmem_shared>> -> memref<10112x32xf32, #tpu.memory_space<vmem_shared>>
      tpu.enqueue_indirect_dma source(%arg15 : memref<128x32xf32, #tpu.memory_space<vmem>>) target(%dma_start3A_393 : memref<10112x32xf32, #tpu.memory_space<vmem_shared>>) offsets(%dma_start3A_390 : memref<128xi32, #tpu.memory_space<vmem>>) semaphore(%arg31 : memref<!tpu.dma_semaphore, #tpu.memory_space<semaphore_mem>>) {add = true}
      %dma_wait3A_394 = arith.constant 0 : i32
      %dma_wait3A_395 = arith.constant 0 : i32
      %dma_wait3A_396 = tpu.memref_slice %arg7[%dma_wait3A_394, %dma_wait3A_395] : memref<80x128xi32, #tpu.memory_space<vmem>> -> memref<1x128xi32, #tpu.memory_space<vmem>>
      %dma_wait3A_397 = tpu.memref_squeeze %dma_wait3A_396 : memref<1x128xi32, #tpu.memory_space<vmem>> -> memref<128xi32, #tpu.memory_space<vmem>>
      %dma_wait3A_398 = arith.constant 0 : i32
      %dma_wait3A_399 = arith.constant 0 : i32
      %dma_wait3A_400 = tpu.memref_slice %arg33[%dma_wait3A_398, %dma_wait3A_399] : memref<10112x32xf32, #tpu.memory_space<vmem_shared>> -> memref<10112x32xf32, #tpu.memory_space<vmem_shared>>
      tpu.wait_indirect_dma semaphore(%arg24 : memref<!tpu.dma_semaphore, #tpu.memory_space<semaphore_mem>>) src(%arg8 : memref<128x32xf32, #tpu.memory_space<vmem>>) dst(%dma_wait3A_400 : memref<10112x32xf32, #tpu.memory_space<vmem_shared>>)
      %add3A_401 = arith.constant 8 : i32
      %add3A_402 = arith.addi %add3A_273, %add3A_401 : i32
      %add3A_403 = arith.constant 0 : i32
      %add3A_404 = arith.addi %add3A_402, %add3A_403 : i32
      %dma_start3A_405 = arith.constant 0 : i32
      %dma_start3A_406 = tpu.memref_slice %arg6[%add3A_404, %dma_start3A_405] : memref<80x128xi32, #tpu.memory_space<vmem>> -> memref<1x128xi32, #tpu.memory_space<vmem>>
      %dma_start3A_407 = tpu.memref_squeeze %dma_start3A_406 : memref<1x128xi32, #tpu.memory_space<vmem>> -> memref<128xi32, #tpu.memory_space<vmem>>
      %dma_start3A_408 = arith.constant 0 : i32
      %dma_start3A_409 = arith.constant 0 : i32
      %dma_start3A_410 = tpu.memref_slice %arg2[%dma_start3A_408, %dma_start3A_409] : memref<10112x32xf32, #tpu.memory_space<hbm>> -> memref<10112x32xf32, #tpu.memory_space<hbm>>
      tpu.enqueue_indirect_dma source(%dma_start3A_410 : memref<10112x32xf32, #tpu.memory_space<hbm>>) target(%arg8 : memref<128x32xf32, #tpu.memory_space<vmem>>) offsets(%dma_start3A_407 : memref<128xi32, #tpu.memory_space<vmem>>) semaphore(%arg16 : memref<!tpu.dma_semaphore, #tpu.memory_space<semaphore_mem>>)
      %dma_wait3A_411 = arith.constant 0 : i32
      %dma_wait3A_412 = arith.constant 0 : i32
      %dma_wait3A_413 = tpu.memref_slice %arg7[%dma_wait3A_411, %dma_wait3A_412] : memref<80x128xi32, #tpu.memory_space<vmem>> -> memref<1x128xi32, #tpu.memory_space<vmem>>
      %dma_wait3A_414 = tpu.memref_squeeze %dma_wait3A_413 : memref<1x128xi32, #tpu.memory_space<vmem>> -> memref<128xi32, #tpu.memory_space<vmem>>
      %dma_wait3A_415 = arith.constant 0 : i32
      %dma_wait3A_416 = arith.constant 0 : i32
      %dma_wait3A_417 = tpu.memref_slice %arg33[%dma_wait3A_415, %dma_wait3A_416] : memref<10112x32xf32, #tpu.memory_space<vmem_shared>> -> memref<10112x32xf32, #tpu.memory_space<vmem_shared>>
      tpu.wait_indirect_dma semaphore(%arg25 : memref<!tpu.dma_semaphore, #tpu.memory_space<semaphore_mem>>) src(%arg9 : memref<128x32xf32, #tpu.memory_space<vmem>>) dst(%dma_wait3A_417 : memref<10112x32xf32, #tpu.memory_space<vmem_shared>>)
      %add3A_418 = arith.constant 8 : i32
      %add3A_419 = arith.addi %add3A_273, %add3A_418 : i32
      %add3A_420 = arith.constant 1 : i32
      %add3A_421 = arith.addi %add3A_419, %add3A_420 : i32
      %dma_start3A_422 = arith.constant 0 : i32
      %dma_start3A_423 = tpu.memref_slice %arg6[%add3A_421, %dma_start3A_422] : memref<80x128xi32, #tpu.memory_space<vmem>> -> memref<1x128xi32, #tpu.memory_space<vmem>>
      %dma_start3A_424 = tpu.memref_squeeze %dma_start3A_423 : memref<1x128xi32, #tpu.memory_space<vmem>> -> memref<128xi32, #tpu.memory_space<vmem>>
      %dma_start3A_425 = arith.constant 0 : i32
      %dma_start3A_426 = arith.constant 0 : i32
      %dma_start3A_427 = tpu.memref_slice %arg2[%dma_start3A_425, %dma_start3A_426] : memref<10112x32xf32, #tpu.memory_space<hbm>> -> memref<10112x32xf32, #tpu.memory_space<hbm>>
      tpu.enqueue_indirect_dma source(%dma_start3A_427 : memref<10112x32xf32, #tpu.memory_space<hbm>>) target(%arg9 : memref<128x32xf32, #tpu.memory_space<vmem>>) offsets(%dma_start3A_424 : memref<128xi32, #tpu.memory_space<vmem>>) semaphore(%arg17 : memref<!tpu.dma_semaphore, #tpu.memory_space<semaphore_mem>>)
      %dma_wait3A_428 = arith.constant 0 : i32
      %dma_wait3A_429 = arith.constant 0 : i32
      %dma_wait3A_430 = tpu.memref_slice %arg7[%dma_wait3A_428, %dma_wait3A_429] : memref<80x128xi32, #tpu.memory_space<vmem>> -> memref<1x128xi32, #tpu.memory_space<vmem>>
      %dma_wait3A_431 = tpu.memref_squeeze %dma_wait3A_430 : memref<1x128xi32, #tpu.memory_space<vmem>> -> memref<128xi32, #tpu.memory_space<vmem>>
      %dma_wait3A_432 = arith.constant 0 : i32
      %dma_wait3A_433 = arith.constant 0 : i32
      %dma_wait3A_434 = tpu.memref_slice %arg33[%dma_wait3A_432, %dma_wait3A_433] : memref<10112x32xf32, #tpu.memory_space<vmem_shared>> -> memref<10112x32xf32, #tpu.memory_space<vmem_shared>>
      tpu.wait_indirect_dma semaphore(%arg26 : memref<!tpu.dma_semaphore, #tpu.memory_space<semaphore_mem>>) src(%arg10 : memref<128x32xf32, #tpu.memory_space<vmem>>) dst(%dma_wait3A_434 : memref<10112x32xf32, #tpu.memory_space<vmem_shared>>)
      %add3A_435 = arith.constant 8 : i32
      %add3A_436 = arith.addi %add3A_273, %add3A_435 : i32
      %add3A_437 = arith.constant 2 : i32
      %add3A_438 = arith.addi %add3A_436, %add3A_437 : i32
      %dma_start3A_439 = arith.constant 0 : i32
      %dma_start3A_440 = tpu.memref_slice %arg6[%add3A_438, %dma_start3A_439] : memref<80x128xi32, #tpu.memory_space<vmem>> -> memref<1x128xi32, #tpu.memory_space<vmem>>
      %dma_start3A_441 = tpu.memref_squeeze %dma_start3A_440 : memref<1x128xi32, #tpu.memory_space<vmem>> -> memref<128xi32, #tpu.memory_space<vmem>>
      %dma_start3A_442 = arith.constant 0 : i32
      %dma_start3A_443 = arith.constant 0 : i32
      %dma_start3A_444 = tpu.memref_slice %arg2[%dma_start3A_442, %dma_start3A_443] : memref<10112x32xf32, #tpu.memory_space<hbm>> -> memref<10112x32xf32, #tpu.memory_space<hbm>>
      tpu.enqueue_indirect_dma source(%dma_start3A_444 : memref<10112x32xf32, #tpu.memory_space<hbm>>) target(%arg10 : memref<128x32xf32, #tpu.memory_space<vmem>>) offsets(%dma_start3A_441 : memref<128xi32, #tpu.memory_space<vmem>>) semaphore(%arg18 : memref<!tpu.dma_semaphore, #tpu.memory_space<semaphore_mem>>)
      %dma_wait3A_445 = arith.constant 0 : i32
      %dma_wait3A_446 = arith.constant 0 : i32
      %dma_wait3A_447 = tpu.memref_slice %arg7[%dma_wait3A_445, %dma_wait3A_446] : memref<80x128xi32, #tpu.memory_space<vmem>> -> memref<1x128xi32, #tpu.memory_space<vmem>>
      %dma_wait3A_448 = tpu.memref_squeeze %dma_wait3A_447 : memref<1x128xi32, #tpu.memory_space<vmem>> -> memref<128xi32, #tpu.memory_space<vmem>>
      %dma_wait3A_449 = arith.constant 0 : i32
      %dma_wait3A_450 = arith.constant 0 : i32
      %dma_wait3A_451 = tpu.memref_slice %arg33[%dma_wait3A_449, %dma_wait3A_450] : memref<10112x32xf32, #tpu.memory_space<vmem_shared>> -> memref<10112x32xf32, #tpu.memory_space<vmem_shared>>
      tpu.wait_indirect_dma semaphore(%arg27 : memref<!tpu.dma_semaphore, #tpu.memory_space<semaphore_mem>>) src(%arg11 : memref<128x32xf32, #tpu.memory_space<vmem>>) dst(%dma_wait3A_451 : memref<10112x32xf32, #tpu.memory_space<vmem_shared>>)
      %add3A_452 = arith.constant 8 : i32
      %add3A_453 = arith.addi %add3A_273, %add3A_452 : i32
      %add3A_454 = arith.constant 3 : i32
      %add3A_455 = arith.addi %add3A_453, %add3A_454 : i32
      %dma_start3A_456 = arith.constant 0 : i32
      %dma_start3A_457 = tpu.memref_slice %arg6[%add3A_455, %dma_start3A_456] : memref<80x128xi32, #tpu.memory_space<vmem>> -> memref<1x128xi32, #tpu.memory_space<vmem>>
      %dma_start3A_458 = tpu.memref_squeeze %dma_start3A_457 : memref<1x128xi32, #tpu.memory_space<vmem>> -> memref<128xi32, #tpu.memory_space<vmem>>
      %dma_start3A_459 = arith.constant 0 : i32
      %dma_start3A_460 = arith.constant 0 : i32
      %dma_start3A_461 = tpu.memref_slice %arg2[%dma_start3A_459, %dma_start3A_460] : memref<10112x32xf32, #tpu.memory_space<hbm>> -> memref<10112x32xf32, #tpu.memory_space<hbm>>
      tpu.enqueue_indirect_dma source(%dma_start3A_461 : memref<10112x32xf32, #tpu.memory_space<hbm>>) target(%arg11 : memref<128x32xf32, #tpu.memory_space<vmem>>) offsets(%dma_start3A_458 : memref<128xi32, #tpu.memory_space<vmem>>) semaphore(%arg19 : memref<!tpu.dma_semaphore, #tpu.memory_space<semaphore_mem>>)
      %dma_wait3A_462 = arith.constant 0 : i32
      %dma_wait3A_463 = arith.constant 0 : i32
      %dma_wait3A_464 = tpu.memref_slice %arg7[%dma_wait3A_462, %dma_wait3A_463] : memref<80x128xi32, #tpu.memory_space<vmem>> -> memref<1x128xi32, #tpu.memory_space<vmem>>
      %dma_wait3A_465 = tpu.memref_squeeze %dma_wait3A_464 : memref<1x128xi32, #tpu.memory_space<vmem>> -> memref<128xi32, #tpu.memory_space<vmem>>
      %dma_wait3A_466 = arith.constant 0 : i32
      %dma_wait3A_467 = arith.constant 0 : i32
      %dma_wait3A_468 = tpu.memref_slice %arg33[%dma_wait3A_466, %dma_wait3A_467] : memref<10112x32xf32, #tpu.memory_space<vmem_shared>> -> memref<10112x32xf32, #tpu.memory_space<vmem_shared>>
      tpu.wait_indirect_dma semaphore(%arg28 : memref<!tpu.dma_semaphore, #tpu.memory_space<semaphore_mem>>) src(%arg12 : memref<128x32xf32, #tpu.memory_space<vmem>>) dst(%dma_wait3A_468 : memref<10112x32xf32, #tpu.memory_space<vmem_shared>>)
      %add3A_469 = arith.constant 8 : i32
      %add3A_470 = arith.addi %add3A_273, %add3A_469 : i32
      %add3A_471 = arith.constant 4 : i32
      %add3A_472 = arith.addi %add3A_470, %add3A_471 : i32
      %dma_start3A_473 = arith.constant 0 : i32
      %dma_start3A_474 = tpu.memref_slice %arg6[%add3A_472, %dma_start3A_473] : memref<80x128xi32, #tpu.memory_space<vmem>> -> memref<1x128xi32, #tpu.memory_space<vmem>>
      %dma_start3A_475 = tpu.memref_squeeze %dma_start3A_474 : memref<1x128xi32, #tpu.memory_space<vmem>> -> memref<128xi32, #tpu.memory_space<vmem>>
      %dma_start3A_476 = arith.constant 0 : i32
      %dma_start3A_477 = arith.constant 0 : i32
      %dma_start3A_478 = tpu.memref_slice %arg2[%dma_start3A_476, %dma_start3A_477] : memref<10112x32xf32, #tpu.memory_space<hbm>> -> memref<10112x32xf32, #tpu.memory_space<hbm>>
      tpu.enqueue_indirect_dma source(%dma_start3A_478 : memref<10112x32xf32, #tpu.memory_space<hbm>>) target(%arg12 : memref<128x32xf32, #tpu.memory_space<vmem>>) offsets(%dma_start3A_475 : memref<128xi32, #tpu.memory_space<vmem>>) semaphore(%arg20 : memref<!tpu.dma_semaphore, #tpu.memory_space<semaphore_mem>>)
      %dma_wait3A_479 = arith.constant 0 : i32
      %dma_wait3A_480 = arith.constant 0 : i32
      %dma_wait3A_481 = tpu.memref_slice %arg7[%dma_wait3A_479, %dma_wait3A_480] : memref<80x128xi32, #tpu.memory_space<vmem>> -> memref<1x128xi32, #tpu.memory_space<vmem>>
      %dma_wait3A_482 = tpu.memref_squeeze %dma_wait3A_481 : memref<1x128xi32, #tpu.memory_space<vmem>> -> memref<128xi32, #tpu.memory_space<vmem>>
      %dma_wait3A_483 = arith.constant 0 : i32
      %dma_wait3A_484 = arith.constant 0 : i32
      %dma_wait3A_485 = tpu.memref_slice %arg33[%dma_wait3A_483, %dma_wait3A_484] : memref<10112x32xf32, #tpu.memory_space<vmem_shared>> -> memref<10112x32xf32, #tpu.memory_space<vmem_shared>>
      tpu.wait_indirect_dma semaphore(%arg29 : memref<!tpu.dma_semaphore, #tpu.memory_space<semaphore_mem>>) src(%arg13 : memref<128x32xf32, #tpu.memory_space<vmem>>) dst(%dma_wait3A_485 : memref<10112x32xf32, #tpu.memory_space<vmem_shared>>)
      %add3A_486 = arith.constant 8 : i32
      %add3A_487 = arith.addi %add3A_273, %add3A_486 : i32
      %add3A_488 = arith.constant 5 : i32
      %add3A_489 = arith.addi %add3A_487, %add3A_488 : i32
      %dma_start3A_490 = arith.constant 0 : i32
      %dma_start3A_491 = tpu.memref_slice %arg6[%add3A_489, %dma_start3A_490] : memref<80x128xi32, #tpu.memory_space<vmem>> -> memref<1x128xi32, #tpu.memory_space<vmem>>
      %dma_start3A_492 = tpu.memref_squeeze %dma_start3A_491 : memref<1x128xi32, #tpu.memory_space<vmem>> -> memref<128xi32, #tpu.memory_space<vmem>>
      %dma_start3A_493 = arith.constant 0 : i32
      %dma_start3A_494 = arith.constant 0 : i32
      %dma_start3A_495 = tpu.memref_slice %arg2[%dma_start3A_493, %dma_start3A_494] : memref<10112x32xf32, #tpu.memory_space<hbm>> -> memref<10112x32xf32, #tpu.memory_space<hbm>>
      tpu.enqueue_indirect_dma source(%dma_start3A_495 : memref<10112x32xf32, #tpu.memory_space<hbm>>) target(%arg13 : memref<128x32xf32, #tpu.memory_space<vmem>>) offsets(%dma_start3A_492 : memref<128xi32, #tpu.memory_space<vmem>>) semaphore(%arg21 : memref<!tpu.dma_semaphore, #tpu.memory_space<semaphore_mem>>)
      %dma_wait3A_496 = arith.constant 0 : i32
      %dma_wait3A_497 = arith.constant 0 : i32
      %dma_wait3A_498 = tpu.memref_slice %arg7[%dma_wait3A_496, %dma_wait3A_497] : memref<80x128xi32, #tpu.memory_space<vmem>> -> memref<1x128xi32, #tpu.memory_space<vmem>>
      %dma_wait3A_499 = tpu.memref_squeeze %dma_wait3A_498 : memref<1x128xi32, #tpu.memory_space<vmem>> -> memref<128xi32, #tpu.memory_space<vmem>>
      %dma_wait3A_500 = arith.constant 0 : i32
      %dma_wait3A_501 = arith.constant 0 : i32
      %dma_wait3A_502 = tpu.memref_slice %arg33[%dma_wait3A_500, %dma_wait3A_501] : memref<10112x32xf32, #tpu.memory_space<vmem_shared>> -> memref<10112x32xf32, #tpu.memory_space<vmem_shared>>
      tpu.wait_indirect_dma semaphore(%arg30 : memref<!tpu.dma_semaphore, #tpu.memory_space<semaphore_mem>>) src(%arg14 : memref<128x32xf32, #tpu.memory_space<vmem>>) dst(%dma_wait3A_502 : memref<10112x32xf32, #tpu.memory_space<vmem_shared>>)
      %add3A_503 = arith.constant 8 : i32
      %add3A_504 = arith.addi %add3A_273, %add3A_503 : i32
      %add3A_505 = arith.constant 6 : i32
      %add3A_506 = arith.addi %add3A_504, %add3A_505 : i32
      %dma_start3A_507 = arith.constant 0 : i32
      %dma_start3A_508 = tpu.memref_slice %arg6[%add3A_506, %dma_start3A_507] : memref<80x128xi32, #tpu.memory_space<vmem>> -> memref<1x128xi32, #tpu.memory_space<vmem>>
      %dma_start3A_509 = tpu.memref_squeeze %dma_start3A_508 : memref<1x128xi32, #tpu.memory_space<vmem>> -> memref<128xi32, #tpu.memory_space<vmem>>
      %dma_start3A_510 = arith.constant 0 : i32
      %dma_start3A_511 = arith.constant 0 : i32
      %dma_start3A_512 = tpu.memref_slice %arg2[%dma_start3A_510, %dma_start3A_511] : memref<10112x32xf32, #tpu.memory_space<hbm>> -> memref<10112x32xf32, #tpu.memory_space<hbm>>
      tpu.enqueue_indirect_dma source(%dma_start3A_512 : memref<10112x32xf32, #tpu.memory_space<hbm>>) target(%arg14 : memref<128x32xf32, #tpu.memory_space<vmem>>) offsets(%dma_start3A_509 : memref<128xi32, #tpu.memory_space<vmem>>) semaphore(%arg22 : memref<!tpu.dma_semaphore, #tpu.memory_space<semaphore_mem>>)
      %dma_wait3A_513 = arith.constant 0 : i32
      %dma_wait3A_514 = arith.constant 0 : i32
      %dma_wait3A_515 = tpu.memref_slice %arg7[%dma_wait3A_513, %dma_wait3A_514] : memref<80x128xi32, #tpu.memory_space<vmem>> -> memref<1x128xi32, #tpu.memory_space<vmem>>
      %dma_wait3A_516 = tpu.memref_squeeze %dma_wait3A_515 : memref<1x128xi32, #tpu.memory_space<vmem>> -> memref<128xi32, #tpu.memory_space<vmem>>
      %dma_wait3A_517 = arith.constant 0 : i32
      %dma_wait3A_518 = arith.constant 0 : i32
      %dma_wait3A_519 = tpu.memref_slice %arg33[%dma_wait3A_517, %dma_wait3A_518] : memref<10112x32xf32, #tpu.memory_space<vmem_shared>> -> memref<10112x32xf32, #tpu.memory_space<vmem_shared>>
      tpu.wait_indirect_dma semaphore(%arg31 : memref<!tpu.dma_semaphore, #tpu.memory_space<semaphore_mem>>) src(%arg15 : memref<128x32xf32, #tpu.memory_space<vmem>>) dst(%dma_wait3A_519 : memref<10112x32xf32, #tpu.memory_space<vmem_shared>>)
      %add3A_520 = arith.constant 8 : i32
      %add3A_521 = arith.addi %add3A_273, %add3A_520 : i32
      %add3A_522 = arith.constant 7 : i32
      %add3A_523 = arith.addi %add3A_521, %add3A_522 : i32
      %dma_start3A_524 = arith.constant 0 : i32
      %dma_start3A_525 = tpu.memref_slice %arg6[%add3A_523, %dma_start3A_524] : memref<80x128xi32, #tpu.memory_space<vmem>> -> memref<1x128xi32, #tpu.memory_space<vmem>>
      %dma_start3A_526 = tpu.memref_squeeze %dma_start3A_525 : memref<1x128xi32, #tpu.memory_space<vmem>> -> memref<128xi32, #tpu.memory_space<vmem>>
      %dma_start3A_527 = arith.constant 0 : i32
      %dma_start3A_528 = arith.constant 0 : i32
      %dma_start3A_529 = tpu.memref_slice %arg2[%dma_start3A_527, %dma_start3A_528] : memref<10112x32xf32, #tpu.memory_space<hbm>> -> memref<10112x32xf32, #tpu.memory_space<hbm>>
      tpu.enqueue_indirect_dma source(%dma_start3A_529 : memref<10112x32xf32, #tpu.memory_space<hbm>>) target(%arg15 : memref<128x32xf32, #tpu.memory_space<vmem>>) offsets(%dma_start3A_526 : memref<128xi32, #tpu.memory_space<vmem>>) semaphore(%arg23 : memref<!tpu.dma_semaphore, #tpu.memory_space<semaphore_mem>>)
    }
    %scan3A_93 = arith.constant 9 : i32
    %dma_wait3A_94 = arith.constant 0 : i32
    %dma_wait3A_95 = arith.constant 0 : i32
    %dma_wait3A_96 = tpu.memref_slice %arg6[%dma_wait3A_94, %dma_wait3A_95] : memref<80x128xi32, #tpu.memory_space<vmem>> -> memref<1x128xi32, #tpu.memory_space<vmem>>
    %dma_wait3A_97 = tpu.memref_squeeze %dma_wait3A_96 : memref<1x128xi32, #tpu.memory_space<vmem>> -> memref<128xi32, #tpu.memory_space<vmem>>
    %dma_wait3A_98 = arith.constant 0 : i32
    %dma_wait3A_99 = arith.constant 0 : i32
    %dma_wait3A_100 = tpu.memref_slice %arg2[%dma_wait3A_98, %dma_wait3A_99] : memref<10112x32xf32, #tpu.memory_space<hbm>> -> memref<10112x32xf32, #tpu.memory_space<hbm>>
    tpu.wait_indirect_dma semaphore(%arg16 : memref<!tpu.dma_semaphore, #tpu.memory_space<semaphore_mem>>) src(%dma_wait3A_100 : memref<10112x32xf32, #tpu.memory_space<hbm>>) dst(%arg8 : memref<128x32xf32, #tpu.memory_space<vmem>>)
    %dma_start3A_101 = arith.constant 72 : i32
    %dma_start3A_102 = arith.constant 0 : i32
    %dma_start3A_103 = tpu.memref_slice %arg7[%dma_start3A_101, %dma_start3A_102] : memref<80x128xi32, #tpu.memory_space<vmem>> -> memref<1x128xi32, #tpu.memory_space<vmem>>
    %dma_start3A_104 = tpu.memref_squeeze %dma_start3A_103 : memref<1x128xi32, #tpu.memory_space<vmem>> -> memref<128xi32, #tpu.memory_space<vmem>>
    %dma_start3A_105 = arith.constant 0 : i32
    %dma_start3A_106 = arith.constant 0 : i32
    %dma_start3A_107 = tpu.memref_slice %arg33[%dma_start3A_105, %dma_start3A_106] : memref<10112x32xf32, #tpu.memory_space<vmem_shared>> -> memref<10112x32xf32, #tpu.memory_space<vmem_shared>>
    tpu.enqueue_indirect_dma source(%arg8 : memref<128x32xf32, #tpu.memory_space<vmem>>) target(%dma_start3A_107 : memref<10112x32xf32, #tpu.memory_space<vmem_shared>>) offsets(%dma_start3A_104 : memref<128xi32, #tpu.memory_space<vmem>>) semaphore(%arg24 : memref<!tpu.dma_semaphore, #tpu.memory_space<semaphore_mem>>) {add = true}
    %dma_wait3A_108 = arith.constant 0 : i32
    %dma_wait3A_109 = arith.constant 0 : i32
    %dma_wait3A_110 = tpu.memref_slice %arg6[%dma_wait3A_108, %dma_wait3A_109] : memref<80x128xi32, #tpu.memory_space<vmem>> -> memref<1x128xi32, #tpu.memory_space<vmem>>
    %dma_wait3A_111 = tpu.memref_squeeze %dma_wait3A_110 : memref<1x128xi32, #tpu.memory_space<vmem>> -> memref<128xi32, #tpu.memory_space<vmem>>
    %dma_wait3A_112 = arith.constant 0 : i32
    %dma_wait3A_113 = arith.constant 0 : i32
    %dma_wait3A_114 = tpu.memref_slice %arg2[%dma_wait3A_112, %dma_wait3A_113] : memref<10112x32xf32, #tpu.memory_space<hbm>> -> memref<10112x32xf32, #tpu.memory_space<hbm>>
    tpu.wait_indirect_dma semaphore(%arg17 : memref<!tpu.dma_semaphore, #tpu.memory_space<semaphore_mem>>) src(%dma_wait3A_114 : memref<10112x32xf32, #tpu.memory_space<hbm>>) dst(%arg9 : memref<128x32xf32, #tpu.memory_space<vmem>>)
    %dma_start3A_115 = arith.constant 73 : i32
    %dma_start3A_116 = arith.constant 0 : i32
    %dma_start3A_117 = tpu.memref_slice %arg7[%dma_start3A_115, %dma_start3A_116] : memref<80x128xi32, #tpu.memory_space<vmem>> -> memref<1x128xi32, #tpu.memory_space<vmem>>
    %dma_start3A_118 = tpu.memref_squeeze %dma_start3A_117 : memref<1x128xi32, #tpu.memory_space<vmem>> -> memref<128xi32, #tpu.memory_space<vmem>>
    %dma_start3A_119 = arith.constant 0 : i32
    %dma_start3A_120 = arith.constant 0 : i32
    %dma_start3A_121 = tpu.memref_slice %arg33[%dma_start3A_119, %dma_start3A_120] : memref<10112x32xf32, #tpu.memory_space<vmem_shared>> -> memref<10112x32xf32, #tpu.memory_space<vmem_shared>>
    tpu.enqueue_indirect_dma source(%arg9 : memref<128x32xf32, #tpu.memory_space<vmem>>) target(%dma_start3A_121 : memref<10112x32xf32, #tpu.memory_space<vmem_shared>>) offsets(%dma_start3A_118 : memref<128xi32, #tpu.memory_space<vmem>>) semaphore(%arg25 : memref<!tpu.dma_semaphore, #tpu.memory_space<semaphore_mem>>) {add = true}
    %dma_wait3A_122 = arith.constant 0 : i32
    %dma_wait3A_123 = arith.constant 0 : i32
    %dma_wait3A_124 = tpu.memref_slice %arg6[%dma_wait3A_122, %dma_wait3A_123] : memref<80x128xi32, #tpu.memory_space<vmem>> -> memref<1x128xi32, #tpu.memory_space<vmem>>
    %dma_wait3A_125 = tpu.memref_squeeze %dma_wait3A_124 : memref<1x128xi32, #tpu.memory_space<vmem>> -> memref<128xi32, #tpu.memory_space<vmem>>
    %dma_wait3A_126 = arith.constant 0 : i32
    %dma_wait3A_127 = arith.constant 0 : i32
    %dma_wait3A_128 = tpu.memref_slice %arg2[%dma_wait3A_126, %dma_wait3A_127] : memref<10112x32xf32, #tpu.memory_space<hbm>> -> memref<10112x32xf32, #tpu.memory_space<hbm>>
    tpu.wait_indirect_dma semaphore(%arg18 : memref<!tpu.dma_semaphore, #tpu.memory_space<semaphore_mem>>) src(%dma_wait3A_128 : memref<10112x32xf32, #tpu.memory_space<hbm>>) dst(%arg10 : memref<128x32xf32, #tpu.memory_space<vmem>>)
    %dma_start3A_129 = arith.constant 74 : i32
    %dma_start3A_130 = arith.constant 0 : i32
    %dma_start3A_131 = tpu.memref_slice %arg7[%dma_start3A_129, %dma_start3A_130] : memref<80x128xi32, #tpu.memory_space<vmem>> -> memref<1x128xi32, #tpu.memory_space<vmem>>
    %dma_start3A_132 = tpu.memref_squeeze %dma_start3A_131 : memref<1x128xi32, #tpu.memory_space<vmem>> -> memref<128xi32, #tpu.memory_space<vmem>>
    %dma_start3A_133 = arith.constant 0 : i32
    %dma_start3A_134 = arith.constant 0 : i32
    %dma_start3A_135 = tpu.memref_slice %arg33[%dma_start3A_133, %dma_start3A_134] : memref<10112x32xf32, #tpu.memory_space<vmem_shared>> -> memref<10112x32xf32, #tpu.memory_space<vmem_shared>>
    tpu.enqueue_indirect_dma source(%arg10 : memref<128x32xf32, #tpu.memory_space<vmem>>) target(%dma_start3A_135 : memref<10112x32xf32, #tpu.memory_space<vmem_shared>>) offsets(%dma_start3A_132 : memref<128xi32, #tpu.memory_space<vmem>>) semaphore(%arg26 : memref<!tpu.dma_semaphore, #tpu.memory_space<semaphore_mem>>) {add = true}
    %dma_wait3A_136 = arith.constant 0 : i32
    %dma_wait3A_137 = arith.constant 0 : i32
    %dma_wait3A_138 = tpu.memref_slice %arg6[%dma_wait3A_136, %dma_wait3A_137] : memref<80x128xi32, #tpu.memory_space<vmem>> -> memref<1x128xi32, #tpu.memory_space<vmem>>
    %dma_wait3A_139 = tpu.memref_squeeze %dma_wait3A_138 : memref<1x128xi32, #tpu.memory_space<vmem>> -> memref<128xi32, #tpu.memory_space<vmem>>
    %dma_wait3A_140 = arith.constant 0 : i32
    %dma_wait3A_141 = arith.constant 0 : i32
    %dma_wait3A_142 = tpu.memref_slice %arg2[%dma_wait3A_140, %dma_wait3A_141] : memref<10112x32xf32, #tpu.memory_space<hbm>> -> memref<10112x32xf32, #tpu.memory_space<hbm>>
    tpu.wait_indirect_dma semaphore(%arg19 : memref<!tpu.dma_semaphore, #tpu.memory_space<semaphore_mem>>) src(%dma_wait3A_142 : memref<10112x32xf32, #tpu.memory_space<hbm>>) dst(%arg11 : memref<128x32xf32, #tpu.memory_space<vmem>>)
    %dma_start3A_143 = arith.constant 75 : i32
    %dma_start3A_144 = arith.constant 0 : i32
    %dma_start3A_145 = tpu.memref_slice %arg7[%dma_start3A_143, %dma_start3A_144] : memref<80x128xi32, #tpu.memory_space<vmem>> -> memref<1x128xi32, #tpu.memory_space<vmem>>
    %dma_start3A_146 = tpu.memref_squeeze %dma_start3A_145 : memref<1x128xi32, #tpu.memory_space<vmem>> -> memref<128xi32, #tpu.memory_space<vmem>>
    %dma_start3A_147 = arith.constant 0 : i32
    %dma_start3A_148 = arith.constant 0 : i32
    %dma_start3A_149 = tpu.memref_slice %arg33[%dma_start3A_147, %dma_start3A_148] : memref<10112x32xf32, #tpu.memory_space<vmem_shared>> -> memref<10112x32xf32, #tpu.memory_space<vmem_shared>>
    tpu.enqueue_indirect_dma source(%arg11 : memref<128x32xf32, #tpu.memory_space<vmem>>) target(%dma_start3A_149 : memref<10112x32xf32, #tpu.memory_space<vmem_shared>>) offsets(%dma_start3A_146 : memref<128xi32, #tpu.memory_space<vmem>>) semaphore(%arg27 : memref<!tpu.dma_semaphore, #tpu.memory_space<semaphore_mem>>) {add = true}
    %dma_wait3A_150 = arith.constant 0 : i32
    %dma_wait3A_151 = arith.constant 0 : i32
    %dma_wait3A_152 = tpu.memref_slice %arg6[%dma_wait3A_150, %dma_wait3A_151] : memref<80x128xi32, #tpu.memory_space<vmem>> -> memref<1x128xi32, #tpu.memory_space<vmem>>
    %dma_wait3A_153 = tpu.memref_squeeze %dma_wait3A_152 : memref<1x128xi32, #tpu.memory_space<vmem>> -> memref<128xi32, #tpu.memory_space<vmem>>
    %dma_wait3A_154 = arith.constant 0 : i32
    %dma_wait3A_155 = arith.constant 0 : i32
    %dma_wait3A_156 = tpu.memref_slice %arg2[%dma_wait3A_154, %dma_wait3A_155] : memref<10112x32xf32, #tpu.memory_space<hbm>> -> memref<10112x32xf32, #tpu.memory_space<hbm>>
    tpu.wait_indirect_dma semaphore(%arg20 : memref<!tpu.dma_semaphore, #tpu.memory_space<semaphore_mem>>) src(%dma_wait3A_156 : memref<10112x32xf32, #tpu.memory_space<hbm>>) dst(%arg12 : memref<128x32xf32, #tpu.memory_space<vmem>>)
    %dma_start3A_157 = arith.constant 76 : i32
    %dma_start3A_158 = arith.constant 0 : i32
    %dma_start3A_159 = tpu.memref_slice %arg7[%dma_start3A_157, %dma_start3A_158] : memref<80x128xi32, #tpu.memory_space<vmem>> -> memref<1x128xi32, #tpu.memory_space<vmem>>
    %dma_start3A_160 = tpu.memref_squeeze %dma_start3A_159 : memref<1x128xi32, #tpu.memory_space<vmem>> -> memref<128xi32, #tpu.memory_space<vmem>>
    %dma_start3A_161 = arith.constant 0 : i32
    %dma_start3A_162 = arith.constant 0 : i32
    %dma_start3A_163 = tpu.memref_slice %arg33[%dma_start3A_161, %dma_start3A_162] : memref<10112x32xf32, #tpu.memory_space<vmem_shared>> -> memref<10112x32xf32, #tpu.memory_space<vmem_shared>>
    tpu.enqueue_indirect_dma source(%arg12 : memref<128x32xf32, #tpu.memory_space<vmem>>) target(%dma_start3A_163 : memref<10112x32xf32, #tpu.memory_space<vmem_shared>>) offsets(%dma_start3A_160 : memref<128xi32, #tpu.memory_space<vmem>>) semaphore(%arg28 : memref<!tpu.dma_semaphore, #tpu.memory_space<semaphore_mem>>) {add = true}
    %dma_wait3A_164 = arith.constant 0 : i32
    %dma_wait3A_165 = arith.constant 0 : i32
    %dma_wait3A_166 = tpu.memref_slice %arg6[%dma_wait3A_164, %dma_wait3A_165] : memref<80x128xi32, #tpu.memory_space<vmem>> -> memref<1x128xi32, #tpu.memory_space<vmem>>
    %dma_wait3A_167 = tpu.memref_squeeze %dma_wait3A_166 : memref<1x128xi32, #tpu.memory_space<vmem>> -> memref<128xi32, #tpu.memory_space<vmem>>
    %dma_wait3A_168 = arith.constant 0 : i32
    %dma_wait3A_169 = arith.constant 0 : i32
    %dma_wait3A_170 = tpu.memref_slice %arg2[%dma_wait3A_168, %dma_wait3A_169] : memref<10112x32xf32, #tpu.memory_space<hbm>> -> memref<10112x32xf32, #tpu.memory_space<hbm>>
    tpu.wait_indirect_dma semaphore(%arg21 : memref<!tpu.dma_semaphore, #tpu.memory_space<semaphore_mem>>) src(%dma_wait3A_170 : memref<10112x32xf32, #tpu.memory_space<hbm>>) dst(%arg13 : memref<128x32xf32, #tpu.memory_space<vmem>>)
    %dma_start3A_171 = arith.constant 77 : i32
    %dma_start3A_172 = arith.constant 0 : i32
    %dma_start3A_173 = tpu.memref_slice %arg7[%dma_start3A_171, %dma_start3A_172] : memref<80x128xi32, #tpu.memory_space<vmem>> -> memref<1x128xi32, #tpu.memory_space<vmem>>
    %dma_start3A_174 = tpu.memref_squeeze %dma_start3A_173 : memref<1x128xi32, #tpu.memory_space<vmem>> -> memref<128xi32, #tpu.memory_space<vmem>>
    %dma_start3A_175 = arith.constant 0 : i32
    %dma_start3A_176 = arith.constant 0 : i32
    %dma_start3A_177 = tpu.memref_slice %arg33[%dma_start3A_175, %dma_start3A_176] : memref<10112x32xf32, #tpu.memory_space<vmem_shared>> -> memref<10112x32xf32, #tpu.memory_space<vmem_shared>>
    tpu.enqueue_indirect_dma source(%arg13 : memref<128x32xf32, #tpu.memory_space<vmem>>) target(%dma_start3A_177 : memref<10112x32xf32, #tpu.memory_space<vmem_shared>>) offsets(%dma_start3A_174 : memref<128xi32, #tpu.memory_space<vmem>>) semaphore(%arg29 : memref<!tpu.dma_semaphore, #tpu.memory_space<semaphore_mem>>) {add = true}
    %dma_wait3A_178 = arith.constant 0 : i32
    %dma_wait3A_179 = arith.constant 0 : i32
    %dma_wait3A_180 = tpu.memref_slice %arg6[%dma_wait3A_178, %dma_wait3A_179] : memref<80x128xi32, #tpu.memory_space<vmem>> -> memref<1x128xi32, #tpu.memory_space<vmem>>
    %dma_wait3A_181 = tpu.memref_squeeze %dma_wait3A_180 : memref<1x128xi32, #tpu.memory_space<vmem>> -> memref<128xi32, #tpu.memory_space<vmem>>
    %dma_wait3A_182 = arith.constant 0 : i32
    %dma_wait3A_183 = arith.constant 0 : i32
    %dma_wait3A_184 = tpu.memref_slice %arg2[%dma_wait3A_182, %dma_wait3A_183] : memref<10112x32xf32, #tpu.memory_space<hbm>> -> memref<10112x32xf32, #tpu.memory_space<hbm>>
    tpu.wait_indirect_dma semaphore(%arg22 : memref<!tpu.dma_semaphore, #tpu.memory_space<semaphore_mem>>) src(%dma_wait3A_184 : memref<10112x32xf32, #tpu.memory_space<hbm>>) dst(%arg14 : memref<128x32xf32, #tpu.memory_space<vmem>>)
    %dma_start3A_185 = arith.constant 78 : i32
    %dma_start3A_186 = arith.constant 0 : i32
    %dma_start3A_187 = tpu.memref_slice %arg7[%dma_start3A_185, %dma_start3A_186] : memref<80x128xi32, #tpu.memory_space<vmem>> -> memref<1x128xi32, #tpu.memory_space<vmem>>
    %dma_start3A_188 = tpu.memref_squeeze %dma_start3A_187 : memref<1x128xi32, #tpu.memory_space<vmem>> -> memref<128xi32, #tpu.memory_space<vmem>>
    %dma_start3A_189 = arith.constant 0 : i32
    %dma_start3A_190 = arith.constant 0 : i32
    %dma_start3A_191 = tpu.memref_slice %arg33[%dma_start3A_189, %dma_start3A_190] : memref<10112x32xf32, #tpu.memory_space<vmem_shared>> -> memref<10112x32xf32, #tpu.memory_space<vmem_shared>>
    tpu.enqueue_indirect_dma source(%arg14 : memref<128x32xf32, #tpu.memory_space<vmem>>) target(%dma_start3A_191 : memref<10112x32xf32, #tpu.memory_space<vmem_shared>>) offsets(%dma_start3A_188 : memref<128xi32, #tpu.memory_space<vmem>>) semaphore(%arg30 : memref<!tpu.dma_semaphore, #tpu.memory_space<semaphore_mem>>) {add = true}
    %dma_wait3A_192 = arith.constant 0 : i32
    %dma_wait3A_193 = arith.constant 0 : i32
    %dma_wait3A_194 = tpu.memref_slice %arg6[%dma_wait3A_192, %dma_wait3A_193] : memref<80x128xi32, #tpu.memory_space<vmem>> -> memref<1x128xi32, #tpu.memory_space<vmem>>
    %dma_wait3A_195 = tpu.memref_squeeze %dma_wait3A_194 : memref<1x128xi32, #tpu.memory_space<vmem>> -> memref<128xi32, #tpu.memory_space<vmem>>
    %dma_wait3A_196 = arith.constant 0 : i32
    %dma_wait3A_197 = arith.constant 0 : i32
    %dma_wait3A_198 = tpu.memref_slice %arg2[%dma_wait3A_196, %dma_wait3A_197] : memref<10112x32xf32, #tpu.memory_space<hbm>> -> memref<10112x32xf32, #tpu.memory_space<hbm>>
    tpu.wait_indirect_dma semaphore(%arg23 : memref<!tpu.dma_semaphore, #tpu.memory_space<semaphore_mem>>) src(%dma_wait3A_198 : memref<10112x32xf32, #tpu.memory_space<hbm>>) dst(%arg15 : memref<128x32xf32, #tpu.memory_space<vmem>>)
    %dma_start3A_199 = arith.constant 79 : i32
    %dma_start3A_200 = arith.constant 0 : i32
    %dma_start3A_201 = tpu.memref_slice %arg7[%dma_start3A_199, %dma_start3A_200] : memref<80x128xi32, #tpu.memory_space<vmem>> -> memref<1x128xi32, #tpu.memory_space<vmem>>
    %dma_start3A_202 = tpu.memref_squeeze %dma_start3A_201 : memref<1x128xi32, #tpu.memory_space<vmem>> -> memref<128xi32, #tpu.memory_space<vmem>>
    %dma_start3A_203 = arith.constant 0 : i32
    %dma_start3A_204 = arith.constant 0 : i32
    %dma_start3A_205 = tpu.memref_slice %arg33[%dma_start3A_203, %dma_start3A_204] : memref<10112x32xf32, #tpu.memory_space<vmem_shared>> -> memref<10112x32xf32, #tpu.memory_space<vmem_shared>>
    tpu.enqueue_indirect_dma source(%arg15 : memref<128x32xf32, #tpu.memory_space<vmem>>) target(%dma_start3A_205 : memref<10112x32xf32, #tpu.memory_space<vmem_shared>>) offsets(%dma_start3A_202 : memref<128xi32, #tpu.memory_space<vmem>>) semaphore(%arg31 : memref<!tpu.dma_semaphore, #tpu.memory_space<semaphore_mem>>) {add = true}
    %dma_wait3A_206 = arith.constant 0 : i32
    %dma_wait3A_207 = arith.constant 0 : i32
    %dma_wait3A_208 = tpu.memref_slice %arg7[%dma_wait3A_206, %dma_wait3A_207] : memref<80x128xi32, #tpu.memory_space<vmem>> -> memref<1x128xi32, #tpu.memory_space<vmem>>
    %dma_wait3A_209 = tpu.memref_squeeze %dma_wait3A_208 : memref<1x128xi32, #tpu.memory_space<vmem>> -> memref<128xi32, #tpu.memory_space<vmem>>
    %dma_wait3A_210 = arith.constant 0 : i32
    %dma_wait3A_211 = arith.constant 0 : i32
    %dma_wait3A_212 = tpu.memref_slice %arg33[%dma_wait3A_210, %dma_wait3A_211] : memref<10112x32xf32, #tpu.memory_space<vmem_shared>> -> memref<10112x32xf32, #tpu.memory_space<vmem_shared>>
    tpu.wait_indirect_dma semaphore(%arg24 : memref<!tpu.dma_semaphore, #tpu.memory_space<semaphore_mem>>) src(%arg8 : memref<128x32xf32, #tpu.memory_space<vmem>>) dst(%dma_wait3A_212 : memref<10112x32xf32, #tpu.memory_space<vmem_shared>>)
    %dma_wait3A_213 = arith.constant 0 : i32
    %dma_wait3A_214 = arith.constant 0 : i32
    %dma_wait3A_215 = tpu.memref_slice %arg7[%dma_wait3A_213, %dma_wait3A_214] : memref<80x128xi32, #tpu.memory_space<vmem>> -> memref<1x128xi32, #tpu.memory_space<vmem>>
    %dma_wait3A_216 = tpu.memref_squeeze %dma_wait3A_215 : memref<1x128xi32, #tpu.memory_space<vmem>> -> memref<128xi32, #tpu.memory_space<vmem>>
    %dma_wait3A_217 = arith.constant 0 : i32
    %dma_wait3A_218 = arith.constant 0 : i32
    %dma_wait3A_219 = tpu.memref_slice %arg33[%dma_wait3A_217, %dma_wait3A_218] : memref<10112x32xf32, #tpu.memory_space<vmem_shared>> -> memref<10112x32xf32, #tpu.memory_space<vmem_shared>>
    tpu.wait_indirect_dma semaphore(%arg25 : memref<!tpu.dma_semaphore, #tpu.memory_space<semaphore_mem>>) src(%arg9 : memref<128x32xf32, #tpu.memory_space<vmem>>) dst(%dma_wait3A_219 : memref<10112x32xf32, #tpu.memory_space<vmem_shared>>)
    %dma_wait3A_220 = arith.constant 0 : i32
    %dma_wait3A_221 = arith.constant 0 : i32
    %dma_wait3A_222 = tpu.memref_slice %arg7[%dma_wait3A_220, %dma_wait3A_221] : memref<80x128xi32, #tpu.memory_space<vmem>> -> memref<1x128xi32, #tpu.memory_space<vmem>>
    %dma_wait3A_223 = tpu.memref_squeeze %dma_wait3A_222 : memref<1x128xi32, #tpu.memory_space<vmem>> -> memref<128xi32, #tpu.memory_space<vmem>>
    %dma_wait3A_224 = arith.constant 0 : i32
    %dma_wait3A_225 = arith.constant 0 : i32
    %dma_wait3A_226 = tpu.memref_slice %arg33[%dma_wait3A_224, %dma_wait3A_225] : memref<10112x32xf32, #tpu.memory_space<vmem_shared>> -> memref<10112x32xf32, #tpu.memory_space<vmem_shared>>
    tpu.wait_indirect_dma semaphore(%arg26 : memref<!tpu.dma_semaphore, #tpu.memory_space<semaphore_mem>>) src(%arg10 : memref<128x32xf32, #tpu.memory_space<vmem>>) dst(%dma_wait3A_226 : memref<10112x32xf32, #tpu.memory_space<vmem_shared>>)
    %dma_wait3A_227 = arith.constant 0 : i32
    %dma_wait3A_228 = arith.constant 0 : i32
    %dma_wait3A_229 = tpu.memref_slice %arg7[%dma_wait3A_227, %dma_wait3A_228] : memref<80x128xi32, #tpu.memory_space<vmem>> -> memref<1x128xi32, #tpu.memory_space<vmem>>
    %dma_wait3A_230 = tpu.memref_squeeze %dma_wait3A_229 : memref<1x128xi32, #tpu.memory_space<vmem>> -> memref<128xi32, #tpu.memory_space<vmem>>
    %dma_wait3A_231 = arith.constant 0 : i32
    %dma_wait3A_232 = arith.constant 0 : i32
    %dma_wait3A_233 = tpu.memref_slice %arg33[%dma_wait3A_231, %dma_wait3A_232] : memref<10112x32xf32, #tpu.memory_space<vmem_shared>> -> memref<10112x32xf32, #tpu.memory_space<vmem_shared>>
    tpu.wait_indirect_dma semaphore(%arg27 : memref<!tpu.dma_semaphore, #tpu.memory_space<semaphore_mem>>) src(%arg11 : memref<128x32xf32, #tpu.memory_space<vmem>>) dst(%dma_wait3A_233 : memref<10112x32xf32, #tpu.memory_space<vmem_shared>>)
    %dma_wait3A_234 = arith.constant 0 : i32
    %dma_wait3A_235 = arith.constant 0 : i32
    %dma_wait3A_236 = tpu.memref_slice %arg7[%dma_wait3A_234, %dma_wait3A_235] : memref<80x128xi32, #tpu.memory_space<vmem>> -> memref<1x128xi32, #tpu.memory_space<vmem>>
    %dma_wait3A_237 = tpu.memref_squeeze %dma_wait3A_236 : memref<1x128xi32, #tpu.memory_space<vmem>> -> memref<128xi32, #tpu.memory_space<vmem>>
    %dma_wait3A_238 = arith.constant 0 : i32
    %dma_wait3A_239 = arith.constant 0 : i32
    %dma_wait3A_240 = tpu.memref_slice %arg33[%dma_wait3A_238, %dma_wait3A_239] : memref<10112x32xf32, #tpu.memory_space<vmem_shared>> -> memref<10112x32xf32, #tpu.memory_space<vmem_shared>>
    tpu.wait_indirect_dma semaphore(%arg28 : memref<!tpu.dma_semaphore, #tpu.memory_space<semaphore_mem>>) src(%arg12 : memref<128x32xf32, #tpu.memory_space<vmem>>) dst(%dma_wait3A_240 : memref<10112x32xf32, #tpu.memory_space<vmem_shared>>)
    %dma_wait3A_241 = arith.constant 0 : i32
    %dma_wait3A_242 = arith.constant 0 : i32
    %dma_wait3A_243 = tpu.memref_slice %arg7[%dma_wait3A_241, %dma_wait3A_242] : memref<80x128xi32, #tpu.memory_space<vmem>> -> memref<1x128xi32, #tpu.memory_space<vmem>>
    %dma_wait3A_244 = tpu.memref_squeeze %dma_wait3A_243 : memref<1x128xi32, #tpu.memory_space<vmem>> -> memref<128xi32, #tpu.memory_space<vmem>>
    %dma_wait3A_245 = arith.constant 0 : i32
    %dma_wait3A_246 = arith.constant 0 : i32
    %dma_wait3A_247 = tpu.memref_slice %arg33[%dma_wait3A_245, %dma_wait3A_246] : memref<10112x32xf32, #tpu.memory_space<vmem_shared>> -> memref<10112x32xf32, #tpu.memory_space<vmem_shared>>
    tpu.wait_indirect_dma semaphore(%arg29 : memref<!tpu.dma_semaphore, #tpu.memory_space<semaphore_mem>>) src(%arg13 : memref<128x32xf32, #tpu.memory_space<vmem>>) dst(%dma_wait3A_247 : memref<10112x32xf32, #tpu.memory_space<vmem_shared>>)
    %dma_wait3A_248 = arith.constant 0 : i32
    %dma_wait3A_249 = arith.constant 0 : i32
    %dma_wait3A_250 = tpu.memref_slice %arg7[%dma_wait3A_248, %dma_wait3A_249] : memref<80x128xi32, #tpu.memory_space<vmem>> -> memref<1x128xi32, #tpu.memory_space<vmem>>
    %dma_wait3A_251 = tpu.memref_squeeze %dma_wait3A_250 : memref<1x128xi32, #tpu.memory_space<vmem>> -> memref<128xi32, #tpu.memory_space<vmem>>
    %dma_wait3A_252 = arith.constant 0 : i32
    %dma_wait3A_253 = arith.constant 0 : i32
    %dma_wait3A_254 = tpu.memref_slice %arg33[%dma_wait3A_252, %dma_wait3A_253] : memref<10112x32xf32, #tpu.memory_space<vmem_shared>> -> memref<10112x32xf32, #tpu.memory_space<vmem_shared>>
    tpu.wait_indirect_dma semaphore(%arg30 : memref<!tpu.dma_semaphore, #tpu.memory_space<semaphore_mem>>) src(%arg14 : memref<128x32xf32, #tpu.memory_space<vmem>>) dst(%dma_wait3A_254 : memref<10112x32xf32, #tpu.memory_space<vmem_shared>>)
    %dma_wait3A_255 = arith.constant 0 : i32
    %dma_wait3A_256 = arith.constant 0 : i32
    %dma_wait3A_257 = tpu.memref_slice %arg7[%dma_wait3A_255, %dma_wait3A_256] : memref<80x128xi32, #tpu.memory_space<vmem>> -> memref<1x128xi32, #tpu.memory_space<vmem>>
    %dma_wait3A_258 = tpu.memref_squeeze %dma_wait3A_257 : memref<1x128xi32, #tpu.memory_space<vmem>> -> memref<128xi32, #tpu.memory_space<vmem>>
    %dma_wait3A_259 = arith.constant 0 : i32
    %dma_wait3A_260 = arith.constant 0 : i32
    %dma_wait3A_261 = tpu.memref_slice %arg33[%dma_wait3A_259, %dma_wait3A_260] : memref<10112x32xf32, #tpu.memory_space<vmem_shared>> -> memref<10112x32xf32, #tpu.memory_space<vmem_shared>>
    tpu.wait_indirect_dma semaphore(%arg31 : memref<!tpu.dma_semaphore, #tpu.memory_space<semaphore_mem>>) src(%arg15 : memref<128x32xf32, #tpu.memory_space<vmem>>) dst(%dma_wait3A_261 : memref<10112x32xf32, #tpu.memory_space<vmem_shared>>)
    %barrier3A_262 = arith.constant 0 : index
    tpu.barrier barrier_id(%barrier3A_262)
    %mul3A_263 = arith.constant 632 : i32
    %mul3A_264 = arith.muli %arg1, %mul3A_263 : i32
    %mul3A_265 = arith.constant 632 : i32
    %mul3A_266 = arith.muli %arg1, %mul3A_265 : i32
    %mul3A_267 = arith.constant 32 : i32
    %mul3A_268 = arith.muli %arg0, %mul3A_267 : i32
    "tpu.region"() ({
      %run_scoped3A = tpu.sem_alloc : memref<!tpu.dma_semaphore, #tpu.memory_space<semaphore_mem>>
      %dma_start3A_269 = tpu.memref_slice %arg5[%mul3A_266, %mul3A_268] : memref<10112x64xf32, #tpu.memory_space<hbm>> -> memref<632x32xf32, #tpu.memory_space<hbm>>
      %dma_start3A_270 = arith.constant 0 : i32
      %dma_start3A_271 = tpu.memref_slice %arg33[%mul3A_264, %dma_start3A_270] : memref<10112x32xf32, #tpu.memory_space<vmem_shared>> -> memref<632x32xf32, #tpu.memory_space<vmem_shared>>
      tpu.enqueue_dma source(%dma_start3A_271 : memref<632x32xf32, #tpu.memory_space<vmem_shared>>) target(%dma_start3A_269 : memref<632x32xf32, #tpu.memory_space<hbm>>) target_semaphore(%run_scoped3A : memref<!tpu.dma_semaphore, #tpu.memory_space<semaphore_mem>>)
      %dma_wait3A_272 = tpu.memref_slice %arg5[%mul3A_266, %mul3A_268] : memref<10112x64xf32, #tpu.memory_space<hbm>> -> memref<632x32xf32, #tpu.memory_space<hbm>>
      %dma_wait3A_273 = arith.constant 0 : i32
      %dma_wait3A_274 = tpu.memref_slice %arg33[%mul3A_264, %dma_wait3A_273] : memref<10112x32xf32, #tpu.memory_space<vmem_shared>> -> memref<632x32xf32, #tpu.memory_space<vmem_shared>>
      tpu.wait_dma2 semaphore(%run_scoped3A : memref<!tpu.dma_semaphore, #tpu.memory_space<semaphore_mem>>) src(%dma_wait3A_274 : memref<632x32xf32, #tpu.memory_space<vmem_shared>>) dst(%dma_wait3A_272 : memref<632x32xf32, #tpu.memory_space<hbm>>)
      tpu.yield
    }) : () -> ()
    return
  }
}

#map = affine_map<(d0, d1) -> (0, 0)>
module attributes {stable_mosaic.version = 14 : i64} {
  func.func @_sc_deg_body(%arg0: i32, %arg1: i32, %arg2: memref<2560x128xi32, #tpu.memory_space<hbm>>, %arg3: memref<2x10112xf32, #tpu.memory_space<hbm>>, %arg4: memref<80x128xi32, #tpu.memory_space<vmem>>, %arg5: memref<128x16xf32, #tpu.memory_space<vmem>>, %arg6: memref<128x16xf32, #tpu.memory_space<vmem>>, %arg7: memref<632x16xf32, #tpu.memory_space<vmem>>, %arg8: memref<632xf32, #tpu.memory_space<vmem>>, %arg9: memref<10112x16xf32, #tpu.memory_space<vmem_shared>>, %arg10: memref<!tpu.dma_semaphore, #tpu.memory_space<semaphore_mem>>) attributes {dimension_semantics = [#tpu.dimension_semantics<core_parallel>, #tpu.dimension_semantics<subcore_parallel>], iteration_bounds = array<i64: 2, 16>, scalar_prefetch = 0 : i64, scratch_operands = 7 : i64, tpu.core_type = #tpu.core_type<sc_vector_subcore>, window_params = [{transform_indices = #map}, {transform_indices = #map}]} {
    %mul3A = arith.constant 16 : i32
    %mul3A_0 = arith.muli %arg0, %mul3A : i32
    %add3A = arith.addi %mul3A_0, %arg1 : i32
    %mul3A_1 = arith.constant 80 : i32
    %mul3A_2 = arith.muli %add3A, %mul3A_1 : i32
    %dma_start3A = arith.constant 0 : i32
    %dma_start3A_3 = tpu.memref_slice %arg2[%mul3A_2, %dma_start3A] : memref<2560x128xi32, #tpu.memory_space<hbm>> -> memref<80x128xi32, #tpu.memory_space<hbm>>
    %dma_start3A_4 = arith.constant 0 : i32
    %dma_start3A_5 = tpu.memref_slice %arg2[%mul3A_2, %dma_start3A_4] : memref<2560x128xi32, #tpu.memory_space<hbm>> -> memref<80x128xi32, #tpu.memory_space<hbm>>
    tpu.enqueue_dma source(%dma_start3A_5 : memref<80x128xi32, #tpu.memory_space<hbm>>) target(%arg4 : memref<80x128xi32, #tpu.memory_space<vmem>>) target_semaphore(%arg10 : memref<!tpu.dma_semaphore, #tpu.memory_space<semaphore_mem>>)
    %scan3A = arith.constant 0 : i32
    %scan3A_6 = arith.constant 128 : i32
    %scan3A_7 = arith.addi %scan3A, %scan3A_6 : i32
    %scan3A_8 = arith.constant 1 : i32
    scf.for %scan3A_53 = %scan3A to %scan3A_7 step %scan3A_8  : i32 {
      %mul3A_54 = arith.constant 1 : i32
      %mul3A_55 = arith.muli %scan3A_53, %mul3A_54 : i32
      %add3A_56 = arith.constant 0 : i32
      %add3A_57 = arith.addi %add3A_56, %mul3A_55 : i32
      %broadcast_in_dim3A_58 = arith.constant 1.000000e+00 : f32
      %broadcast_in_dim3A_59 = vector.broadcast %broadcast_in_dim3A_58 : f32 to vector<16xf32>
      %swap3A = arith.index_cast %add3A_57 : i32 to index
      %swap3A_60 = arith.constant 0 : index
      %swap3A_61 = tpu.vector_load %arg5[%swap3A, %swap3A_60] {strides = array<i32>} : memref<128x16xf32, #tpu.memory_space<vmem>>, vector<16xf32>,
      tpu.vector_store %arg5[%swap3A, %swap3A_60], %broadcast_in_dim3A_59 {strides = array<i32>} : memref<128x16xf32, #tpu.memory_space<vmem>>, vector<16xf32>,
    }
    %scan3A_9 = arith.constant 128 : i32
    %scan3A_10 = arith.constant 0 : i32
    %scan3A_11 = arith.constant 128 : i32
    %scan3A_12 = arith.addi %scan3A_10, %scan3A_11 : i32
    %scan3A_13 = arith.constant 1 : i32
    scf.for %scan3A_53 = %scan3A_10 to %scan3A_12 step %scan3A_13  : i32 {
      %mul3A_54 = arith.constant 1 : i32
      %mul3A_55 = arith.muli %scan3A_53, %mul3A_54 : i32
      %add3A_56 = arith.constant 0 : i32
      %add3A_57 = arith.addi %add3A_56, %mul3A_55 : i32
      %broadcast_in_dim3A_58 = arith.constant 0.000000e+00 : f32
      %broadcast_in_dim3A_59 = vector.broadcast %broadcast_in_dim3A_58 : f32 to vector<16xf32>
      %swap3A = arith.index_cast %add3A_57 : i32 to index
      %swap3A_60 = arith.constant 0 : index
      %swap3A_61 = tpu.vector_load %arg6[%swap3A, %swap3A_60] {strides = array<i32>} : memref<128x16xf32, #tpu.memory_space<vmem>>, vector<16xf32>,
      tpu.vector_store %arg6[%swap3A, %swap3A_60], %broadcast_in_dim3A_59 {strides = array<i32>} : memref<128x16xf32, #tpu.memory_space<vmem>>, vector<16xf32>,
    }
    %scan3A_14 = arith.constant 128 : i32
    %mul3A_15 = arith.constant 632 : i32
    %mul3A_16 = arith.muli %arg1, %mul3A_15 : i32
    %add3A_17 = arith.constant 0 : i32
    %add3A_18 = arith.addi %mul3A_16, %add3A_17 : i32
    "tpu.region"() ({
      %run_scoped3A = tpu.sem_alloc : memref<!tpu.dma_semaphore, #tpu.memory_space<semaphore_mem>>
      %dma_start3A_53 = arith.constant 0 : i32
      %dma_start3A_54 = tpu.memref_slice %arg9[%add3A_18, %dma_start3A_53] : memref<10112x16xf32, #tpu.memory_space<vmem_shared>> -> memref<128x16xf32, #tpu.memory_space<vmem_shared>>
      %dma_start3A_55 = arith.constant 0 : i32
      %dma_start3A_56 = tpu.memref_slice %arg9[%add3A_18, %dma_start3A_55] : memref<10112x16xf32, #tpu.memory_space<vmem_shared>> -> memref<128x16xf32, #tpu.memory_space<vmem_shared>>
      tpu.enqueue_dma source(%arg6 : memref<128x16xf32, #tpu.memory_space<vmem>>) target(%dma_start3A_56 : memref<128x16xf32, #tpu.memory_space<vmem_shared>>) target_semaphore(%run_scoped3A : memref<!tpu.dma_semaphore, #tpu.memory_space<semaphore_mem>>)
      %dma_wait3A_57 = arith.constant 0 : i32
      %dma_wait3A_58 = tpu.memref_slice %arg9[%add3A_18, %dma_wait3A_57] : memref<10112x16xf32, #tpu.memory_space<vmem_shared>> -> memref<128x16xf32, #tpu.memory_space<vmem_shared>>
      %dma_wait3A_59 = arith.constant 0 : i32
      %dma_wait3A_60 = tpu.memref_slice %arg9[%add3A_18, %dma_wait3A_59] : memref<10112x16xf32, #tpu.memory_space<vmem_shared>> -> memref<128x16xf32, #tpu.memory_space<vmem_shared>>
      tpu.wait_dma2 semaphore(%run_scoped3A : memref<!tpu.dma_semaphore, #tpu.memory_space<semaphore_mem>>) src(%arg6 : memref<128x16xf32, #tpu.memory_space<vmem>>) dst(%dma_wait3A_60 : memref<128x16xf32, #tpu.memory_space<vmem_shared>>)
      tpu.yield
    }) : () -> ()
    %add3A_19 = arith.constant 128 : i32
    %add3A_20 = arith.addi %mul3A_16, %add3A_19 : i32
    "tpu.region"() ({
      %run_scoped3A = tpu.sem_alloc : memref<!tpu.dma_semaphore, #tpu.memory_space<semaphore_mem>>
      %dma_start3A_53 = arith.constant 0 : i32
      %dma_start3A_54 = tpu.memref_slice %arg9[%add3A_20, %dma_start3A_53] : memref<10112x16xf32, #tpu.memory_space<vmem_shared>> -> memref<128x16xf32, #tpu.memory_space<vmem_shared>>
      %dma_start3A_55 = arith.constant 0 : i32
      %dma_start3A_56 = tpu.memref_slice %arg9[%add3A_20, %dma_start3A_55] : memref<10112x16xf32, #tpu.memory_space<vmem_shared>> -> memref<128x16xf32, #tpu.memory_space<vmem_shared>>
      tpu.enqueue_dma source(%arg6 : memref<128x16xf32, #tpu.memory_space<vmem>>) target(%dma_start3A_56 : memref<128x16xf32, #tpu.memory_space<vmem_shared>>) target_semaphore(%run_scoped3A : memref<!tpu.dma_semaphore, #tpu.memory_space<semaphore_mem>>)
      %dma_wait3A_57 = arith.constant 0 : i32
      %dma_wait3A_58 = tpu.memref_slice %arg9[%add3A_20, %dma_wait3A_57] : memref<10112x16xf32, #tpu.memory_space<vmem_shared>> -> memref<128x16xf32, #tpu.memory_space<vmem_shared>>
      %dma_wait3A_59 = arith.constant 0 : i32
      %dma_wait3A_60 = tpu.memref_slice %arg9[%add3A_20, %dma_wait3A_59] : memref<10112x16xf32, #tpu.memory_space<vmem_shared>> -> memref<128x16xf32, #tpu.memory_space<vmem_shared>>
      tpu.wait_dma2 semaphore(%run_scoped3A : memref<!tpu.dma_semaphore, #tpu.memory_space<semaphore_mem>>) src(%arg6 : memref<128x16xf32, #tpu.memory_space<vmem>>) dst(%dma_wait3A_60 : memref<128x16xf32, #tpu.memory_space<vmem_shared>>)
      tpu.yield
    }) : () -> ()
    %add3A_21 = arith.constant 256 : i32
    %add3A_22 = arith.addi %mul3A_16, %add3A_21 : i32
    "tpu.region"() ({
      %run_scoped3A = tpu.sem_alloc : memref<!tpu.dma_semaphore, #tpu.memory_space<semaphore_mem>>
      %dma_start3A_53 = arith.constant 0 : i32
      %dma_start3A_54 = tpu.memref_slice %arg9[%add3A_22, %dma_start3A_53] : memref<10112x16xf32, #tpu.memory_space<vmem_shared>> -> memref<128x16xf32, #tpu.memory_space<vmem_shared>>
      %dma_start3A_55 = arith.constant 0 : i32
      %dma_start3A_56 = tpu.memref_slice %arg9[%add3A_22, %dma_start3A_55] : memref<10112x16xf32, #tpu.memory_space<vmem_shared>> -> memref<128x16xf32, #tpu.memory_space<vmem_shared>>
      tpu.enqueue_dma source(%arg6 : memref<128x16xf32, #tpu.memory_space<vmem>>) target(%dma_start3A_56 : memref<128x16xf32, #tpu.memory_space<vmem_shared>>) target_semaphore(%run_scoped3A : memref<!tpu.dma_semaphore, #tpu.memory_space<semaphore_mem>>)
      %dma_wait3A_57 = arith.constant 0 : i32
      %dma_wait3A_58 = tpu.memref_slice %arg9[%add3A_22, %dma_wait3A_57] : memref<10112x16xf32, #tpu.memory_space<vmem_shared>> -> memref<128x16xf32, #tpu.memory_space<vmem_shared>>
      %dma_wait3A_59 = arith.constant 0 : i32
      %dma_wait3A_60 = tpu.memref_slice %arg9[%add3A_22, %dma_wait3A_59] : memref<10112x16xf32, #tpu.memory_space<vmem_shared>> -> memref<128x16xf32, #tpu.memory_space<vmem_shared>>
      tpu.wait_dma2 semaphore(%run_scoped3A : memref<!tpu.dma_semaphore, #tpu.memory_space<semaphore_mem>>) src(%arg6 : memref<128x16xf32, #tpu.memory_space<vmem>>) dst(%dma_wait3A_60 : memref<128x16xf32, #tpu.memory_space<vmem_shared>>)
      tpu.yield
    }) : () -> ()
    %add3A_23 = arith.constant 384 : i32
    %add3A_24 = arith.addi %mul3A_16, %add3A_23 : i32
    "tpu.region"() ({
      %run_scoped3A = tpu.sem_alloc : memref<!tpu.dma_semaphore, #tpu.memory_space<semaphore_mem>>
      %dma_start3A_53 = arith.constant 0 : i32
      %dma_start3A_54 = tpu.memref_slice %arg9[%add3A_24, %dma_start3A_53] : memref<10112x16xf32, #tpu.memory_space<vmem_shared>> -> memref<128x16xf32, #tpu.memory_space<vmem_shared>>
      %dma_start3A_55 = arith.constant 0 : i32
      %dma_start3A_56 = tpu.memref_slice %arg9[%add3A_24, %dma_start3A_55] : memref<10112x16xf32, #tpu.memory_space<vmem_shared>> -> memref<128x16xf32, #tpu.memory_space<vmem_shared>>
      tpu.enqueue_dma source(%arg6 : memref<128x16xf32, #tpu.memory_space<vmem>>) target(%dma_start3A_56 : memref<128x16xf32, #tpu.memory_space<vmem_shared>>) target_semaphore(%run_scoped3A : memref<!tpu.dma_semaphore, #tpu.memory_space<semaphore_mem>>)
      %dma_wait3A_57 = arith.constant 0 : i32
      %dma_wait3A_58 = tpu.memref_slice %arg9[%add3A_24, %dma_wait3A_57] : memref<10112x16xf32, #tpu.memory_space<vmem_shared>> -> memref<128x16xf32, #tpu.memory_space<vmem_shared>>
      %dma_wait3A_59 = arith.constant 0 : i32
      %dma_wait3A_60 = tpu.memref_slice %arg9[%add3A_24, %dma_wait3A_59] : memref<10112x16xf32, #tpu.memory_space<vmem_shared>> -> memref<128x16xf32, #tpu.memory_space<vmem_shared>>
      tpu.wait_dma2 semaphore(%run_scoped3A : memref<!tpu.dma_semaphore, #tpu.memory_space<semaphore_mem>>) src(%arg6 : memref<128x16xf32, #tpu.memory_space<vmem>>) dst(%dma_wait3A_60 : memref<128x16xf32, #tpu.memory_space<vmem_shared>>)
      tpu.yield
    }) : () -> ()
    %add3A_25 = arith.constant 512 : i32
    %add3A_26 = arith.addi %mul3A_16, %add3A_25 : i32
    "tpu.region"() ({
      %run_scoped3A = tpu.sem_alloc : memref<!tpu.dma_semaphore, #tpu.memory_space<semaphore_mem>>
      %dma_start3A_53 = arith.constant 0 : i32
      %dma_start3A_54 = arith.constant 0 : i32
      %dma_start3A_55 = tpu.memref_slice %arg6[%dma_start3A_53, %dma_start3A_54] : memref<128x16xf32, #tpu.memory_space<vmem>> -> memref<120x16xf32, #tpu.memory_space<vmem>>
      %dma_start3A_56 = arith.constant 0 : i32
      %dma_start3A_57 = tpu.memref_slice %arg9[%add3A_26, %dma_start3A_56] : memref<10112x16xf32, #tpu.memory_space<vmem_shared>> -> memref<120x16xf32, #tpu.memory_space<vmem_shared>>
      %dma_start3A_58 = arith.constant 0 : i32
      %dma_start3A_59 = tpu.memref_slice %arg9[%add3A_26, %dma_start3A_58] : memref<10112x16xf32, #tpu.memory_space<vmem_shared>> -> memref<120x16xf32, #tpu.memory_space<vmem_shared>>
      %dma_start3A_60 = arith.constant 0 : i32
      %dma_start3A_61 = arith.constant 0 : i32
      %dma_start3A_62 = tpu.memref_slice %arg6[%dma_start3A_60, %dma_start3A_61] : memref<128x16xf32, #tpu.memory_space<vmem>> -> memref<120x16xf32, #tpu.memory_space<vmem>>
      tpu.enqueue_dma source(%dma_start3A_62 : memref<120x16xf32, #tpu.memory_space<vmem>>) target(%dma_start3A_59 : memref<120x16xf32, #tpu.memory_space<vmem_shared>>) target_semaphore(%run_scoped3A : memref<!tpu.dma_semaphore, #tpu.memory_space<semaphore_mem>>)
      %dma_wait3A_63 = arith.constant 0 : i32
      %dma_wait3A_64 = arith.constant 0 : i32
      %dma_wait3A_65 = tpu.memref_slice %arg6[%dma_wait3A_63, %dma_wait3A_64] : memref<128x16xf32, #tpu.memory_space<vmem>> -> memref<120x16xf32, #tpu.memory_space<vmem>>
      %dma_wait3A_66 = arith.constant 0 : i32
      %dma_wait3A_67 = tpu.memref_slice %arg9[%add3A_26, %dma_wait3A_66] : memref<10112x16xf32, #tpu.memory_space<vmem_shared>> -> memref<120x16xf32, #tpu.memory_space<vmem_shared>>
      %dma_wait3A_68 = arith.constant 0 : i32
      %dma_wait3A_69 = tpu.memref_slice %arg9[%add3A_26, %dma_wait3A_68] : memref<10112x16xf32, #tpu.memory_space<vmem_shared>> -> memref<120x16xf32, #tpu.memory_space<vmem_shared>>
      %dma_wait3A_70 = arith.constant 0 : i32
      %dma_wait3A_71 = arith.constant 0 : i32
      %dma_wait3A_72 = tpu.memref_slice %arg6[%dma_wait3A_70, %dma_wait3A_71] : memref<128x16xf32, #tpu.memory_space<vmem>> -> memref<120x16xf32, #tpu.memory_space<vmem>>
      tpu.wait_dma2 semaphore(%run_scoped3A : memref<!tpu.dma_semaphore, #tpu.memory_space<semaphore_mem>>) src(%dma_wait3A_72 : memref<120x16xf32, #tpu.memory_space<vmem>>) dst(%dma_wait3A_69 : memref<120x16xf32, #tpu.memory_space<vmem_shared>>)
      tpu.yield
    }) : () -> ()
    %mul3A_27 = arith.constant 80 : i32
    %mul3A_28 = arith.muli %add3A, %mul3A_27 : i32
    %dma_wait3A = arith.constant 0 : i32
    %dma_wait3A_29 = tpu.memref_slice %arg2[%mul3A_28, %dma_wait3A] : memref<2560x128xi32, #tpu.memory_space<hbm>> -> memref<80x128xi32, #tpu.memory_space<hbm>>
    %dma_wait3A_30 = arith.constant 0 : i32
    %dma_wait3A_31 = tpu.memref_slice %arg2[%mul3A_28, %dma_wait3A_30] : memref<2560x128xi32, #tpu.memory_space<hbm>> -> memref<80x128xi32, #tpu.memory_space<hbm>>
    tpu.wait_dma2 semaphore(%arg10 : memref<!tpu.dma_semaphore, #tpu.memory_space<semaphore_mem>>) src(%dma_wait3A_31 : memref<80x128xi32, #tpu.memory_space<hbm>>) dst(%arg4 : memref<80x128xi32, #tpu.memory_space<vmem>>)
    %barrier3A = arith.constant 0 : index
    tpu.barrier barrier_id(%barrier3A)
    %scan3A_32 = arith.constant 0 : i32
    %scan3A_33 = arith.constant 80 : i32
    %scan3A_34 = arith.addi %scan3A_32, %scan3A_33 : i32
    %scan3A_35 = arith.constant 1 : i32
    scf.for %scan3A_53 = %scan3A_32 to %scan3A_34 step %scan3A_35  : i32 {
      %mul3A_54 = arith.constant 1 : i32
      %mul3A_55 = arith.muli %scan3A_53, %mul3A_54 : i32
      %add3A_56 = arith.constant 0 : i32
      %add3A_57 = arith.addi %add3A_56, %mul3A_55 : i32
      %dma_start3A_58 = arith.constant 0 : i32
      %dma_start3A_59 = tpu.memref_slice %arg4[%add3A_57, %dma_start3A_58] : memref<80x128xi32, #tpu.memory_space<vmem>> -> memref<1x128xi32, #tpu.memory_space<vmem>>
      %dma_start3A_60 = tpu.memref_squeeze %dma_start3A_59 : memref<1x128xi32, #tpu.memory_space<vmem>> -> memref<128xi32, #tpu.memory_space<vmem>>
      %dma_start3A_61 = arith.constant 0 : i32
      %dma_start3A_62 = arith.constant 0 : i32
      %dma_start3A_63 = tpu.memref_slice %arg9[%dma_start3A_61, %dma_start3A_62] : memref<10112x16xf32, #tpu.memory_space<vmem_shared>> -> memref<10112x16xf32, #tpu.memory_space<vmem_shared>>
      tpu.enqueue_indirect_dma source(%arg5 : memref<128x16xf32, #tpu.memory_space<vmem>>) target(%dma_start3A_63 : memref<10112x16xf32, #tpu.memory_space<vmem_shared>>) offsets(%dma_start3A_60 : memref<128xi32, #tpu.memory_space<vmem>>) semaphore(%arg10 : memref<!tpu.dma_semaphore, #tpu.memory_space<semaphore_mem>>) {add = true}
    }
    %scan3A_36 = arith.constant 80 : i32
    %scan3A_37 = arith.constant 0 : i32
    %scan3A_38 = arith.constant 80 : i32
    %scan3A_39 = arith.addi %scan3A_37, %scan3A_38 : i32
    %scan3A_40 = arith.constant 1 : i32
    scf.for %scan3A_53 = %scan3A_37 to %scan3A_39 step %scan3A_40  : i32 {
      %mul3A_54 = arith.constant 1 : i32
      %mul3A_55 = arith.muli %scan3A_53, %mul3A_54 : i32
      %add3A_56 = arith.constant 0 : i32
      %add3A_57 = arith.addi %add3A_56, %mul3A_55 : i32
      %dma_wait3A_58 = arith.constant 0 : i32
      %dma_wait3A_59 = arith.constant 0 : i32
      %dma_wait3A_60 = tpu.memref_slice %arg4[%dma_wait3A_58, %dma_wait3A_59] : memref<80x128xi32, #tpu.memory_space<vmem>> -> memref<1x128xi32, #tpu.memory_space<vmem>>
      %dma_wait3A_61 = tpu.memref_squeeze %dma_wait3A_60 : memref<1x128xi32, #tpu.memory_space<vmem>> -> memref<128xi32, #tpu.memory_space<vmem>>
      %dma_wait3A_62 = arith.constant 0 : i32
      %dma_wait3A_63 = arith.constant 0 : i32
      %dma_wait3A_64 = tpu.memref_slice %arg9[%dma_wait3A_62, %dma_wait3A_63] : memref<10112x16xf32, #tpu.memory_space<vmem_shared>> -> memref<10112x16xf32, #tpu.memory_space<vmem_shared>>
      tpu.wait_indirect_dma semaphore(%arg10 : memref<!tpu.dma_semaphore, #tpu.memory_space<semaphore_mem>>) src(%arg5 : memref<128x16xf32, #tpu.memory_space<vmem>>) dst(%dma_wait3A_64 : memref<10112x16xf32, #tpu.memory_space<vmem_shared>>)
    }
    %scan3A_41 = arith.constant 80 : i32
    %barrier3A_42 = arith.constant 0 : index
    tpu.barrier barrier_id(%barrier3A_42)
    %mul3A_43 = arith.constant 632 : i32
    %mul3A_44 = arith.muli %arg1, %mul3A_43 : i32
    "tpu.region"() ({
      %run_scoped3A = tpu.sem_alloc : memref<!tpu.dma_semaphore, #tpu.memory_space<semaphore_mem>>
      %dma_start3A_53 = arith.constant 0 : i32
      %dma_start3A_54 = tpu.memref_slice %arg9[%mul3A_44, %dma_start3A_53] : memref<10112x16xf32, #tpu.memory_space<vmem_shared>> -> memref<632x16xf32, #tpu.memory_space<vmem_shared>>
      %dma_start3A_55 = arith.constant 0 : i32
      %dma_start3A_56 = tpu.memref_slice %arg9[%mul3A_44, %dma_start3A_55] : memref<10112x16xf32, #tpu.memory_space<vmem_shared>> -> memref<632x16xf32, #tpu.memory_space<vmem_shared>>
      tpu.enqueue_dma source(%dma_start3A_56 : memref<632x16xf32, #tpu.memory_space<vmem_shared>>) target(%arg7 : memref<632x16xf32, #tpu.memory_space<vmem>>) target_semaphore(%run_scoped3A : memref<!tpu.dma_semaphore, #tpu.memory_space<semaphore_mem>>)
      %dma_wait3A_57 = arith.constant 0 : i32
      %dma_wait3A_58 = tpu.memref_slice %arg9[%mul3A_44, %dma_wait3A_57] : memref<10112x16xf32, #tpu.memory_space<vmem_shared>> -> memref<632x16xf32, #tpu.memory_space<vmem_shared>>
      %dma_wait3A_59 = arith.constant 0 : i32
      %dma_wait3A_60 = tpu.memref_slice %arg9[%mul3A_44, %dma_wait3A_59] : memref<10112x16xf32, #tpu.memory_space<vmem_shared>> -> memref<632x16xf32, #tpu.memory_space<vmem_shared>>
      tpu.wait_dma2 semaphore(%run_scoped3A : memref<!tpu.dma_semaphore, #tpu.memory_space<semaphore_mem>>) src(%dma_wait3A_60 : memref<632x16xf32, #tpu.memory_space<vmem_shared>>) dst(%arg7 : memref<632x16xf32, #tpu.memory_space<vmem>>)
      tpu.yield
    }) : () -> ()
    %broadcast_in_dim3A = arith.constant 0 : i32
    %broadcast_in_dim3A_45 = vector.broadcast %broadcast_in_dim3A : i32 to vector<16xi32>
    %iota3A = tpu.iota {dimensions = array<i32: 0>} : vector<16xi32>
    %scan3A_46 = arith.constant 0 : i32
    %scan3A_47 = arith.constant 40 : i32
    %scan3A_48 = arith.addi %scan3A_46, %scan3A_47 : i32
    %scan3A_49 = arith.constant 1 : i32
    scf.for %scan3A_53 = %scan3A_46 to %scan3A_48 step %scan3A_49  : i32 {
      %mul3A_54 = arith.constant 16 : i32
      %mul3A_55 = arith.muli %scan3A_53, %mul3A_54 : i32
      %add3A_56 = arith.constant 0 : i32
      %add3A_57 = arith.addi %add3A_56, %mul3A_55 : i32
      %add3A_58 = vector.broadcast %add3A_57 : i32 to vector<16xi32>
      %add3A_59 = arith.addi %iota3A, %add3A_58 : vector<16xi32>
      %gather3A = tpu.vector_load_idx %arg7[%add3A_59, %broadcast_in_dim3A_45] : memref<632x16xf32, #tpu.memory_space<vmem>>[vector<16xi32>, vector<16xi32>], vector<16xf32>,
      %swap3A = arith.index_cast %add3A_57 : i32 to index
      %swap3A_60 = tpu.vector_load %arg8[%swap3A] {strides = array<i32>} : memref<632xf32, #tpu.memory_space<vmem>>, vector<16xf32>,
      tpu.vector_store %arg8[%swap3A], %gather3A {strides = array<i32>} : memref<632xf32, #tpu.memory_space<vmem>>, vector<16xf32>,
    }
    %scan3A_50 = arith.constant 40 : i32
    %mul3A_51 = arith.constant 632 : i32
    %mul3A_52 = arith.muli %arg1, %mul3A_51 : i32
    "tpu.region"() ({
      %run_scoped3A = tpu.sem_alloc : memref<!tpu.dma_semaphore, #tpu.memory_space<semaphore_mem>>
      %dma_start3A_53 = tpu.memref_slice %arg3[%arg0, %mul3A_52] : memref<2x10112xf32, #tpu.memory_space<hbm>> -> memref<1x632xf32, #tpu.memory_space<hbm>>
      %dma_start3A_54 = tpu.memref_squeeze %dma_start3A_53 : memref<1x632xf32, #tpu.memory_space<hbm>> -> memref<632xf32, #tpu.memory_space<hbm>>
      %dma_start3A_55 = tpu.memref_slice %arg3[%arg0, %mul3A_52] : memref<2x10112xf32, #tpu.memory_space<hbm>> -> memref<1x632xf32, #tpu.memory_space<hbm>>
      %dma_start3A_56 = tpu.memref_squeeze %dma_start3A_55 : memref<1x632xf32, #tpu.memory_space<hbm>> -> memref<632xf32, #tpu.memory_space<hbm>>
      tpu.enqueue_dma source(%arg8 : memref<632xf32, #tpu.memory_space<vmem>>) target(%dma_start3A_56 : memref<632xf32, #tpu.memory_space<hbm>>) target_semaphore(%run_scoped3A : memref<!tpu.dma_semaphore, #tpu.memory_space<semaphore_mem>>)
      %dma_wait3A_57 = tpu.memref_slice %arg3[%arg0, %mul3A_52] : memref<2x10112xf32, #tpu.memory_space<hbm>> -> memref<1x632xf32, #tpu.memory_space<hbm>>
      %dma_wait3A_58 = tpu.memref_squeeze %dma_wait3A_57 : memref<1x632xf32, #tpu.memory_space<hbm>> -> memref<632xf32, #tpu.memory_space<hbm>>
      %dma_wait3A_59 = tpu.memref_slice %arg3[%arg0, %mul3A_52] : memref<2x10112xf32, #tpu.memory_space<hbm>> -> memref<1x632xf32, #tpu.memory_space<hbm>>
      %dma_wait3A_60 = tpu.memref_squeeze %dma_wait3A_59 : memref<1x632xf32, #tpu.memory_space<hbm>> -> memref<632xf32, #tpu.memory_space<hbm>>
      tpu.wait_dma2 semaphore(%run_scoped3A : memref<!tpu.dma_semaphore, #tpu.memory_space<semaphore_mem>>) src(%arg8 : memref<632xf32, #tpu.memory_space<vmem>>) dst(%dma_wait3A_60 : memref<632xf32, #tpu.memory_space<hbm>>)
      tpu.yield
    }) : () -> ()
    return
  }
}

#map = affine_map<(d0, d1) -> (0, 0)>
module attributes {stable_mosaic.version = 14 : i64} {
  func.func @sc_agg16(%arg0: i32, %arg1: i32, %arg2: memref<10112x16xf32, #tpu.memory_space<hbm>>, %arg3: memref<2560x128xi32, #tpu.memory_space<hbm>>, %arg4: memref<2560x128xi32, #tpu.memory_space<hbm>>, %arg5: memref<10112x32xf32, #tpu.memory_space<hbm>>, %arg6: memref<80x128xi32, #tpu.memory_space<vmem>>, %arg7: memref<80x128xi32, #tpu.memory_space<vmem>>, %arg8: memref<128x16xf32, #tpu.memory_space<vmem>>, %arg9: memref<128x16xf32, #tpu.memory_space<vmem>>, %arg10: memref<128x16xf32, #tpu.memory_space<vmem>>, %arg11: memref<128x16xf32, #tpu.memory_space<vmem>>, %arg12: memref<128x16xf32, #tpu.memory_space<vmem>>, %arg13: memref<128x16xf32, #tpu.memory_space<vmem>>, %arg14: memref<128x16xf32, #tpu.memory_space<vmem>>, %arg15: memref<128x16xf32, #tpu.memory_space<vmem>>, %arg16: memref<!tpu.dma_semaphore, #tpu.memory_space<semaphore_mem>>, %arg17: memref<!tpu.dma_semaphore, #tpu.memory_space<semaphore_mem>>, %arg18: memref<!tpu.dma_semaphore, #tpu.memory_space<semaphore_mem>>, %arg19: memref<!tpu.dma_semaphore, #tpu.memory_space<semaphore_mem>>, %arg20: memref<!tpu.dma_semaphore, #tpu.memory_space<semaphore_mem>>, %arg21: memref<!tpu.dma_semaphore, #tpu.memory_space<semaphore_mem>>, %arg22: memref<!tpu.dma_semaphore, #tpu.memory_space<semaphore_mem>>, %arg23: memref<!tpu.dma_semaphore, #tpu.memory_space<semaphore_mem>>, %arg24: memref<!tpu.dma_semaphore, #tpu.memory_space<semaphore_mem>>, %arg25: memref<!tpu.dma_semaphore, #tpu.memory_space<semaphore_mem>>, %arg26: memref<!tpu.dma_semaphore, #tpu.memory_space<semaphore_mem>>, %arg27: memref<!tpu.dma_semaphore, #tpu.memory_space<semaphore_mem>>, %arg28: memref<!tpu.dma_semaphore, #tpu.memory_space<semaphore_mem>>, %arg29: memref<!tpu.dma_semaphore, #tpu.memory_space<semaphore_mem>>, %arg30: memref<!tpu.dma_semaphore, #tpu.memory_space<semaphore_mem>>, %arg31: memref<!tpu.dma_semaphore, #tpu.memory_space<semaphore_mem>>, %arg32: memref<128x16xf32, #tpu.memory_space<vmem>>, %arg33: memref<10112x16xf32, #tpu.memory_space<vmem_shared>>) attributes {dimension_semantics = [#tpu.dimension_semantics<core_parallel>, #tpu.dimension_semantics<subcore_parallel>], iteration_bounds = array<i64: 2, 16>, scalar_prefetch = 0 : i64, scratch_operands = 28 : i64, tpu.core_type = #tpu.core_type<sc_vector_subcore>, window_params = [{transform_indices = #map}, {transform_indices = #map}, {transform_indices = #map}, {transform_indices = #map}]} {
    %mul3A = arith.constant 16 : i32
    %mul3A_0 = arith.muli %arg0, %mul3A : i32
    %add3A = arith.addi %mul3A_0, %arg1 : i32
    %mul3A_1 = arith.constant 80 : i32
    %mul3A_2 = arith.muli %add3A, %mul3A_1 : i32
    %dma_start3A = arith.constant 0 : i32
    %dma_start3A_3 = tpu.memref_slice %arg3[%mul3A_2, %dma_start3A] : memref<2560x128xi32, #tpu.memory_space<hbm>> -> memref<80x128xi32, #tpu.memory_space<hbm>>
    %dma_start3A_4 = arith.constant 0 : i32
    %dma_start3A_5 = tpu.memref_slice %arg3[%mul3A_2, %dma_start3A_4] : memref<2560x128xi32, #tpu.memory_space<hbm>> -> memref<80x128xi32, #tpu.memory_space<hbm>>
    tpu.enqueue_dma source(%dma_start3A_5 : memref<80x128xi32, #tpu.memory_space<hbm>>) target(%arg6 : memref<80x128xi32, #tpu.memory_space<vmem>>) target_semaphore(%arg16 : memref<!tpu.dma_semaphore, #tpu.memory_space<semaphore_mem>>)
    %dma_start3A_6 = arith.constant 0 : i32
    %dma_start3A_7 = tpu.memref_slice %arg4[%mul3A_2, %dma_start3A_6] : memref<2560x128xi32, #tpu.memory_space<hbm>> -> memref<80x128xi32, #tpu.memory_space<hbm>>
    %dma_start3A_8 = arith.constant 0 : i32
    %dma_start3A_9 = tpu.memref_slice %arg4[%mul3A_2, %dma_start3A_8] : memref<2560x128xi32, #tpu.memory_space<hbm>> -> memref<80x128xi32, #tpu.memory_space<hbm>>
    tpu.enqueue_dma source(%dma_start3A_9 : memref<80x128xi32, #tpu.memory_space<hbm>>) target(%arg7 : memref<80x128xi32, #tpu.memory_space<vmem>>) target_semaphore(%arg17 : memref<!tpu.dma_semaphore, #tpu.memory_space<semaphore_mem>>)
    %scan3A = arith.constant 0 : i32
    %scan3A_10 = arith.constant 128 : i32
    %scan3A_11 = arith.addi %scan3A, %scan3A_10 : i32
    %scan3A_12 = arith.constant 1 : i32
    scf.for %scan3A_269 = %scan3A to %scan3A_11 step %scan3A_12  : i32 {
      %mul3A_270 = arith.constant 1 : i32
      %mul3A_271 = arith.muli %scan3A_269, %mul3A_270 : i32
      %add3A_272 = arith.constant 0 : i32
      %add3A_273 = arith.addi %add3A_272, %mul3A_271 : i32
      %broadcast_in_dim3A = arith.constant 0.000000e+00 : f32
      %broadcast_in_dim3A_274 = vector.broadcast %broadcast_in_dim3A : f32 to vector<16xf32>
      %swap3A = arith.index_cast %add3A_273 : i32 to index
      %swap3A_275 = arith.constant 0 : index
      %swap3A_276 = tpu.vector_load %arg32[%swap3A, %swap3A_275] {strides = array<i32>} : memref<128x16xf32, #tpu.memory_space<vmem>>, vector<16xf32>,
      tpu.vector_store %arg32[%swap3A, %swap3A_275], %broadcast_in_dim3A_274 {strides = array<i32>} : memref<128x16xf32, #tpu.memory_space<vmem>>, vector<16xf32>,
    }
    %scan3A_13 = arith.constant 128 : i32
    %mul3A_14 = arith.constant 632 : i32
    %mul3A_15 = arith.muli %arg1, %mul3A_14 : i32
    %add3A_16 = arith.constant 0 : i32
    %add3A_17 = arith.addi %mul3A_15, %add3A_16 : i32
    "tpu.region"() ({
      %run_scoped3A = tpu.sem_alloc : memref<!tpu.dma_semaphore, #tpu.memory_space<semaphore_mem>>
      %dma_start3A_269 = arith.constant 0 : i32
      %dma_start3A_270 = tpu.memref_slice %arg33[%add3A_17, %dma_start3A_269] : memref<10112x16xf32, #tpu.memory_space<vmem_shared>> -> memref<128x16xf32, #tpu.memory_space<vmem_shared>>
      %dma_start3A_271 = arith.constant 0 : i32
      %dma_start3A_272 = tpu.memref_slice %arg33[%add3A_17, %dma_start3A_271] : memref<10112x16xf32, #tpu.memory_space<vmem_shared>> -> memref<128x16xf32, #tpu.memory_space<vmem_shared>>
      tpu.enqueue_dma source(%arg32 : memref<128x16xf32, #tpu.memory_space<vmem>>) target(%dma_start3A_272 : memref<128x16xf32, #tpu.memory_space<vmem_shared>>) target_semaphore(%run_scoped3A : memref<!tpu.dma_semaphore, #tpu.memory_space<semaphore_mem>>)
      %dma_wait3A_273 = arith.constant 0 : i32
      %dma_wait3A_274 = tpu.memref_slice %arg33[%add3A_17, %dma_wait3A_273] : memref<10112x16xf32, #tpu.memory_space<vmem_shared>> -> memref<128x16xf32, #tpu.memory_space<vmem_shared>>
      %dma_wait3A_275 = arith.constant 0 : i32
      %dma_wait3A_276 = tpu.memref_slice %arg33[%add3A_17, %dma_wait3A_275] : memref<10112x16xf32, #tpu.memory_space<vmem_shared>> -> memref<128x16xf32, #tpu.memory_space<vmem_shared>>
      tpu.wait_dma2 semaphore(%run_scoped3A : memref<!tpu.dma_semaphore, #tpu.memory_space<semaphore_mem>>) src(%arg32 : memref<128x16xf32, #tpu.memory_space<vmem>>) dst(%dma_wait3A_276 : memref<128x16xf32, #tpu.memory_space<vmem_shared>>)
      tpu.yield
    }) : () -> ()
    %add3A_18 = arith.constant 128 : i32
    %add3A_19 = arith.addi %mul3A_15, %add3A_18 : i32
    "tpu.region"() ({
      %run_scoped3A = tpu.sem_alloc : memref<!tpu.dma_semaphore, #tpu.memory_space<semaphore_mem>>
      %dma_start3A_269 = arith.constant 0 : i32
      %dma_start3A_270 = tpu.memref_slice %arg33[%add3A_19, %dma_start3A_269] : memref<10112x16xf32, #tpu.memory_space<vmem_shared>> -> memref<128x16xf32, #tpu.memory_space<vmem_shared>>
      %dma_start3A_271 = arith.constant 0 : i32
      %dma_start3A_272 = tpu.memref_slice %arg33[%add3A_19, %dma_start3A_271] : memref<10112x16xf32, #tpu.memory_space<vmem_shared>> -> memref<128x16xf32, #tpu.memory_space<vmem_shared>>
      tpu.enqueue_dma source(%arg32 : memref<128x16xf32, #tpu.memory_space<vmem>>) target(%dma_start3A_272 : memref<128x16xf32, #tpu.memory_space<vmem_shared>>) target_semaphore(%run_scoped3A : memref<!tpu.dma_semaphore, #tpu.memory_space<semaphore_mem>>)
      %dma_wait3A_273 = arith.constant 0 : i32
      %dma_wait3A_274 = tpu.memref_slice %arg33[%add3A_19, %dma_wait3A_273] : memref<10112x16xf32, #tpu.memory_space<vmem_shared>> -> memref<128x16xf32, #tpu.memory_space<vmem_shared>>
      %dma_wait3A_275 = arith.constant 0 : i32
      %dma_wait3A_276 = tpu.memref_slice %arg33[%add3A_19, %dma_wait3A_275] : memref<10112x16xf32, #tpu.memory_space<vmem_shared>> -> memref<128x16xf32, #tpu.memory_space<vmem_shared>>
      tpu.wait_dma2 semaphore(%run_scoped3A : memref<!tpu.dma_semaphore, #tpu.memory_space<semaphore_mem>>) src(%arg32 : memref<128x16xf32, #tpu.memory_space<vmem>>) dst(%dma_wait3A_276 : memref<128x16xf32, #tpu.memory_space<vmem_shared>>)
      tpu.yield
    }) : () -> ()
    %add3A_20 = arith.constant 256 : i32
    %add3A_21 = arith.addi %mul3A_15, %add3A_20 : i32
    "tpu.region"() ({
      %run_scoped3A = tpu.sem_alloc : memref<!tpu.dma_semaphore, #tpu.memory_space<semaphore_mem>>
      %dma_start3A_269 = arith.constant 0 : i32
      %dma_start3A_270 = tpu.memref_slice %arg33[%add3A_21, %dma_start3A_269] : memref<10112x16xf32, #tpu.memory_space<vmem_shared>> -> memref<128x16xf32, #tpu.memory_space<vmem_shared>>
      %dma_start3A_271 = arith.constant 0 : i32
      %dma_start3A_272 = tpu.memref_slice %arg33[%add3A_21, %dma_start3A_271] : memref<10112x16xf32, #tpu.memory_space<vmem_shared>> -> memref<128x16xf32, #tpu.memory_space<vmem_shared>>
      tpu.enqueue_dma source(%arg32 : memref<128x16xf32, #tpu.memory_space<vmem>>) target(%dma_start3A_272 : memref<128x16xf32, #tpu.memory_space<vmem_shared>>) target_semaphore(%run_scoped3A : memref<!tpu.dma_semaphore, #tpu.memory_space<semaphore_mem>>)
      %dma_wait3A_273 = arith.constant 0 : i32
      %dma_wait3A_274 = tpu.memref_slice %arg33[%add3A_21, %dma_wait3A_273] : memref<10112x16xf32, #tpu.memory_space<vmem_shared>> -> memref<128x16xf32, #tpu.memory_space<vmem_shared>>
      %dma_wait3A_275 = arith.constant 0 : i32
      %dma_wait3A_276 = tpu.memref_slice %arg33[%add3A_21, %dma_wait3A_275] : memref<10112x16xf32, #tpu.memory_space<vmem_shared>> -> memref<128x16xf32, #tpu.memory_space<vmem_shared>>
      tpu.wait_dma2 semaphore(%run_scoped3A : memref<!tpu.dma_semaphore, #tpu.memory_space<semaphore_mem>>) src(%arg32 : memref<128x16xf32, #tpu.memory_space<vmem>>) dst(%dma_wait3A_276 : memref<128x16xf32, #tpu.memory_space<vmem_shared>>)
      tpu.yield
    }) : () -> ()
    %add3A_22 = arith.constant 384 : i32
    %add3A_23 = arith.addi %mul3A_15, %add3A_22 : i32
    "tpu.region"() ({
      %run_scoped3A = tpu.sem_alloc : memref<!tpu.dma_semaphore, #tpu.memory_space<semaphore_mem>>
      %dma_start3A_269 = arith.constant 0 : i32
      %dma_start3A_270 = tpu.memref_slice %arg33[%add3A_23, %dma_start3A_269] : memref<10112x16xf32, #tpu.memory_space<vmem_shared>> -> memref<128x16xf32, #tpu.memory_space<vmem_shared>>
      %dma_start3A_271 = arith.constant 0 : i32
      %dma_start3A_272 = tpu.memref_slice %arg33[%add3A_23, %dma_start3A_271] : memref<10112x16xf32, #tpu.memory_space<vmem_shared>> -> memref<128x16xf32, #tpu.memory_space<vmem_shared>>
      tpu.enqueue_dma source(%arg32 : memref<128x16xf32, #tpu.memory_space<vmem>>) target(%dma_start3A_272 : memref<128x16xf32, #tpu.memory_space<vmem_shared>>) target_semaphore(%run_scoped3A : memref<!tpu.dma_semaphore, #tpu.memory_space<semaphore_mem>>)
      %dma_wait3A_273 = arith.constant 0 : i32
      %dma_wait3A_274 = tpu.memref_slice %arg33[%add3A_23, %dma_wait3A_273] : memref<10112x16xf32, #tpu.memory_space<vmem_shared>> -> memref<128x16xf32, #tpu.memory_space<vmem_shared>>
      %dma_wait3A_275 = arith.constant 0 : i32
      %dma_wait3A_276 = tpu.memref_slice %arg33[%add3A_23, %dma_wait3A_275] : memref<10112x16xf32, #tpu.memory_space<vmem_shared>> -> memref<128x16xf32, #tpu.memory_space<vmem_shared>>
      tpu.wait_dma2 semaphore(%run_scoped3A : memref<!tpu.dma_semaphore, #tpu.memory_space<semaphore_mem>>) src(%arg32 : memref<128x16xf32, #tpu.memory_space<vmem>>) dst(%dma_wait3A_276 : memref<128x16xf32, #tpu.memory_space<vmem_shared>>)
      tpu.yield
    }) : () -> ()
    %add3A_24 = arith.constant 512 : i32
    %add3A_25 = arith.addi %mul3A_15, %add3A_24 : i32
    "tpu.region"() ({
      %run_scoped3A = tpu.sem_alloc : memref<!tpu.dma_semaphore, #tpu.memory_space<semaphore_mem>>
      %dma_start3A_269 = arith.constant 0 : i32
      %dma_start3A_270 = arith.constant 0 : i32
      %dma_start3A_271 = tpu.memref_slice %arg32[%dma_start3A_269, %dma_start3A_270] : memref<128x16xf32, #tpu.memory_space<vmem>> -> memref<120x16xf32, #tpu.memory_space<vmem>>
      %dma_start3A_272 = arith.constant 0 : i32
      %dma_start3A_273 = tpu.memref_slice %arg33[%add3A_25, %dma_start3A_272] : memref<10112x16xf32, #tpu.memory_space<vmem_shared>> -> memref<120x16xf32, #tpu.memory_space<vmem_shared>>
      %dma_start3A_274 = arith.constant 0 : i32
      %dma_start3A_275 = tpu.memref_slice %arg33[%add3A_25, %dma_start3A_274] : memref<10112x16xf32, #tpu.memory_space<vmem_shared>> -> memref<120x16xf32, #tpu.memory_space<vmem_shared>>
      %dma_start3A_276 = arith.constant 0 : i32
      %dma_start3A_277 = arith.constant 0 : i32
      %dma_start3A_278 = tpu.memref_slice %arg32[%dma_start3A_276, %dma_start3A_277] : memref<128x16xf32, #tpu.memory_space<vmem>> -> memref<120x16xf32, #tpu.memory_space<vmem>>
      tpu.enqueue_dma source(%dma_start3A_278 : memref<120x16xf32, #tpu.memory_space<vmem>>) target(%dma_start3A_275 : memref<120x16xf32, #tpu.memory_space<vmem_shared>>) target_semaphore(%run_scoped3A : memref<!tpu.dma_semaphore, #tpu.memory_space<semaphore_mem>>)
      %dma_wait3A_279 = arith.constant 0 : i32
      %dma_wait3A_280 = arith.constant 0 : i32
      %dma_wait3A_281 = tpu.memref_slice %arg32[%dma_wait3A_279, %dma_wait3A_280] : memref<128x16xf32, #tpu.memory_space<vmem>> -> memref<120x16xf32, #tpu.memory_space<vmem>>
      %dma_wait3A_282 = arith.constant 0 : i32
      %dma_wait3A_283 = tpu.memref_slice %arg33[%add3A_25, %dma_wait3A_282] : memref<10112x16xf32, #tpu.memory_space<vmem_shared>> -> memref<120x16xf32, #tpu.memory_space<vmem_shared>>
      %dma_wait3A_284 = arith.constant 0 : i32
      %dma_wait3A_285 = tpu.memref_slice %arg33[%add3A_25, %dma_wait3A_284] : memref<10112x16xf32, #tpu.memory_space<vmem_shared>> -> memref<120x16xf32, #tpu.memory_space<vmem_shared>>
      %dma_wait3A_286 = arith.constant 0 : i32
      %dma_wait3A_287 = arith.constant 0 : i32
      %dma_wait3A_288 = tpu.memref_slice %arg32[%dma_wait3A_286, %dma_wait3A_287] : memref<128x16xf32, #tpu.memory_space<vmem>> -> memref<120x16xf32, #tpu.memory_space<vmem>>
      tpu.wait_dma2 semaphore(%run_scoped3A : memref<!tpu.dma_semaphore, #tpu.memory_space<semaphore_mem>>) src(%dma_wait3A_288 : memref<120x16xf32, #tpu.memory_space<vmem>>) dst(%dma_wait3A_285 : memref<120x16xf32, #tpu.memory_space<vmem_shared>>)
      tpu.yield
    }) : () -> ()
    %dma_wait3A = arith.constant 0 : i32
    %dma_wait3A_26 = tpu.memref_slice %arg3[%mul3A_2, %dma_wait3A] : memref<2560x128xi32, #tpu.memory_space<hbm>> -> memref<80x128xi32, #tpu.memory_space<hbm>>
    %dma_wait3A_27 = arith.constant 0 : i32
    %dma_wait3A_28 = tpu.memref_slice %arg3[%mul3A_2, %dma_wait3A_27] : memref<2560x128xi32, #tpu.memory_space<hbm>> -> memref<80x128xi32, #tpu.memory_space<hbm>>
    tpu.wait_dma2 semaphore(%arg16 : memref<!tpu.dma_semaphore, #tpu.memory_space<semaphore_mem>>) src(%dma_wait3A_28 : memref<80x128xi32, #tpu.memory_space<hbm>>) dst(%arg6 : memref<80x128xi32, #tpu.memory_space<vmem>>)
    %dma_wait3A_29 = arith.constant 0 : i32
    %dma_wait3A_30 = tpu.memref_slice %arg4[%mul3A_2, %dma_wait3A_29] : memref<2560x128xi32, #tpu.memory_space<hbm>> -> memref<80x128xi32, #tpu.memory_space<hbm>>
    %dma_wait3A_31 = arith.constant 0 : i32
    %dma_wait3A_32 = tpu.memref_slice %arg4[%mul3A_2, %dma_wait3A_31] : memref<2560x128xi32, #tpu.memory_space<hbm>> -> memref<80x128xi32, #tpu.memory_space<hbm>>
    tpu.wait_dma2 semaphore(%arg17 : memref<!tpu.dma_semaphore, #tpu.memory_space<semaphore_mem>>) src(%dma_wait3A_32 : memref<80x128xi32, #tpu.memory_space<hbm>>) dst(%arg7 : memref<80x128xi32, #tpu.memory_space<vmem>>)
    %barrier3A = arith.constant 0 : index
    tpu.barrier barrier_id(%barrier3A)
    %dma_start3A_33 = arith.constant 0 : i32
    %dma_start3A_34 = arith.constant 0 : i32
    %dma_start3A_35 = tpu.memref_slice %arg6[%dma_start3A_33, %dma_start3A_34] : memref<80x128xi32, #tpu.memory_space<vmem>> -> memref<1x128xi32, #tpu.memory_space<vmem>>
    %dma_start3A_36 = tpu.memref_squeeze %dma_start3A_35 : memref<1x128xi32, #tpu.memory_space<vmem>> -> memref<128xi32, #tpu.memory_space<vmem>>
    %dma_start3A_37 = arith.constant 0 : i32
    %dma_start3A_38 = arith.constant 0 : i32
    %dma_start3A_39 = tpu.memref_slice %arg2[%dma_start3A_37, %dma_start3A_38] : memref<10112x16xf32, #tpu.memory_space<hbm>> -> memref<10112x16xf32, #tpu.memory_space<hbm>>
    tpu.enqueue_indirect_dma source(%dma_start3A_39 : memref<10112x16xf32, #tpu.memory_space<hbm>>) target(%arg8 : memref<128x16xf32, #tpu.memory_space<vmem>>) offsets(%dma_start3A_36 : memref<128xi32, #tpu.memory_space<vmem>>) semaphore(%arg16 : memref<!tpu.dma_semaphore, #tpu.memory_space<semaphore_mem>>)
    %dma_start3A_40 = arith.constant 1 : i32
    %dma_start3A_41 = arith.constant 0 : i32
    %dma_start3A_42 = tpu.memref_slice %arg6[%dma_start3A_40, %dma_start3A_41] : memref<80x128xi32, #tpu.memory_space<vmem>> -> memref<1x128xi32, #tpu.memory_space<vmem>>
    %dma_start3A_43 = tpu.memref_squeeze %dma_start3A_42 : memref<1x128xi32, #tpu.memory_space<vmem>> -> memref<128xi32, #tpu.memory_space<vmem>>
    %dma_start3A_44 = arith.constant 0 : i32
    %dma_start3A_45 = arith.constant 0 : i32
    %dma_start3A_46 = tpu.memref_slice %arg2[%dma_start3A_44, %dma_start3A_45] : memref<10112x16xf32, #tpu.memory_space<hbm>> -> memref<10112x16xf32, #tpu.memory_space<hbm>>
    tpu.enqueue_indirect_dma source(%dma_start3A_46 : memref<10112x16xf32, #tpu.memory_space<hbm>>) target(%arg9 : memref<128x16xf32, #tpu.memory_space<vmem>>) offsets(%dma_start3A_43 : memref<128xi32, #tpu.memory_space<vmem>>) semaphore(%arg17 : memref<!tpu.dma_semaphore, #tpu.memory_space<semaphore_mem>>)
    %dma_start3A_47 = arith.constant 2 : i32
    %dma_start3A_48 = arith.constant 0 : i32
    %dma_start3A_49 = tpu.memref_slice %arg6[%dma_start3A_47, %dma_start3A_48] : memref<80x128xi32, #tpu.memory_space<vmem>> -> memref<1x128xi32, #tpu.memory_space<vmem>>
    %dma_start3A_50 = tpu.memref_squeeze %dma_start3A_49 : memref<1x128xi32, #tpu.memory_space<vmem>> -> memref<128xi32, #tpu.memory_space<vmem>>
    %dma_start3A_51 = arith.constant 0 : i32
    %dma_start3A_52 = arith.constant 0 : i32
    %dma_start3A_53 = tpu.memref_slice %arg2[%dma_start3A_51, %dma_start3A_52] : memref<10112x16xf32, #tpu.memory_space<hbm>> -> memref<10112x16xf32, #tpu.memory_space<hbm>>
    tpu.enqueue_indirect_dma source(%dma_start3A_53 : memref<10112x16xf32, #tpu.memory_space<hbm>>) target(%arg10 : memref<128x16xf32, #tpu.memory_space<vmem>>) offsets(%dma_start3A_50 : memref<128xi32, #tpu.memory_space<vmem>>) semaphore(%arg18 : memref<!tpu.dma_semaphore, #tpu.memory_space<semaphore_mem>>)
    %dma_start3A_54 = arith.constant 3 : i32
    %dma_start3A_55 = arith.constant 0 : i32
    %dma_start3A_56 = tpu.memref_slice %arg6[%dma_start3A_54, %dma_start3A_55] : memref<80x128xi32, #tpu.memory_space<vmem>> -> memref<1x128xi32, #tpu.memory_space<vmem>>
    %dma_start3A_57 = tpu.memref_squeeze %dma_start3A_56 : memref<1x128xi32, #tpu.memory_space<vmem>> -> memref<128xi32, #tpu.memory_space<vmem>>
    %dma_start3A_58 = arith.constant 0 : i32
    %dma_start3A_59 = arith.constant 0 : i32
    %dma_start3A_60 = tpu.memref_slice %arg2[%dma_start3A_58, %dma_start3A_59] : memref<10112x16xf32, #tpu.memory_space<hbm>> -> memref<10112x16xf32, #tpu.memory_space<hbm>>
    tpu.enqueue_indirect_dma source(%dma_start3A_60 : memref<10112x16xf32, #tpu.memory_space<hbm>>) target(%arg11 : memref<128x16xf32, #tpu.memory_space<vmem>>) offsets(%dma_start3A_57 : memref<128xi32, #tpu.memory_space<vmem>>) semaphore(%arg19 : memref<!tpu.dma_semaphore, #tpu.memory_space<semaphore_mem>>)
    %dma_start3A_61 = arith.constant 4 : i32
    %dma_start3A_62 = arith.constant 0 : i32
    %dma_start3A_63 = tpu.memref_slice %arg6[%dma_start3A_61, %dma_start3A_62] : memref<80x128xi32, #tpu.memory_space<vmem>> -> memref<1x128xi32, #tpu.memory_space<vmem>>
    %dma_start3A_64 = tpu.memref_squeeze %dma_start3A_63 : memref<1x128xi32, #tpu.memory_space<vmem>> -> memref<128xi32, #tpu.memory_space<vmem>>
    %dma_start3A_65 = arith.constant 0 : i32
    %dma_start3A_66 = arith.constant 0 : i32
    %dma_start3A_67 = tpu.memref_slice %arg2[%dma_start3A_65, %dma_start3A_66] : memref<10112x16xf32, #tpu.memory_space<hbm>> -> memref<10112x16xf32, #tpu.memory_space<hbm>>
    tpu.enqueue_indirect_dma source(%dma_start3A_67 : memref<10112x16xf32, #tpu.memory_space<hbm>>) target(%arg12 : memref<128x16xf32, #tpu.memory_space<vmem>>) offsets(%dma_start3A_64 : memref<128xi32, #tpu.memory_space<vmem>>) semaphore(%arg20 : memref<!tpu.dma_semaphore, #tpu.memory_space<semaphore_mem>>)
    %dma_start3A_68 = arith.constant 5 : i32
    %dma_start3A_69 = arith.constant 0 : i32
    %dma_start3A_70 = tpu.memref_slice %arg6[%dma_start3A_68, %dma_start3A_69] : memref<80x128xi32, #tpu.memory_space<vmem>> -> memref<1x128xi32, #tpu.memory_space<vmem>>
    %dma_start3A_71 = tpu.memref_squeeze %dma_start3A_70 : memref<1x128xi32, #tpu.memory_space<vmem>> -> memref<128xi32, #tpu.memory_space<vmem>>
    %dma_start3A_72 = arith.constant 0 : i32
    %dma_start3A_73 = arith.constant 0 : i32
    %dma_start3A_74 = tpu.memref_slice %arg2[%dma_start3A_72, %dma_start3A_73] : memref<10112x16xf32, #tpu.memory_space<hbm>> -> memref<10112x16xf32, #tpu.memory_space<hbm>>
    tpu.enqueue_indirect_dma source(%dma_start3A_74 : memref<10112x16xf32, #tpu.memory_space<hbm>>) target(%arg13 : memref<128x16xf32, #tpu.memory_space<vmem>>) offsets(%dma_start3A_71 : memref<128xi32, #tpu.memory_space<vmem>>) semaphore(%arg21 : memref<!tpu.dma_semaphore, #tpu.memory_space<semaphore_mem>>)
    %dma_start3A_75 = arith.constant 6 : i32
    %dma_start3A_76 = arith.constant 0 : i32
    %dma_start3A_77 = tpu.memref_slice %arg6[%dma_start3A_75, %dma_start3A_76] : memref<80x128xi32, #tpu.memory_space<vmem>> -> memref<1x128xi32, #tpu.memory_space<vmem>>
    %dma_start3A_78 = tpu.memref_squeeze %dma_start3A_77 : memref<1x128xi32, #tpu.memory_space<vmem>> -> memref<128xi32, #tpu.memory_space<vmem>>
    %dma_start3A_79 = arith.constant 0 : i32
    %dma_start3A_80 = arith.constant 0 : i32
    %dma_start3A_81 = tpu.memref_slice %arg2[%dma_start3A_79, %dma_start3A_80] : memref<10112x16xf32, #tpu.memory_space<hbm>> -> memref<10112x16xf32, #tpu.memory_space<hbm>>
    tpu.enqueue_indirect_dma source(%dma_start3A_81 : memref<10112x16xf32, #tpu.memory_space<hbm>>) target(%arg14 : memref<128x16xf32, #tpu.memory_space<vmem>>) offsets(%dma_start3A_78 : memref<128xi32, #tpu.memory_space<vmem>>) semaphore(%arg22 : memref<!tpu.dma_semaphore, #tpu.memory_space<semaphore_mem>>)
    %dma_start3A_82 = arith.constant 7 : i32
    %dma_start3A_83 = arith.constant 0 : i32
    %dma_start3A_84 = tpu.memref_slice %arg6[%dma_start3A_82, %dma_start3A_83] : memref<80x128xi32, #tpu.memory_space<vmem>> -> memref<1x128xi32, #tpu.memory_space<vmem>>
    %dma_start3A_85 = tpu.memref_squeeze %dma_start3A_84 : memref<1x128xi32, #tpu.memory_space<vmem>> -> memref<128xi32, #tpu.memory_space<vmem>>
    %dma_start3A_86 = arith.constant 0 : i32
    %dma_start3A_87 = arith.constant 0 : i32
    %dma_start3A_88 = tpu.memref_slice %arg2[%dma_start3A_86, %dma_start3A_87] : memref<10112x16xf32, #tpu.memory_space<hbm>> -> memref<10112x16xf32, #tpu.memory_space<hbm>>
    tpu.enqueue_indirect_dma source(%dma_start3A_88 : memref<10112x16xf32, #tpu.memory_space<hbm>>) target(%arg15 : memref<128x16xf32, #tpu.memory_space<vmem>>) offsets(%dma_start3A_85 : memref<128xi32, #tpu.memory_space<vmem>>) semaphore(%arg23 : memref<!tpu.dma_semaphore, #tpu.memory_space<semaphore_mem>>)
    %scan3A_89 = arith.constant 0 : i32
    %scan3A_90 = arith.constant 9 : i32
    %scan3A_91 = arith.addi %scan3A_89, %scan3A_90 : i32
    %scan3A_92 = arith.constant 1 : i32
    scf.for %scan3A_269 = %scan3A_89 to %scan3A_91 step %scan3A_92  : i32 {
      %mul3A_270 = arith.constant 8 : i32
      %mul3A_271 = arith.muli %scan3A_269, %mul3A_270 : i32
      %add3A_272 = arith.constant 0 : i32
      %add3A_273 = arith.addi %add3A_272, %mul3A_271 : i32
      %dma_wait3A_274 = arith.constant 0 : i32
      %dma_wait3A_275 = arith.constant 0 : i32
      %dma_wait3A_276 = tpu.memref_slice %arg6[%dma_wait3A_274, %dma_wait3A_275] : memref<80x128xi32, #tpu.memory_space<vmem>> -> memref<1x128xi32, #tpu.memory_space<vmem>>
      %dma_wait3A_277 = tpu.memref_squeeze %dma_wait3A_276 : memref<1x128xi32, #tpu.memory_space<vmem>> -> memref<128xi32, #tpu.memory_space<vmem>>
      %dma_wait3A_278 = arith.constant 0 : i32
      %dma_wait3A_279 = arith.constant 0 : i32
      %dma_wait3A_280 = tpu.memref_slice %arg2[%dma_wait3A_278, %dma_wait3A_279] : memref<10112x16xf32, #tpu.memory_space<hbm>> -> memref<10112x16xf32, #tpu.memory_space<hbm>>
      tpu.wait_indirect_dma semaphore(%arg16 : memref<!tpu.dma_semaphore, #tpu.memory_space<semaphore_mem>>) src(%dma_wait3A_280 : memref<10112x16xf32, #tpu.memory_space<hbm>>) dst(%arg8 : memref<128x16xf32, #tpu.memory_space<vmem>>)
      %add3A_281 = arith.constant 0 : i32
      %add3A_282 = arith.addi %add3A_273, %add3A_281 : i32
      %dma_start3A_283 = arith.constant 0 : i32
      %dma_start3A_284 = tpu.memref_slice %arg7[%add3A_282, %dma_start3A_283] : memref<80x128xi32, #tpu.memory_space<vmem>> -> memref<1x128xi32, #tpu.memory_space<vmem>>
      %dma_start3A_285 = tpu.memref_squeeze %dma_start3A_284 : memref<1x128xi32, #tpu.memory_space<vmem>> -> memref<128xi32, #tpu.memory_space<vmem>>
      %dma_start3A_286 = arith.constant 0 : i32
      %dma_start3A_287 = arith.constant 0 : i32
      %dma_start3A_288 = tpu.memref_slice %arg33[%dma_start3A_286, %dma_start3A_287] : memref<10112x16xf32, #tpu.memory_space<vmem_shared>> -> memref<10112x16xf32, #tpu.memory_space<vmem_shared>>
      tpu.enqueue_indirect_dma source(%arg8 : memref<128x16xf32, #tpu.memory_space<vmem>>) target(%dma_start3A_288 : memref<10112x16xf32, #tpu.memory_space<vmem_shared>>) offsets(%dma_start3A_285 : memref<128xi32, #tpu.memory_space<vmem>>) semaphore(%arg24 : memref<!tpu.dma_semaphore, #tpu.memory_space<semaphore_mem>>) {add = true}
      %dma_wait3A_289 = arith.constant 0 : i32
      %dma_wait3A_290 = arith.constant 0 : i32
      %dma_wait3A_291 = tpu.memref_slice %arg6[%dma_wait3A_289, %dma_wait3A_290] : memref<80x128xi32, #tpu.memory_space<vmem>> -> memref<1x128xi32, #tpu.memory_space<vmem>>
      %dma_wait3A_292 = tpu.memref_squeeze %dma_wait3A_291 : memref<1x128xi32, #tpu.memory_space<vmem>> -> memref<128xi32, #tpu.memory_space<vmem>>
      %dma_wait3A_293 = arith.constant 0 : i32
      %dma_wait3A_294 = arith.constant 0 : i32
      %dma_wait3A_295 = tpu.memref_slice %arg2[%dma_wait3A_293, %dma_wait3A_294] : memref<10112x16xf32, #tpu.memory_space<hbm>> -> memref<10112x16xf32, #tpu.memory_space<hbm>>
      tpu.wait_indirect_dma semaphore(%arg17 : memref<!tpu.dma_semaphore, #tpu.memory_space<semaphore_mem>>) src(%dma_wait3A_295 : memref<10112x16xf32, #tpu.memory_space<hbm>>) dst(%arg9 : memref<128x16xf32, #tpu.memory_space<vmem>>)
      %add3A_296 = arith.constant 1 : i32
      %add3A_297 = arith.addi %add3A_273, %add3A_296 : i32
      %dma_start3A_298 = arith.constant 0 : i32
      %dma_start3A_299 = tpu.memref_slice %arg7[%add3A_297, %dma_start3A_298] : memref<80x128xi32, #tpu.memory_space<vmem>> -> memref<1x128xi32, #tpu.memory_space<vmem>>
      %dma_start3A_300 = tpu.memref_squeeze %dma_start3A_299 : memref<1x128xi32, #tpu.memory_space<vmem>> -> memref<128xi32, #tpu.memory_space<vmem>>
      %dma_start3A_301 = arith.constant 0 : i32
      %dma_start3A_302 = arith.constant 0 : i32
      %dma_start3A_303 = tpu.memref_slice %arg33[%dma_start3A_301, %dma_start3A_302] : memref<10112x16xf32, #tpu.memory_space<vmem_shared>> -> memref<10112x16xf32, #tpu.memory_space<vmem_shared>>
      tpu.enqueue_indirect_dma source(%arg9 : memref<128x16xf32, #tpu.memory_space<vmem>>) target(%dma_start3A_303 : memref<10112x16xf32, #tpu.memory_space<vmem_shared>>) offsets(%dma_start3A_300 : memref<128xi32, #tpu.memory_space<vmem>>) semaphore(%arg25 : memref<!tpu.dma_semaphore, #tpu.memory_space<semaphore_mem>>) {add = true}
      %dma_wait3A_304 = arith.constant 0 : i32
      %dma_wait3A_305 = arith.constant 0 : i32
      %dma_wait3A_306 = tpu.memref_slice %arg6[%dma_wait3A_304, %dma_wait3A_305] : memref<80x128xi32, #tpu.memory_space<vmem>> -> memref<1x128xi32, #tpu.memory_space<vmem>>
      %dma_wait3A_307 = tpu.memref_squeeze %dma_wait3A_306 : memref<1x128xi32, #tpu.memory_space<vmem>> -> memref<128xi32, #tpu.memory_space<vmem>>
      %dma_wait3A_308 = arith.constant 0 : i32
      %dma_wait3A_309 = arith.constant 0 : i32
      %dma_wait3A_310 = tpu.memref_slice %arg2[%dma_wait3A_308, %dma_wait3A_309] : memref<10112x16xf32, #tpu.memory_space<hbm>> -> memref<10112x16xf32, #tpu.memory_space<hbm>>
      tpu.wait_indirect_dma semaphore(%arg18 : memref<!tpu.dma_semaphore, #tpu.memory_space<semaphore_mem>>) src(%dma_wait3A_310 : memref<10112x16xf32, #tpu.memory_space<hbm>>) dst(%arg10 : memref<128x16xf32, #tpu.memory_space<vmem>>)
      %add3A_311 = arith.constant 2 : i32
      %add3A_312 = arith.addi %add3A_273, %add3A_311 : i32
      %dma_start3A_313 = arith.constant 0 : i32
      %dma_start3A_314 = tpu.memref_slice %arg7[%add3A_312, %dma_start3A_313] : memref<80x128xi32, #tpu.memory_space<vmem>> -> memref<1x128xi32, #tpu.memory_space<vmem>>
      %dma_start3A_315 = tpu.memref_squeeze %dma_start3A_314 : memref<1x128xi32, #tpu.memory_space<vmem>> -> memref<128xi32, #tpu.memory_space<vmem>>
      %dma_start3A_316 = arith.constant 0 : i32
      %dma_start3A_317 = arith.constant 0 : i32
      %dma_start3A_318 = tpu.memref_slice %arg33[%dma_start3A_316, %dma_start3A_317] : memref<10112x16xf32, #tpu.memory_space<vmem_shared>> -> memref<10112x16xf32, #tpu.memory_space<vmem_shared>>
      tpu.enqueue_indirect_dma source(%arg10 : memref<128x16xf32, #tpu.memory_space<vmem>>) target(%dma_start3A_318 : memref<10112x16xf32, #tpu.memory_space<vmem_shared>>) offsets(%dma_start3A_315 : memref<128xi32, #tpu.memory_space<vmem>>) semaphore(%arg26 : memref<!tpu.dma_semaphore, #tpu.memory_space<semaphore_mem>>) {add = true}
      %dma_wait3A_319 = arith.constant 0 : i32
      %dma_wait3A_320 = arith.constant 0 : i32
      %dma_wait3A_321 = tpu.memref_slice %arg6[%dma_wait3A_319, %dma_wait3A_320] : memref<80x128xi32, #tpu.memory_space<vmem>> -> memref<1x128xi32, #tpu.memory_space<vmem>>
      %dma_wait3A_322 = tpu.memref_squeeze %dma_wait3A_321 : memref<1x128xi32, #tpu.memory_space<vmem>> -> memref<128xi32, #tpu.memory_space<vmem>>
      %dma_wait3A_323 = arith.constant 0 : i32
      %dma_wait3A_324 = arith.constant 0 : i32
      %dma_wait3A_325 = tpu.memref_slice %arg2[%dma_wait3A_323, %dma_wait3A_324] : memref<10112x16xf32, #tpu.memory_space<hbm>> -> memref<10112x16xf32, #tpu.memory_space<hbm>>
      tpu.wait_indirect_dma semaphore(%arg19 : memref<!tpu.dma_semaphore, #tpu.memory_space<semaphore_mem>>) src(%dma_wait3A_325 : memref<10112x16xf32, #tpu.memory_space<hbm>>) dst(%arg11 : memref<128x16xf32, #tpu.memory_space<vmem>>)
      %add3A_326 = arith.constant 3 : i32
      %add3A_327 = arith.addi %add3A_273, %add3A_326 : i32
      %dma_start3A_328 = arith.constant 0 : i32
      %dma_start3A_329 = tpu.memref_slice %arg7[%add3A_327, %dma_start3A_328] : memref<80x128xi32, #tpu.memory_space<vmem>> -> memref<1x128xi32, #tpu.memory_space<vmem>>
      %dma_start3A_330 = tpu.memref_squeeze %dma_start3A_329 : memref<1x128xi32, #tpu.memory_space<vmem>> -> memref<128xi32, #tpu.memory_space<vmem>>
      %dma_start3A_331 = arith.constant 0 : i32
      %dma_start3A_332 = arith.constant 0 : i32
      %dma_start3A_333 = tpu.memref_slice %arg33[%dma_start3A_331, %dma_start3A_332] : memref<10112x16xf32, #tpu.memory_space<vmem_shared>> -> memref<10112x16xf32, #tpu.memory_space<vmem_shared>>
      tpu.enqueue_indirect_dma source(%arg11 : memref<128x16xf32, #tpu.memory_space<vmem>>) target(%dma_start3A_333 : memref<10112x16xf32, #tpu.memory_space<vmem_shared>>) offsets(%dma_start3A_330 : memref<128xi32, #tpu.memory_space<vmem>>) semaphore(%arg27 : memref<!tpu.dma_semaphore, #tpu.memory_space<semaphore_mem>>) {add = true}
      %dma_wait3A_334 = arith.constant 0 : i32
      %dma_wait3A_335 = arith.constant 0 : i32
      %dma_wait3A_336 = tpu.memref_slice %arg6[%dma_wait3A_334, %dma_wait3A_335] : memref<80x128xi32, #tpu.memory_space<vmem>> -> memref<1x128xi32, #tpu.memory_space<vmem>>
      %dma_wait3A_337 = tpu.memref_squeeze %dma_wait3A_336 : memref<1x128xi32, #tpu.memory_space<vmem>> -> memref<128xi32, #tpu.memory_space<vmem>>
      %dma_wait3A_338 = arith.constant 0 : i32
      %dma_wait3A_339 = arith.constant 0 : i32
      %dma_wait3A_340 = tpu.memref_slice %arg2[%dma_wait3A_338, %dma_wait3A_339] : memref<10112x16xf32, #tpu.memory_space<hbm>> -> memref<10112x16xf32, #tpu.memory_space<hbm>>
      tpu.wait_indirect_dma semaphore(%arg20 : memref<!tpu.dma_semaphore, #tpu.memory_space<semaphore_mem>>) src(%dma_wait3A_340 : memref<10112x16xf32, #tpu.memory_space<hbm>>) dst(%arg12 : memref<128x16xf32, #tpu.memory_space<vmem>>)
      %add3A_341 = arith.constant 4 : i32
      %add3A_342 = arith.addi %add3A_273, %add3A_341 : i32
      %dma_start3A_343 = arith.constant 0 : i32
      %dma_start3A_344 = tpu.memref_slice %arg7[%add3A_342, %dma_start3A_343] : memref<80x128xi32, #tpu.memory_space<vmem>> -> memref<1x128xi32, #tpu.memory_space<vmem>>
      %dma_start3A_345 = tpu.memref_squeeze %dma_start3A_344 : memref<1x128xi32, #tpu.memory_space<vmem>> -> memref<128xi32, #tpu.memory_space<vmem>>
      %dma_start3A_346 = arith.constant 0 : i32
      %dma_start3A_347 = arith.constant 0 : i32
      %dma_start3A_348 = tpu.memref_slice %arg33[%dma_start3A_346, %dma_start3A_347] : memref<10112x16xf32, #tpu.memory_space<vmem_shared>> -> memref<10112x16xf32, #tpu.memory_space<vmem_shared>>
      tpu.enqueue_indirect_dma source(%arg12 : memref<128x16xf32, #tpu.memory_space<vmem>>) target(%dma_start3A_348 : memref<10112x16xf32, #tpu.memory_space<vmem_shared>>) offsets(%dma_start3A_345 : memref<128xi32, #tpu.memory_space<vmem>>) semaphore(%arg28 : memref<!tpu.dma_semaphore, #tpu.memory_space<semaphore_mem>>) {add = true}
      %dma_wait3A_349 = arith.constant 0 : i32
      %dma_wait3A_350 = arith.constant 0 : i32
      %dma_wait3A_351 = tpu.memref_slice %arg6[%dma_wait3A_349, %dma_wait3A_350] : memref<80x128xi32, #tpu.memory_space<vmem>> -> memref<1x128xi32, #tpu.memory_space<vmem>>
      %dma_wait3A_352 = tpu.memref_squeeze %dma_wait3A_351 : memref<1x128xi32, #tpu.memory_space<vmem>> -> memref<128xi32, #tpu.memory_space<vmem>>
      %dma_wait3A_353 = arith.constant 0 : i32
      %dma_wait3A_354 = arith.constant 0 : i32
      %dma_wait3A_355 = tpu.memref_slice %arg2[%dma_wait3A_353, %dma_wait3A_354] : memref<10112x16xf32, #tpu.memory_space<hbm>> -> memref<10112x16xf32, #tpu.memory_space<hbm>>
      tpu.wait_indirect_dma semaphore(%arg21 : memref<!tpu.dma_semaphore, #tpu.memory_space<semaphore_mem>>) src(%dma_wait3A_355 : memref<10112x16xf32, #tpu.memory_space<hbm>>) dst(%arg13 : memref<128x16xf32, #tpu.memory_space<vmem>>)
      %add3A_356 = arith.constant 5 : i32
      %add3A_357 = arith.addi %add3A_273, %add3A_356 : i32
      %dma_start3A_358 = arith.constant 0 : i32
      %dma_start3A_359 = tpu.memref_slice %arg7[%add3A_357, %dma_start3A_358] : memref<80x128xi32, #tpu.memory_space<vmem>> -> memref<1x128xi32, #tpu.memory_space<vmem>>
      %dma_start3A_360 = tpu.memref_squeeze %dma_start3A_359 : memref<1x128xi32, #tpu.memory_space<vmem>> -> memref<128xi32, #tpu.memory_space<vmem>>
      %dma_start3A_361 = arith.constant 0 : i32
      %dma_start3A_362 = arith.constant 0 : i32
      %dma_start3A_363 = tpu.memref_slice %arg33[%dma_start3A_361, %dma_start3A_362] : memref<10112x16xf32, #tpu.memory_space<vmem_shared>> -> memref<10112x16xf32, #tpu.memory_space<vmem_shared>>
      tpu.enqueue_indirect_dma source(%arg13 : memref<128x16xf32, #tpu.memory_space<vmem>>) target(%dma_start3A_363 : memref<10112x16xf32, #tpu.memory_space<vmem_shared>>) offsets(%dma_start3A_360 : memref<128xi32, #tpu.memory_space<vmem>>) semaphore(%arg29 : memref<!tpu.dma_semaphore, #tpu.memory_space<semaphore_mem>>) {add = true}
      %dma_wait3A_364 = arith.constant 0 : i32
      %dma_wait3A_365 = arith.constant 0 : i32
      %dma_wait3A_366 = tpu.memref_slice %arg6[%dma_wait3A_364, %dma_wait3A_365] : memref<80x128xi32, #tpu.memory_space<vmem>> -> memref<1x128xi32, #tpu.memory_space<vmem>>
      %dma_wait3A_367 = tpu.memref_squeeze %dma_wait3A_366 : memref<1x128xi32, #tpu.memory_space<vmem>> -> memref<128xi32, #tpu.memory_space<vmem>>
      %dma_wait3A_368 = arith.constant 0 : i32
      %dma_wait3A_369 = arith.constant 0 : i32
      %dma_wait3A_370 = tpu.memref_slice %arg2[%dma_wait3A_368, %dma_wait3A_369] : memref<10112x16xf32, #tpu.memory_space<hbm>> -> memref<10112x16xf32, #tpu.memory_space<hbm>>
      tpu.wait_indirect_dma semaphore(%arg22 : memref<!tpu.dma_semaphore, #tpu.memory_space<semaphore_mem>>) src(%dma_wait3A_370 : memref<10112x16xf32, #tpu.memory_space<hbm>>) dst(%arg14 : memref<128x16xf32, #tpu.memory_space<vmem>>)
      %add3A_371 = arith.constant 6 : i32
      %add3A_372 = arith.addi %add3A_273, %add3A_371 : i32
      %dma_start3A_373 = arith.constant 0 : i32
      %dma_start3A_374 = tpu.memref_slice %arg7[%add3A_372, %dma_start3A_373] : memref<80x128xi32, #tpu.memory_space<vmem>> -> memref<1x128xi32, #tpu.memory_space<vmem>>
      %dma_start3A_375 = tpu.memref_squeeze %dma_start3A_374 : memref<1x128xi32, #tpu.memory_space<vmem>> -> memref<128xi32, #tpu.memory_space<vmem>>
      %dma_start3A_376 = arith.constant 0 : i32
      %dma_start3A_377 = arith.constant 0 : i32
      %dma_start3A_378 = tpu.memref_slice %arg33[%dma_start3A_376, %dma_start3A_377] : memref<10112x16xf32, #tpu.memory_space<vmem_shared>> -> memref<10112x16xf32, #tpu.memory_space<vmem_shared>>
      tpu.enqueue_indirect_dma source(%arg14 : memref<128x16xf32, #tpu.memory_space<vmem>>) target(%dma_start3A_378 : memref<10112x16xf32, #tpu.memory_space<vmem_shared>>) offsets(%dma_start3A_375 : memref<128xi32, #tpu.memory_space<vmem>>) semaphore(%arg30 : memref<!tpu.dma_semaphore, #tpu.memory_space<semaphore_mem>>) {add = true}
      %dma_wait3A_379 = arith.constant 0 : i32
      %dma_wait3A_380 = arith.constant 0 : i32
      %dma_wait3A_381 = tpu.memref_slice %arg6[%dma_wait3A_379, %dma_wait3A_380] : memref<80x128xi32, #tpu.memory_space<vmem>> -> memref<1x128xi32, #tpu.memory_space<vmem>>
      %dma_wait3A_382 = tpu.memref_squeeze %dma_wait3A_381 : memref<1x128xi32, #tpu.memory_space<vmem>> -> memref<128xi32, #tpu.memory_space<vmem>>
      %dma_wait3A_383 = arith.constant 0 : i32
      %dma_wait3A_384 = arith.constant 0 : i32
      %dma_wait3A_385 = tpu.memref_slice %arg2[%dma_wait3A_383, %dma_wait3A_384] : memref<10112x16xf32, #tpu.memory_space<hbm>> -> memref<10112x16xf32, #tpu.memory_space<hbm>>
      tpu.wait_indirect_dma semaphore(%arg23 : memref<!tpu.dma_semaphore, #tpu.memory_space<semaphore_mem>>) src(%dma_wait3A_385 : memref<10112x16xf32, #tpu.memory_space<hbm>>) dst(%arg15 : memref<128x16xf32, #tpu.memory_space<vmem>>)
      %add3A_386 = arith.constant 7 : i32
      %add3A_387 = arith.addi %add3A_273, %add3A_386 : i32
      %dma_start3A_388 = arith.constant 0 : i32
      %dma_start3A_389 = tpu.memref_slice %arg7[%add3A_387, %dma_start3A_388] : memref<80x128xi32, #tpu.memory_space<vmem>> -> memref<1x128xi32, #tpu.memory_space<vmem>>
      %dma_start3A_390 = tpu.memref_squeeze %dma_start3A_389 : memref<1x128xi32, #tpu.memory_space<vmem>> -> memref<128xi32, #tpu.memory_space<vmem>>
      %dma_start3A_391 = arith.constant 0 : i32
      %dma_start3A_392 = arith.constant 0 : i32
      %dma_start3A_393 = tpu.memref_slice %arg33[%dma_start3A_391, %dma_start3A_392] : memref<10112x16xf32, #tpu.memory_space<vmem_shared>> -> memref<10112x16xf32, #tpu.memory_space<vmem_shared>>
      tpu.enqueue_indirect_dma source(%arg15 : memref<128x16xf32, #tpu.memory_space<vmem>>) target(%dma_start3A_393 : memref<10112x16xf32, #tpu.memory_space<vmem_shared>>) offsets(%dma_start3A_390 : memref<128xi32, #tpu.memory_space<vmem>>) semaphore(%arg31 : memref<!tpu.dma_semaphore, #tpu.memory_space<semaphore_mem>>) {add = true}
      %dma_wait3A_394 = arith.constant 0 : i32
      %dma_wait3A_395 = arith.constant 0 : i32
      %dma_wait3A_396 = tpu.memref_slice %arg7[%dma_wait3A_394, %dma_wait3A_395] : memref<80x128xi32, #tpu.memory_space<vmem>> -> memref<1x128xi32, #tpu.memory_space<vmem>>
      %dma_wait3A_397 = tpu.memref_squeeze %dma_wait3A_396 : memref<1x128xi32, #tpu.memory_space<vmem>> -> memref<128xi32, #tpu.memory_space<vmem>>
      %dma_wait3A_398 = arith.constant 0 : i32
      %dma_wait3A_399 = arith.constant 0 : i32
      %dma_wait3A_400 = tpu.memref_slice %arg33[%dma_wait3A_398, %dma_wait3A_399] : memref<10112x16xf32, #tpu.memory_space<vmem_shared>> -> memref<10112x16xf32, #tpu.memory_space<vmem_shared>>
      tpu.wait_indirect_dma semaphore(%arg24 : memref<!tpu.dma_semaphore, #tpu.memory_space<semaphore_mem>>) src(%arg8 : memref<128x16xf32, #tpu.memory_space<vmem>>) dst(%dma_wait3A_400 : memref<10112x16xf32, #tpu.memory_space<vmem_shared>>)
      %add3A_401 = arith.constant 8 : i32
      %add3A_402 = arith.addi %add3A_273, %add3A_401 : i32
      %add3A_403 = arith.constant 0 : i32
      %add3A_404 = arith.addi %add3A_402, %add3A_403 : i32
      %dma_start3A_405 = arith.constant 0 : i32
      %dma_start3A_406 = tpu.memref_slice %arg6[%add3A_404, %dma_start3A_405] : memref<80x128xi32, #tpu.memory_space<vmem>> -> memref<1x128xi32, #tpu.memory_space<vmem>>
      %dma_start3A_407 = tpu.memref_squeeze %dma_start3A_406 : memref<1x128xi32, #tpu.memory_space<vmem>> -> memref<128xi32, #tpu.memory_space<vmem>>
      %dma_start3A_408 = arith.constant 0 : i32
      %dma_start3A_409 = arith.constant 0 : i32
      %dma_start3A_410 = tpu.memref_slice %arg2[%dma_start3A_408, %dma_start3A_409] : memref<10112x16xf32, #tpu.memory_space<hbm>> -> memref<10112x16xf32, #tpu.memory_space<hbm>>
      tpu.enqueue_indirect_dma source(%dma_start3A_410 : memref<10112x16xf32, #tpu.memory_space<hbm>>) target(%arg8 : memref<128x16xf32, #tpu.memory_space<vmem>>) offsets(%dma_start3A_407 : memref<128xi32, #tpu.memory_space<vmem>>) semaphore(%arg16 : memref<!tpu.dma_semaphore, #tpu.memory_space<semaphore_mem>>)
      %dma_wait3A_411 = arith.constant 0 : i32
      %dma_wait3A_412 = arith.constant 0 : i32
      %dma_wait3A_413 = tpu.memref_slice %arg7[%dma_wait3A_411, %dma_wait3A_412] : memref<80x128xi32, #tpu.memory_space<vmem>> -> memref<1x128xi32, #tpu.memory_space<vmem>>
      %dma_wait3A_414 = tpu.memref_squeeze %dma_wait3A_413 : memref<1x128xi32, #tpu.memory_space<vmem>> -> memref<128xi32, #tpu.memory_space<vmem>>
      %dma_wait3A_415 = arith.constant 0 : i32
      %dma_wait3A_416 = arith.constant 0 : i32
      %dma_wait3A_417 = tpu.memref_slice %arg33[%dma_wait3A_415, %dma_wait3A_416] : memref<10112x16xf32, #tpu.memory_space<vmem_shared>> -> memref<10112x16xf32, #tpu.memory_space<vmem_shared>>
      tpu.wait_indirect_dma semaphore(%arg25 : memref<!tpu.dma_semaphore, #tpu.memory_space<semaphore_mem>>) src(%arg9 : memref<128x16xf32, #tpu.memory_space<vmem>>) dst(%dma_wait3A_417 : memref<10112x16xf32, #tpu.memory_space<vmem_shared>>)
      %add3A_418 = arith.constant 8 : i32
      %add3A_419 = arith.addi %add3A_273, %add3A_418 : i32
      %add3A_420 = arith.constant 1 : i32
      %add3A_421 = arith.addi %add3A_419, %add3A_420 : i32
      %dma_start3A_422 = arith.constant 0 : i32
      %dma_start3A_423 = tpu.memref_slice %arg6[%add3A_421, %dma_start3A_422] : memref<80x128xi32, #tpu.memory_space<vmem>> -> memref<1x128xi32, #tpu.memory_space<vmem>>
      %dma_start3A_424 = tpu.memref_squeeze %dma_start3A_423 : memref<1x128xi32, #tpu.memory_space<vmem>> -> memref<128xi32, #tpu.memory_space<vmem>>
      %dma_start3A_425 = arith.constant 0 : i32
      %dma_start3A_426 = arith.constant 0 : i32
      %dma_start3A_427 = tpu.memref_slice %arg2[%dma_start3A_425, %dma_start3A_426] : memref<10112x16xf32, #tpu.memory_space<hbm>> -> memref<10112x16xf32, #tpu.memory_space<hbm>>
      tpu.enqueue_indirect_dma source(%dma_start3A_427 : memref<10112x16xf32, #tpu.memory_space<hbm>>) target(%arg9 : memref<128x16xf32, #tpu.memory_space<vmem>>) offsets(%dma_start3A_424 : memref<128xi32, #tpu.memory_space<vmem>>) semaphore(%arg17 : memref<!tpu.dma_semaphore, #tpu.memory_space<semaphore_mem>>)
      %dma_wait3A_428 = arith.constant 0 : i32
      %dma_wait3A_429 = arith.constant 0 : i32
      %dma_wait3A_430 = tpu.memref_slice %arg7[%dma_wait3A_428, %dma_wait3A_429] : memref<80x128xi32, #tpu.memory_space<vmem>> -> memref<1x128xi32, #tpu.memory_space<vmem>>
      %dma_wait3A_431 = tpu.memref_squeeze %dma_wait3A_430 : memref<1x128xi32, #tpu.memory_space<vmem>> -> memref<128xi32, #tpu.memory_space<vmem>>
      %dma_wait3A_432 = arith.constant 0 : i32
      %dma_wait3A_433 = arith.constant 0 : i32
      %dma_wait3A_434 = tpu.memref_slice %arg33[%dma_wait3A_432, %dma_wait3A_433] : memref<10112x16xf32, #tpu.memory_space<vmem_shared>> -> memref<10112x16xf32, #tpu.memory_space<vmem_shared>>
      tpu.wait_indirect_dma semaphore(%arg26 : memref<!tpu.dma_semaphore, #tpu.memory_space<semaphore_mem>>) src(%arg10 : memref<128x16xf32, #tpu.memory_space<vmem>>) dst(%dma_wait3A_434 : memref<10112x16xf32, #tpu.memory_space<vmem_shared>>)
      %add3A_435 = arith.constant 8 : i32
      %add3A_436 = arith.addi %add3A_273, %add3A_435 : i32
      %add3A_437 = arith.constant 2 : i32
      %add3A_438 = arith.addi %add3A_436, %add3A_437 : i32
      %dma_start3A_439 = arith.constant 0 : i32
      %dma_start3A_440 = tpu.memref_slice %arg6[%add3A_438, %dma_start3A_439] : memref<80x128xi32, #tpu.memory_space<vmem>> -> memref<1x128xi32, #tpu.memory_space<vmem>>
      %dma_start3A_441 = tpu.memref_squeeze %dma_start3A_440 : memref<1x128xi32, #tpu.memory_space<vmem>> -> memref<128xi32, #tpu.memory_space<vmem>>
      %dma_start3A_442 = arith.constant 0 : i32
      %dma_start3A_443 = arith.constant 0 : i32
      %dma_start3A_444 = tpu.memref_slice %arg2[%dma_start3A_442, %dma_start3A_443] : memref<10112x16xf32, #tpu.memory_space<hbm>> -> memref<10112x16xf32, #tpu.memory_space<hbm>>
      tpu.enqueue_indirect_dma source(%dma_start3A_444 : memref<10112x16xf32, #tpu.memory_space<hbm>>) target(%arg10 : memref<128x16xf32, #tpu.memory_space<vmem>>) offsets(%dma_start3A_441 : memref<128xi32, #tpu.memory_space<vmem>>) semaphore(%arg18 : memref<!tpu.dma_semaphore, #tpu.memory_space<semaphore_mem>>)
      %dma_wait3A_445 = arith.constant 0 : i32
      %dma_wait3A_446 = arith.constant 0 : i32
      %dma_wait3A_447 = tpu.memref_slice %arg7[%dma_wait3A_445, %dma_wait3A_446] : memref<80x128xi32, #tpu.memory_space<vmem>> -> memref<1x128xi32, #tpu.memory_space<vmem>>
      %dma_wait3A_448 = tpu.memref_squeeze %dma_wait3A_447 : memref<1x128xi32, #tpu.memory_space<vmem>> -> memref<128xi32, #tpu.memory_space<vmem>>
      %dma_wait3A_449 = arith.constant 0 : i32
      %dma_wait3A_450 = arith.constant 0 : i32
      %dma_wait3A_451 = tpu.memref_slice %arg33[%dma_wait3A_449, %dma_wait3A_450] : memref<10112x16xf32, #tpu.memory_space<vmem_shared>> -> memref<10112x16xf32, #tpu.memory_space<vmem_shared>>
      tpu.wait_indirect_dma semaphore(%arg27 : memref<!tpu.dma_semaphore, #tpu.memory_space<semaphore_mem>>) src(%arg11 : memref<128x16xf32, #tpu.memory_space<vmem>>) dst(%dma_wait3A_451 : memref<10112x16xf32, #tpu.memory_space<vmem_shared>>)
      %add3A_452 = arith.constant 8 : i32
      %add3A_453 = arith.addi %add3A_273, %add3A_452 : i32
      %add3A_454 = arith.constant 3 : i32
      %add3A_455 = arith.addi %add3A_453, %add3A_454 : i32
      %dma_start3A_456 = arith.constant 0 : i32
      %dma_start3A_457 = tpu.memref_slice %arg6[%add3A_455, %dma_start3A_456] : memref<80x128xi32, #tpu.memory_space<vmem>> -> memref<1x128xi32, #tpu.memory_space<vmem>>
      %dma_start3A_458 = tpu.memref_squeeze %dma_start3A_457 : memref<1x128xi32, #tpu.memory_space<vmem>> -> memref<128xi32, #tpu.memory_space<vmem>>
      %dma_start3A_459 = arith.constant 0 : i32
      %dma_start3A_460 = arith.constant 0 : i32
      %dma_start3A_461 = tpu.memref_slice %arg2[%dma_start3A_459, %dma_start3A_460] : memref<10112x16xf32, #tpu.memory_space<hbm>> -> memref<10112x16xf32, #tpu.memory_space<hbm>>
      tpu.enqueue_indirect_dma source(%dma_start3A_461 : memref<10112x16xf32, #tpu.memory_space<hbm>>) target(%arg11 : memref<128x16xf32, #tpu.memory_space<vmem>>) offsets(%dma_start3A_458 : memref<128xi32, #tpu.memory_space<vmem>>) semaphore(%arg19 : memref<!tpu.dma_semaphore, #tpu.memory_space<semaphore_mem>>)
      %dma_wait3A_462 = arith.constant 0 : i32
      %dma_wait3A_463 = arith.constant 0 : i32
      %dma_wait3A_464 = tpu.memref_slice %arg7[%dma_wait3A_462, %dma_wait3A_463] : memref<80x128xi32, #tpu.memory_space<vmem>> -> memref<1x128xi32, #tpu.memory_space<vmem>>
      %dma_wait3A_465 = tpu.memref_squeeze %dma_wait3A_464 : memref<1x128xi32, #tpu.memory_space<vmem>> -> memref<128xi32, #tpu.memory_space<vmem>>
      %dma_wait3A_466 = arith.constant 0 : i32
      %dma_wait3A_467 = arith.constant 0 : i32
      %dma_wait3A_468 = tpu.memref_slice %arg33[%dma_wait3A_466, %dma_wait3A_467] : memref<10112x16xf32, #tpu.memory_space<vmem_shared>> -> memref<10112x16xf32, #tpu.memory_space<vmem_shared>>
      tpu.wait_indirect_dma semaphore(%arg28 : memref<!tpu.dma_semaphore, #tpu.memory_space<semaphore_mem>>) src(%arg12 : memref<128x16xf32, #tpu.memory_space<vmem>>) dst(%dma_wait3A_468 : memref<10112x16xf32, #tpu.memory_space<vmem_shared>>)
      %add3A_469 = arith.constant 8 : i32
      %add3A_470 = arith.addi %add3A_273, %add3A_469 : i32
      %add3A_471 = arith.constant 4 : i32
      %add3A_472 = arith.addi %add3A_470, %add3A_471 : i32
      %dma_start3A_473 = arith.constant 0 : i32
      %dma_start3A_474 = tpu.memref_slice %arg6[%add3A_472, %dma_start3A_473] : memref<80x128xi32, #tpu.memory_space<vmem>> -> memref<1x128xi32, #tpu.memory_space<vmem>>
      %dma_start3A_475 = tpu.memref_squeeze %dma_start3A_474 : memref<1x128xi32, #tpu.memory_space<vmem>> -> memref<128xi32, #tpu.memory_space<vmem>>
      %dma_start3A_476 = arith.constant 0 : i32
      %dma_start3A_477 = arith.constant 0 : i32
      %dma_start3A_478 = tpu.memref_slice %arg2[%dma_start3A_476, %dma_start3A_477] : memref<10112x16xf32, #tpu.memory_space<hbm>> -> memref<10112x16xf32, #tpu.memory_space<hbm>>
      tpu.enqueue_indirect_dma source(%dma_start3A_478 : memref<10112x16xf32, #tpu.memory_space<hbm>>) target(%arg12 : memref<128x16xf32, #tpu.memory_space<vmem>>) offsets(%dma_start3A_475 : memref<128xi32, #tpu.memory_space<vmem>>) semaphore(%arg20 : memref<!tpu.dma_semaphore, #tpu.memory_space<semaphore_mem>>)
      %dma_wait3A_479 = arith.constant 0 : i32
      %dma_wait3A_480 = arith.constant 0 : i32
      %dma_wait3A_481 = tpu.memref_slice %arg7[%dma_wait3A_479, %dma_wait3A_480] : memref<80x128xi32, #tpu.memory_space<vmem>> -> memref<1x128xi32, #tpu.memory_space<vmem>>
      %dma_wait3A_482 = tpu.memref_squeeze %dma_wait3A_481 : memref<1x128xi32, #tpu.memory_space<vmem>> -> memref<128xi32, #tpu.memory_space<vmem>>
      %dma_wait3A_483 = arith.constant 0 : i32
      %dma_wait3A_484 = arith.constant 0 : i32
      %dma_wait3A_485 = tpu.memref_slice %arg33[%dma_wait3A_483, %dma_wait3A_484] : memref<10112x16xf32, #tpu.memory_space<vmem_shared>> -> memref<10112x16xf32, #tpu.memory_space<vmem_shared>>
      tpu.wait_indirect_dma semaphore(%arg29 : memref<!tpu.dma_semaphore, #tpu.memory_space<semaphore_mem>>) src(%arg13 : memref<128x16xf32, #tpu.memory_space<vmem>>) dst(%dma_wait3A_485 : memref<10112x16xf32, #tpu.memory_space<vmem_shared>>)
      %add3A_486 = arith.constant 8 : i32
      %add3A_487 = arith.addi %add3A_273, %add3A_486 : i32
      %add3A_488 = arith.constant 5 : i32
      %add3A_489 = arith.addi %add3A_487, %add3A_488 : i32
      %dma_start3A_490 = arith.constant 0 : i32
      %dma_start3A_491 = tpu.memref_slice %arg6[%add3A_489, %dma_start3A_490] : memref<80x128xi32, #tpu.memory_space<vmem>> -> memref<1x128xi32, #tpu.memory_space<vmem>>
      %dma_start3A_492 = tpu.memref_squeeze %dma_start3A_491 : memref<1x128xi32, #tpu.memory_space<vmem>> -> memref<128xi32, #tpu.memory_space<vmem>>
      %dma_start3A_493 = arith.constant 0 : i32
      %dma_start3A_494 = arith.constant 0 : i32
      %dma_start3A_495 = tpu.memref_slice %arg2[%dma_start3A_493, %dma_start3A_494] : memref<10112x16xf32, #tpu.memory_space<hbm>> -> memref<10112x16xf32, #tpu.memory_space<hbm>>
      tpu.enqueue_indirect_dma source(%dma_start3A_495 : memref<10112x16xf32, #tpu.memory_space<hbm>>) target(%arg13 : memref<128x16xf32, #tpu.memory_space<vmem>>) offsets(%dma_start3A_492 : memref<128xi32, #tpu.memory_space<vmem>>) semaphore(%arg21 : memref<!tpu.dma_semaphore, #tpu.memory_space<semaphore_mem>>)
      %dma_wait3A_496 = arith.constant 0 : i32
      %dma_wait3A_497 = arith.constant 0 : i32
      %dma_wait3A_498 = tpu.memref_slice %arg7[%dma_wait3A_496, %dma_wait3A_497] : memref<80x128xi32, #tpu.memory_space<vmem>> -> memref<1x128xi32, #tpu.memory_space<vmem>>
      %dma_wait3A_499 = tpu.memref_squeeze %dma_wait3A_498 : memref<1x128xi32, #tpu.memory_space<vmem>> -> memref<128xi32, #tpu.memory_space<vmem>>
      %dma_wait3A_500 = arith.constant 0 : i32
      %dma_wait3A_501 = arith.constant 0 : i32
      %dma_wait3A_502 = tpu.memref_slice %arg33[%dma_wait3A_500, %dma_wait3A_501] : memref<10112x16xf32, #tpu.memory_space<vmem_shared>> -> memref<10112x16xf32, #tpu.memory_space<vmem_shared>>
      tpu.wait_indirect_dma semaphore(%arg30 : memref<!tpu.dma_semaphore, #tpu.memory_space<semaphore_mem>>) src(%arg14 : memref<128x16xf32, #tpu.memory_space<vmem>>) dst(%dma_wait3A_502 : memref<10112x16xf32, #tpu.memory_space<vmem_shared>>)
      %add3A_503 = arith.constant 8 : i32
      %add3A_504 = arith.addi %add3A_273, %add3A_503 : i32
      %add3A_505 = arith.constant 6 : i32
      %add3A_506 = arith.addi %add3A_504, %add3A_505 : i32
      %dma_start3A_507 = arith.constant 0 : i32
      %dma_start3A_508 = tpu.memref_slice %arg6[%add3A_506, %dma_start3A_507] : memref<80x128xi32, #tpu.memory_space<vmem>> -> memref<1x128xi32, #tpu.memory_space<vmem>>
      %dma_start3A_509 = tpu.memref_squeeze %dma_start3A_508 : memref<1x128xi32, #tpu.memory_space<vmem>> -> memref<128xi32, #tpu.memory_space<vmem>>
      %dma_start3A_510 = arith.constant 0 : i32
      %dma_start3A_511 = arith.constant 0 : i32
      %dma_start3A_512 = tpu.memref_slice %arg2[%dma_start3A_510, %dma_start3A_511] : memref<10112x16xf32, #tpu.memory_space<hbm>> -> memref<10112x16xf32, #tpu.memory_space<hbm>>
      tpu.enqueue_indirect_dma source(%dma_start3A_512 : memref<10112x16xf32, #tpu.memory_space<hbm>>) target(%arg14 : memref<128x16xf32, #tpu.memory_space<vmem>>) offsets(%dma_start3A_509 : memref<128xi32, #tpu.memory_space<vmem>>) semaphore(%arg22 : memref<!tpu.dma_semaphore, #tpu.memory_space<semaphore_mem>>)
      %dma_wait3A_513 = arith.constant 0 : i32
      %dma_wait3A_514 = arith.constant 0 : i32
      %dma_wait3A_515 = tpu.memref_slice %arg7[%dma_wait3A_513, %dma_wait3A_514] : memref<80x128xi32, #tpu.memory_space<vmem>> -> memref<1x128xi32, #tpu.memory_space<vmem>>
      %dma_wait3A_516 = tpu.memref_squeeze %dma_wait3A_515 : memref<1x128xi32, #tpu.memory_space<vmem>> -> memref<128xi32, #tpu.memory_space<vmem>>
      %dma_wait3A_517 = arith.constant 0 : i32
      %dma_wait3A_518 = arith.constant 0 : i32
      %dma_wait3A_519 = tpu.memref_slice %arg33[%dma_wait3A_517, %dma_wait3A_518] : memref<10112x16xf32, #tpu.memory_space<vmem_shared>> -> memref<10112x16xf32, #tpu.memory_space<vmem_shared>>
      tpu.wait_indirect_dma semaphore(%arg31 : memref<!tpu.dma_semaphore, #tpu.memory_space<semaphore_mem>>) src(%arg15 : memref<128x16xf32, #tpu.memory_space<vmem>>) dst(%dma_wait3A_519 : memref<10112x16xf32, #tpu.memory_space<vmem_shared>>)
      %add3A_520 = arith.constant 8 : i32
      %add3A_521 = arith.addi %add3A_273, %add3A_520 : i32
      %add3A_522 = arith.constant 7 : i32
      %add3A_523 = arith.addi %add3A_521, %add3A_522 : i32
      %dma_start3A_524 = arith.constant 0 : i32
      %dma_start3A_525 = tpu.memref_slice %arg6[%add3A_523, %dma_start3A_524] : memref<80x128xi32, #tpu.memory_space<vmem>> -> memref<1x128xi32, #tpu.memory_space<vmem>>
      %dma_start3A_526 = tpu.memref_squeeze %dma_start3A_525 : memref<1x128xi32, #tpu.memory_space<vmem>> -> memref<128xi32, #tpu.memory_space<vmem>>
      %dma_start3A_527 = arith.constant 0 : i32
      %dma_start3A_528 = arith.constant 0 : i32
      %dma_start3A_529 = tpu.memref_slice %arg2[%dma_start3A_527, %dma_start3A_528] : memref<10112x16xf32, #tpu.memory_space<hbm>> -> memref<10112x16xf32, #tpu.memory_space<hbm>>
      tpu.enqueue_indirect_dma source(%dma_start3A_529 : memref<10112x16xf32, #tpu.memory_space<hbm>>) target(%arg15 : memref<128x16xf32, #tpu.memory_space<vmem>>) offsets(%dma_start3A_526 : memref<128xi32, #tpu.memory_space<vmem>>) semaphore(%arg23 : memref<!tpu.dma_semaphore, #tpu.memory_space<semaphore_mem>>)
    }
    %scan3A_93 = arith.constant 9 : i32
    %dma_wait3A_94 = arith.constant 0 : i32
    %dma_wait3A_95 = arith.constant 0 : i32
    %dma_wait3A_96 = tpu.memref_slice %arg6[%dma_wait3A_94, %dma_wait3A_95] : memref<80x128xi32, #tpu.memory_space<vmem>> -> memref<1x128xi32, #tpu.memory_space<vmem>>
    %dma_wait3A_97 = tpu.memref_squeeze %dma_wait3A_96 : memref<1x128xi32, #tpu.memory_space<vmem>> -> memref<128xi32, #tpu.memory_space<vmem>>
    %dma_wait3A_98 = arith.constant 0 : i32
    %dma_wait3A_99 = arith.constant 0 : i32
    %dma_wait3A_100 = tpu.memref_slice %arg2[%dma_wait3A_98, %dma_wait3A_99] : memref<10112x16xf32, #tpu.memory_space<hbm>> -> memref<10112x16xf32, #tpu.memory_space<hbm>>
    tpu.wait_indirect_dma semaphore(%arg16 : memref<!tpu.dma_semaphore, #tpu.memory_space<semaphore_mem>>) src(%dma_wait3A_100 : memref<10112x16xf32, #tpu.memory_space<hbm>>) dst(%arg8 : memref<128x16xf32, #tpu.memory_space<vmem>>)
    %dma_start3A_101 = arith.constant 72 : i32
    %dma_start3A_102 = arith.constant 0 : i32
    %dma_start3A_103 = tpu.memref_slice %arg7[%dma_start3A_101, %dma_start3A_102] : memref<80x128xi32, #tpu.memory_space<vmem>> -> memref<1x128xi32, #tpu.memory_space<vmem>>
    %dma_start3A_104 = tpu.memref_squeeze %dma_start3A_103 : memref<1x128xi32, #tpu.memory_space<vmem>> -> memref<128xi32, #tpu.memory_space<vmem>>
    %dma_start3A_105 = arith.constant 0 : i32
    %dma_start3A_106 = arith.constant 0 : i32
    %dma_start3A_107 = tpu.memref_slice %arg33[%dma_start3A_105, %dma_start3A_106] : memref<10112x16xf32, #tpu.memory_space<vmem_shared>> -> memref<10112x16xf32, #tpu.memory_space<vmem_shared>>
    tpu.enqueue_indirect_dma source(%arg8 : memref<128x16xf32, #tpu.memory_space<vmem>>) target(%dma_start3A_107 : memref<10112x16xf32, #tpu.memory_space<vmem_shared>>) offsets(%dma_start3A_104 : memref<128xi32, #tpu.memory_space<vmem>>) semaphore(%arg24 : memref<!tpu.dma_semaphore, #tpu.memory_space<semaphore_mem>>) {add = true}
    %dma_wait3A_108 = arith.constant 0 : i32
    %dma_wait3A_109 = arith.constant 0 : i32
    %dma_wait3A_110 = tpu.memref_slice %arg6[%dma_wait3A_108, %dma_wait3A_109] : memref<80x128xi32, #tpu.memory_space<vmem>> -> memref<1x128xi32, #tpu.memory_space<vmem>>
    %dma_wait3A_111 = tpu.memref_squeeze %dma_wait3A_110 : memref<1x128xi32, #tpu.memory_space<vmem>> -> memref<128xi32, #tpu.memory_space<vmem>>
    %dma_wait3A_112 = arith.constant 0 : i32
    %dma_wait3A_113 = arith.constant 0 : i32
    %dma_wait3A_114 = tpu.memref_slice %arg2[%dma_wait3A_112, %dma_wait3A_113] : memref<10112x16xf32, #tpu.memory_space<hbm>> -> memref<10112x16xf32, #tpu.memory_space<hbm>>
    tpu.wait_indirect_dma semaphore(%arg17 : memref<!tpu.dma_semaphore, #tpu.memory_space<semaphore_mem>>) src(%dma_wait3A_114 : memref<10112x16xf32, #tpu.memory_space<hbm>>) dst(%arg9 : memref<128x16xf32, #tpu.memory_space<vmem>>)
    %dma_start3A_115 = arith.constant 73 : i32
    %dma_start3A_116 = arith.constant 0 : i32
    %dma_start3A_117 = tpu.memref_slice %arg7[%dma_start3A_115, %dma_start3A_116] : memref<80x128xi32, #tpu.memory_space<vmem>> -> memref<1x128xi32, #tpu.memory_space<vmem>>
    %dma_start3A_118 = tpu.memref_squeeze %dma_start3A_117 : memref<1x128xi32, #tpu.memory_space<vmem>> -> memref<128xi32, #tpu.memory_space<vmem>>
    %dma_start3A_119 = arith.constant 0 : i32
    %dma_start3A_120 = arith.constant 0 : i32
    %dma_start3A_121 = tpu.memref_slice %arg33[%dma_start3A_119, %dma_start3A_120] : memref<10112x16xf32, #tpu.memory_space<vmem_shared>> -> memref<10112x16xf32, #tpu.memory_space<vmem_shared>>
    tpu.enqueue_indirect_dma source(%arg9 : memref<128x16xf32, #tpu.memory_space<vmem>>) target(%dma_start3A_121 : memref<10112x16xf32, #tpu.memory_space<vmem_shared>>) offsets(%dma_start3A_118 : memref<128xi32, #tpu.memory_space<vmem>>) semaphore(%arg25 : memref<!tpu.dma_semaphore, #tpu.memory_space<semaphore_mem>>) {add = true}
    %dma_wait3A_122 = arith.constant 0 : i32
    %dma_wait3A_123 = arith.constant 0 : i32
    %dma_wait3A_124 = tpu.memref_slice %arg6[%dma_wait3A_122, %dma_wait3A_123] : memref<80x128xi32, #tpu.memory_space<vmem>> -> memref<1x128xi32, #tpu.memory_space<vmem>>
    %dma_wait3A_125 = tpu.memref_squeeze %dma_wait3A_124 : memref<1x128xi32, #tpu.memory_space<vmem>> -> memref<128xi32, #tpu.memory_space<vmem>>
    %dma_wait3A_126 = arith.constant 0 : i32
    %dma_wait3A_127 = arith.constant 0 : i32
    %dma_wait3A_128 = tpu.memref_slice %arg2[%dma_wait3A_126, %dma_wait3A_127] : memref<10112x16xf32, #tpu.memory_space<hbm>> -> memref<10112x16xf32, #tpu.memory_space<hbm>>
    tpu.wait_indirect_dma semaphore(%arg18 : memref<!tpu.dma_semaphore, #tpu.memory_space<semaphore_mem>>) src(%dma_wait3A_128 : memref<10112x16xf32, #tpu.memory_space<hbm>>) dst(%arg10 : memref<128x16xf32, #tpu.memory_space<vmem>>)
    %dma_start3A_129 = arith.constant 74 : i32
    %dma_start3A_130 = arith.constant 0 : i32
    %dma_start3A_131 = tpu.memref_slice %arg7[%dma_start3A_129, %dma_start3A_130] : memref<80x128xi32, #tpu.memory_space<vmem>> -> memref<1x128xi32, #tpu.memory_space<vmem>>
    %dma_start3A_132 = tpu.memref_squeeze %dma_start3A_131 : memref<1x128xi32, #tpu.memory_space<vmem>> -> memref<128xi32, #tpu.memory_space<vmem>>
    %dma_start3A_133 = arith.constant 0 : i32
    %dma_start3A_134 = arith.constant 0 : i32
    %dma_start3A_135 = tpu.memref_slice %arg33[%dma_start3A_133, %dma_start3A_134] : memref<10112x16xf32, #tpu.memory_space<vmem_shared>> -> memref<10112x16xf32, #tpu.memory_space<vmem_shared>>
    tpu.enqueue_indirect_dma source(%arg10 : memref<128x16xf32, #tpu.memory_space<vmem>>) target(%dma_start3A_135 : memref<10112x16xf32, #tpu.memory_space<vmem_shared>>) offsets(%dma_start3A_132 : memref<128xi32, #tpu.memory_space<vmem>>) semaphore(%arg26 : memref<!tpu.dma_semaphore, #tpu.memory_space<semaphore_mem>>) {add = true}
    %dma_wait3A_136 = arith.constant 0 : i32
    %dma_wait3A_137 = arith.constant 0 : i32
    %dma_wait3A_138 = tpu.memref_slice %arg6[%dma_wait3A_136, %dma_wait3A_137] : memref<80x128xi32, #tpu.memory_space<vmem>> -> memref<1x128xi32, #tpu.memory_space<vmem>>
    %dma_wait3A_139 = tpu.memref_squeeze %dma_wait3A_138 : memref<1x128xi32, #tpu.memory_space<vmem>> -> memref<128xi32, #tpu.memory_space<vmem>>
    %dma_wait3A_140 = arith.constant 0 : i32
    %dma_wait3A_141 = arith.constant 0 : i32
    %dma_wait3A_142 = tpu.memref_slice %arg2[%dma_wait3A_140, %dma_wait3A_141] : memref<10112x16xf32, #tpu.memory_space<hbm>> -> memref<10112x16xf32, #tpu.memory_space<hbm>>
    tpu.wait_indirect_dma semaphore(%arg19 : memref<!tpu.dma_semaphore, #tpu.memory_space<semaphore_mem>>) src(%dma_wait3A_142 : memref<10112x16xf32, #tpu.memory_space<hbm>>) dst(%arg11 : memref<128x16xf32, #tpu.memory_space<vmem>>)
    %dma_start3A_143 = arith.constant 75 : i32
    %dma_start3A_144 = arith.constant 0 : i32
    %dma_start3A_145 = tpu.memref_slice %arg7[%dma_start3A_143, %dma_start3A_144] : memref<80x128xi32, #tpu.memory_space<vmem>> -> memref<1x128xi32, #tpu.memory_space<vmem>>
    %dma_start3A_146 = tpu.memref_squeeze %dma_start3A_145 : memref<1x128xi32, #tpu.memory_space<vmem>> -> memref<128xi32, #tpu.memory_space<vmem>>
    %dma_start3A_147 = arith.constant 0 : i32
    %dma_start3A_148 = arith.constant 0 : i32
    %dma_start3A_149 = tpu.memref_slice %arg33[%dma_start3A_147, %dma_start3A_148] : memref<10112x16xf32, #tpu.memory_space<vmem_shared>> -> memref<10112x16xf32, #tpu.memory_space<vmem_shared>>
    tpu.enqueue_indirect_dma source(%arg11 : memref<128x16xf32, #tpu.memory_space<vmem>>) target(%dma_start3A_149 : memref<10112x16xf32, #tpu.memory_space<vmem_shared>>) offsets(%dma_start3A_146 : memref<128xi32, #tpu.memory_space<vmem>>) semaphore(%arg27 : memref<!tpu.dma_semaphore, #tpu.memory_space<semaphore_mem>>) {add = true}
    %dma_wait3A_150 = arith.constant 0 : i32
    %dma_wait3A_151 = arith.constant 0 : i32
    %dma_wait3A_152 = tpu.memref_slice %arg6[%dma_wait3A_150, %dma_wait3A_151] : memref<80x128xi32, #tpu.memory_space<vmem>> -> memref<1x128xi32, #tpu.memory_space<vmem>>
    %dma_wait3A_153 = tpu.memref_squeeze %dma_wait3A_152 : memref<1x128xi32, #tpu.memory_space<vmem>> -> memref<128xi32, #tpu.memory_space<vmem>>
    %dma_wait3A_154 = arith.constant 0 : i32
    %dma_wait3A_155 = arith.constant 0 : i32
    %dma_wait3A_156 = tpu.memref_slice %arg2[%dma_wait3A_154, %dma_wait3A_155] : memref<10112x16xf32, #tpu.memory_space<hbm>> -> memref<10112x16xf32, #tpu.memory_space<hbm>>
    tpu.wait_indirect_dma semaphore(%arg20 : memref<!tpu.dma_semaphore, #tpu.memory_space<semaphore_mem>>) src(%dma_wait3A_156 : memref<10112x16xf32, #tpu.memory_space<hbm>>) dst(%arg12 : memref<128x16xf32, #tpu.memory_space<vmem>>)
    %dma_start3A_157 = arith.constant 76 : i32
    %dma_start3A_158 = arith.constant 0 : i32
    %dma_start3A_159 = tpu.memref_slice %arg7[%dma_start3A_157, %dma_start3A_158] : memref<80x128xi32, #tpu.memory_space<vmem>> -> memref<1x128xi32, #tpu.memory_space<vmem>>
    %dma_start3A_160 = tpu.memref_squeeze %dma_start3A_159 : memref<1x128xi32, #tpu.memory_space<vmem>> -> memref<128xi32, #tpu.memory_space<vmem>>
    %dma_start3A_161 = arith.constant 0 : i32
    %dma_start3A_162 = arith.constant 0 : i32
    %dma_start3A_163 = tpu.memref_slice %arg33[%dma_start3A_161, %dma_start3A_162] : memref<10112x16xf32, #tpu.memory_space<vmem_shared>> -> memref<10112x16xf32, #tpu.memory_space<vmem_shared>>
    tpu.enqueue_indirect_dma source(%arg12 : memref<128x16xf32, #tpu.memory_space<vmem>>) target(%dma_start3A_163 : memref<10112x16xf32, #tpu.memory_space<vmem_shared>>) offsets(%dma_start3A_160 : memref<128xi32, #tpu.memory_space<vmem>>) semaphore(%arg28 : memref<!tpu.dma_semaphore, #tpu.memory_space<semaphore_mem>>) {add = true}
    %dma_wait3A_164 = arith.constant 0 : i32
    %dma_wait3A_165 = arith.constant 0 : i32
    %dma_wait3A_166 = tpu.memref_slice %arg6[%dma_wait3A_164, %dma_wait3A_165] : memref<80x128xi32, #tpu.memory_space<vmem>> -> memref<1x128xi32, #tpu.memory_space<vmem>>
    %dma_wait3A_167 = tpu.memref_squeeze %dma_wait3A_166 : memref<1x128xi32, #tpu.memory_space<vmem>> -> memref<128xi32, #tpu.memory_space<vmem>>
    %dma_wait3A_168 = arith.constant 0 : i32
    %dma_wait3A_169 = arith.constant 0 : i32
    %dma_wait3A_170 = tpu.memref_slice %arg2[%dma_wait3A_168, %dma_wait3A_169] : memref<10112x16xf32, #tpu.memory_space<hbm>> -> memref<10112x16xf32, #tpu.memory_space<hbm>>
    tpu.wait_indirect_dma semaphore(%arg21 : memref<!tpu.dma_semaphore, #tpu.memory_space<semaphore_mem>>) src(%dma_wait3A_170 : memref<10112x16xf32, #tpu.memory_space<hbm>>) dst(%arg13 : memref<128x16xf32, #tpu.memory_space<vmem>>)
    %dma_start3A_171 = arith.constant 77 : i32
    %dma_start3A_172 = arith.constant 0 : i32
    %dma_start3A_173 = tpu.memref_slice %arg7[%dma_start3A_171, %dma_start3A_172] : memref<80x128xi32, #tpu.memory_space<vmem>> -> memref<1x128xi32, #tpu.memory_space<vmem>>
    %dma_start3A_174 = tpu.memref_squeeze %dma_start3A_173 : memref<1x128xi32, #tpu.memory_space<vmem>> -> memref<128xi32, #tpu.memory_space<vmem>>
    %dma_start3A_175 = arith.constant 0 : i32
    %dma_start3A_176 = arith.constant 0 : i32
    %dma_start3A_177 = tpu.memref_slice %arg33[%dma_start3A_175, %dma_start3A_176] : memref<10112x16xf32, #tpu.memory_space<vmem_shared>> -> memref<10112x16xf32, #tpu.memory_space<vmem_shared>>
    tpu.enqueue_indirect_dma source(%arg13 : memref<128x16xf32, #tpu.memory_space<vmem>>) target(%dma_start3A_177 : memref<10112x16xf32, #tpu.memory_space<vmem_shared>>) offsets(%dma_start3A_174 : memref<128xi32, #tpu.memory_space<vmem>>) semaphore(%arg29 : memref<!tpu.dma_semaphore, #tpu.memory_space<semaphore_mem>>) {add = true}
    %dma_wait3A_178 = arith.constant 0 : i32
    %dma_wait3A_179 = arith.constant 0 : i32
    %dma_wait3A_180 = tpu.memref_slice %arg6[%dma_wait3A_178, %dma_wait3A_179] : memref<80x128xi32, #tpu.memory_space<vmem>> -> memref<1x128xi32, #tpu.memory_space<vmem>>
    %dma_wait3A_181 = tpu.memref_squeeze %dma_wait3A_180 : memref<1x128xi32, #tpu.memory_space<vmem>> -> memref<128xi32, #tpu.memory_space<vmem>>
    %dma_wait3A_182 = arith.constant 0 : i32
    %dma_wait3A_183 = arith.constant 0 : i32
    %dma_wait3A_184 = tpu.memref_slice %arg2[%dma_wait3A_182, %dma_wait3A_183] : memref<10112x16xf32, #tpu.memory_space<hbm>> -> memref<10112x16xf32, #tpu.memory_space<hbm>>
    tpu.wait_indirect_dma semaphore(%arg22 : memref<!tpu.dma_semaphore, #tpu.memory_space<semaphore_mem>>) src(%dma_wait3A_184 : memref<10112x16xf32, #tpu.memory_space<hbm>>) dst(%arg14 : memref<128x16xf32, #tpu.memory_space<vmem>>)
    %dma_start3A_185 = arith.constant 78 : i32
    %dma_start3A_186 = arith.constant 0 : i32
    %dma_start3A_187 = tpu.memref_slice %arg7[%dma_start3A_185, %dma_start3A_186] : memref<80x128xi32, #tpu.memory_space<vmem>> -> memref<1x128xi32, #tpu.memory_space<vmem>>
    %dma_start3A_188 = tpu.memref_squeeze %dma_start3A_187 : memref<1x128xi32, #tpu.memory_space<vmem>> -> memref<128xi32, #tpu.memory_space<vmem>>
    %dma_start3A_189 = arith.constant 0 : i32
    %dma_start3A_190 = arith.constant 0 : i32
    %dma_start3A_191 = tpu.memref_slice %arg33[%dma_start3A_189, %dma_start3A_190] : memref<10112x16xf32, #tpu.memory_space<vmem_shared>> -> memref<10112x16xf32, #tpu.memory_space<vmem_shared>>
    tpu.enqueue_indirect_dma source(%arg14 : memref<128x16xf32, #tpu.memory_space<vmem>>) target(%dma_start3A_191 : memref<10112x16xf32, #tpu.memory_space<vmem_shared>>) offsets(%dma_start3A_188 : memref<128xi32, #tpu.memory_space<vmem>>) semaphore(%arg30 : memref<!tpu.dma_semaphore, #tpu.memory_space<semaphore_mem>>) {add = true}
    %dma_wait3A_192 = arith.constant 0 : i32
    %dma_wait3A_193 = arith.constant 0 : i32
    %dma_wait3A_194 = tpu.memref_slice %arg6[%dma_wait3A_192, %dma_wait3A_193] : memref<80x128xi32, #tpu.memory_space<vmem>> -> memref<1x128xi32, #tpu.memory_space<vmem>>
    %dma_wait3A_195 = tpu.memref_squeeze %dma_wait3A_194 : memref<1x128xi32, #tpu.memory_space<vmem>> -> memref<128xi32, #tpu.memory_space<vmem>>
    %dma_wait3A_196 = arith.constant 0 : i32
    %dma_wait3A_197 = arith.constant 0 : i32
    %dma_wait3A_198 = tpu.memref_slice %arg2[%dma_wait3A_196, %dma_wait3A_197] : memref<10112x16xf32, #tpu.memory_space<hbm>> -> memref<10112x16xf32, #tpu.memory_space<hbm>>
    tpu.wait_indirect_dma semaphore(%arg23 : memref<!tpu.dma_semaphore, #tpu.memory_space<semaphore_mem>>) src(%dma_wait3A_198 : memref<10112x16xf32, #tpu.memory_space<hbm>>) dst(%arg15 : memref<128x16xf32, #tpu.memory_space<vmem>>)
    %dma_start3A_199 = arith.constant 79 : i32
    %dma_start3A_200 = arith.constant 0 : i32
    %dma_start3A_201 = tpu.memref_slice %arg7[%dma_start3A_199, %dma_start3A_200] : memref<80x128xi32, #tpu.memory_space<vmem>> -> memref<1x128xi32, #tpu.memory_space<vmem>>
    %dma_start3A_202 = tpu.memref_squeeze %dma_start3A_201 : memref<1x128xi32, #tpu.memory_space<vmem>> -> memref<128xi32, #tpu.memory_space<vmem>>
    %dma_start3A_203 = arith.constant 0 : i32
    %dma_start3A_204 = arith.constant 0 : i32
    %dma_start3A_205 = tpu.memref_slice %arg33[%dma_start3A_203, %dma_start3A_204] : memref<10112x16xf32, #tpu.memory_space<vmem_shared>> -> memref<10112x16xf32, #tpu.memory_space<vmem_shared>>
    tpu.enqueue_indirect_dma source(%arg15 : memref<128x16xf32, #tpu.memory_space<vmem>>) target(%dma_start3A_205 : memref<10112x16xf32, #tpu.memory_space<vmem_shared>>) offsets(%dma_start3A_202 : memref<128xi32, #tpu.memory_space<vmem>>) semaphore(%arg31 : memref<!tpu.dma_semaphore, #tpu.memory_space<semaphore_mem>>) {add = true}
    %dma_wait3A_206 = arith.constant 0 : i32
    %dma_wait3A_207 = arith.constant 0 : i32
    %dma_wait3A_208 = tpu.memref_slice %arg7[%dma_wait3A_206, %dma_wait3A_207] : memref<80x128xi32, #tpu.memory_space<vmem>> -> memref<1x128xi32, #tpu.memory_space<vmem>>
    %dma_wait3A_209 = tpu.memref_squeeze %dma_wait3A_208 : memref<1x128xi32, #tpu.memory_space<vmem>> -> memref<128xi32, #tpu.memory_space<vmem>>
    %dma_wait3A_210 = arith.constant 0 : i32
    %dma_wait3A_211 = arith.constant 0 : i32
    %dma_wait3A_212 = tpu.memref_slice %arg33[%dma_wait3A_210, %dma_wait3A_211] : memref<10112x16xf32, #tpu.memory_space<vmem_shared>> -> memref<10112x16xf32, #tpu.memory_space<vmem_shared>>
    tpu.wait_indirect_dma semaphore(%arg24 : memref<!tpu.dma_semaphore, #tpu.memory_space<semaphore_mem>>) src(%arg8 : memref<128x16xf32, #tpu.memory_space<vmem>>) dst(%dma_wait3A_212 : memref<10112x16xf32, #tpu.memory_space<vmem_shared>>)
    %dma_wait3A_213 = arith.constant 0 : i32
    %dma_wait3A_214 = arith.constant 0 : i32
    %dma_wait3A_215 = tpu.memref_slice %arg7[%dma_wait3A_213, %dma_wait3A_214] : memref<80x128xi32, #tpu.memory_space<vmem>> -> memref<1x128xi32, #tpu.memory_space<vmem>>
    %dma_wait3A_216 = tpu.memref_squeeze %dma_wait3A_215 : memref<1x128xi32, #tpu.memory_space<vmem>> -> memref<128xi32, #tpu.memory_space<vmem>>
    %dma_wait3A_217 = arith.constant 0 : i32
    %dma_wait3A_218 = arith.constant 0 : i32
    %dma_wait3A_219 = tpu.memref_slice %arg33[%dma_wait3A_217, %dma_wait3A_218] : memref<10112x16xf32, #tpu.memory_space<vmem_shared>> -> memref<10112x16xf32, #tpu.memory_space<vmem_shared>>
    tpu.wait_indirect_dma semaphore(%arg25 : memref<!tpu.dma_semaphore, #tpu.memory_space<semaphore_mem>>) src(%arg9 : memref<128x16xf32, #tpu.memory_space<vmem>>) dst(%dma_wait3A_219 : memref<10112x16xf32, #tpu.memory_space<vmem_shared>>)
    %dma_wait3A_220 = arith.constant 0 : i32
    %dma_wait3A_221 = arith.constant 0 : i32
    %dma_wait3A_222 = tpu.memref_slice %arg7[%dma_wait3A_220, %dma_wait3A_221] : memref<80x128xi32, #tpu.memory_space<vmem>> -> memref<1x128xi32, #tpu.memory_space<vmem>>
    %dma_wait3A_223 = tpu.memref_squeeze %dma_wait3A_222 : memref<1x128xi32, #tpu.memory_space<vmem>> -> memref<128xi32, #tpu.memory_space<vmem>>
    %dma_wait3A_224 = arith.constant 0 : i32
    %dma_wait3A_225 = arith.constant 0 : i32
    %dma_wait3A_226 = tpu.memref_slice %arg33[%dma_wait3A_224, %dma_wait3A_225] : memref<10112x16xf32, #tpu.memory_space<vmem_shared>> -> memref<10112x16xf32, #tpu.memory_space<vmem_shared>>
    tpu.wait_indirect_dma semaphore(%arg26 : memref<!tpu.dma_semaphore, #tpu.memory_space<semaphore_mem>>) src(%arg10 : memref<128x16xf32, #tpu.memory_space<vmem>>) dst(%dma_wait3A_226 : memref<10112x16xf32, #tpu.memory_space<vmem_shared>>)
    %dma_wait3A_227 = arith.constant 0 : i32
    %dma_wait3A_228 = arith.constant 0 : i32
    %dma_wait3A_229 = tpu.memref_slice %arg7[%dma_wait3A_227, %dma_wait3A_228] : memref<80x128xi32, #tpu.memory_space<vmem>> -> memref<1x128xi32, #tpu.memory_space<vmem>>
    %dma_wait3A_230 = tpu.memref_squeeze %dma_wait3A_229 : memref<1x128xi32, #tpu.memory_space<vmem>> -> memref<128xi32, #tpu.memory_space<vmem>>
    %dma_wait3A_231 = arith.constant 0 : i32
    %dma_wait3A_232 = arith.constant 0 : i32
    %dma_wait3A_233 = tpu.memref_slice %arg33[%dma_wait3A_231, %dma_wait3A_232] : memref<10112x16xf32, #tpu.memory_space<vmem_shared>> -> memref<10112x16xf32, #tpu.memory_space<vmem_shared>>
    tpu.wait_indirect_dma semaphore(%arg27 : memref<!tpu.dma_semaphore, #tpu.memory_space<semaphore_mem>>) src(%arg11 : memref<128x16xf32, #tpu.memory_space<vmem>>) dst(%dma_wait3A_233 : memref<10112x16xf32, #tpu.memory_space<vmem_shared>>)
    %dma_wait3A_234 = arith.constant 0 : i32
    %dma_wait3A_235 = arith.constant 0 : i32
    %dma_wait3A_236 = tpu.memref_slice %arg7[%dma_wait3A_234, %dma_wait3A_235] : memref<80x128xi32, #tpu.memory_space<vmem>> -> memref<1x128xi32, #tpu.memory_space<vmem>>
    %dma_wait3A_237 = tpu.memref_squeeze %dma_wait3A_236 : memref<1x128xi32, #tpu.memory_space<vmem>> -> memref<128xi32, #tpu.memory_space<vmem>>
    %dma_wait3A_238 = arith.constant 0 : i32
    %dma_wait3A_239 = arith.constant 0 : i32
    %dma_wait3A_240 = tpu.memref_slice %arg33[%dma_wait3A_238, %dma_wait3A_239] : memref<10112x16xf32, #tpu.memory_space<vmem_shared>> -> memref<10112x16xf32, #tpu.memory_space<vmem_shared>>
    tpu.wait_indirect_dma semaphore(%arg28 : memref<!tpu.dma_semaphore, #tpu.memory_space<semaphore_mem>>) src(%arg12 : memref<128x16xf32, #tpu.memory_space<vmem>>) dst(%dma_wait3A_240 : memref<10112x16xf32, #tpu.memory_space<vmem_shared>>)
    %dma_wait3A_241 = arith.constant 0 : i32
    %dma_wait3A_242 = arith.constant 0 : i32
    %dma_wait3A_243 = tpu.memref_slice %arg7[%dma_wait3A_241, %dma_wait3A_242] : memref<80x128xi32, #tpu.memory_space<vmem>> -> memref<1x128xi32, #tpu.memory_space<vmem>>
    %dma_wait3A_244 = tpu.memref_squeeze %dma_wait3A_243 : memref<1x128xi32, #tpu.memory_space<vmem>> -> memref<128xi32, #tpu.memory_space<vmem>>
    %dma_wait3A_245 = arith.constant 0 : i32
    %dma_wait3A_246 = arith.constant 0 : i32
    %dma_wait3A_247 = tpu.memref_slice %arg33[%dma_wait3A_245, %dma_wait3A_246] : memref<10112x16xf32, #tpu.memory_space<vmem_shared>> -> memref<10112x16xf32, #tpu.memory_space<vmem_shared>>
    tpu.wait_indirect_dma semaphore(%arg29 : memref<!tpu.dma_semaphore, #tpu.memory_space<semaphore_mem>>) src(%arg13 : memref<128x16xf32, #tpu.memory_space<vmem>>) dst(%dma_wait3A_247 : memref<10112x16xf32, #tpu.memory_space<vmem_shared>>)
    %dma_wait3A_248 = arith.constant 0 : i32
    %dma_wait3A_249 = arith.constant 0 : i32
    %dma_wait3A_250 = tpu.memref_slice %arg7[%dma_wait3A_248, %dma_wait3A_249] : memref<80x128xi32, #tpu.memory_space<vmem>> -> memref<1x128xi32, #tpu.memory_space<vmem>>
    %dma_wait3A_251 = tpu.memref_squeeze %dma_wait3A_250 : memref<1x128xi32, #tpu.memory_space<vmem>> -> memref<128xi32, #tpu.memory_space<vmem>>
    %dma_wait3A_252 = arith.constant 0 : i32
    %dma_wait3A_253 = arith.constant 0 : i32
    %dma_wait3A_254 = tpu.memref_slice %arg33[%dma_wait3A_252, %dma_wait3A_253] : memref<10112x16xf32, #tpu.memory_space<vmem_shared>> -> memref<10112x16xf32, #tpu.memory_space<vmem_shared>>
    tpu.wait_indirect_dma semaphore(%arg30 : memref<!tpu.dma_semaphore, #tpu.memory_space<semaphore_mem>>) src(%arg14 : memref<128x16xf32, #tpu.memory_space<vmem>>) dst(%dma_wait3A_254 : memref<10112x16xf32, #tpu.memory_space<vmem_shared>>)
    %dma_wait3A_255 = arith.constant 0 : i32
    %dma_wait3A_256 = arith.constant 0 : i32
    %dma_wait3A_257 = tpu.memref_slice %arg7[%dma_wait3A_255, %dma_wait3A_256] : memref<80x128xi32, #tpu.memory_space<vmem>> -> memref<1x128xi32, #tpu.memory_space<vmem>>
    %dma_wait3A_258 = tpu.memref_squeeze %dma_wait3A_257 : memref<1x128xi32, #tpu.memory_space<vmem>> -> memref<128xi32, #tpu.memory_space<vmem>>
    %dma_wait3A_259 = arith.constant 0 : i32
    %dma_wait3A_260 = arith.constant 0 : i32
    %dma_wait3A_261 = tpu.memref_slice %arg33[%dma_wait3A_259, %dma_wait3A_260] : memref<10112x16xf32, #tpu.memory_space<vmem_shared>> -> memref<10112x16xf32, #tpu.memory_space<vmem_shared>>
    tpu.wait_indirect_dma semaphore(%arg31 : memref<!tpu.dma_semaphore, #tpu.memory_space<semaphore_mem>>) src(%arg15 : memref<128x16xf32, #tpu.memory_space<vmem>>) dst(%dma_wait3A_261 : memref<10112x16xf32, #tpu.memory_space<vmem_shared>>)
    %barrier3A_262 = arith.constant 0 : index
    tpu.barrier barrier_id(%barrier3A_262)
    %mul3A_263 = arith.constant 632 : i32
    %mul3A_264 = arith.muli %arg1, %mul3A_263 : i32
    %mul3A_265 = arith.constant 632 : i32
    %mul3A_266 = arith.muli %arg1, %mul3A_265 : i32
    %mul3A_267 = arith.constant 16 : i32
    %mul3A_268 = arith.muli %arg0, %mul3A_267 : i32
    "tpu.region"() ({
      %run_scoped3A = tpu.sem_alloc : memref<!tpu.dma_semaphore, #tpu.memory_space<semaphore_mem>>
      %dma_start3A_269 = tpu.memref_slice %arg5[%mul3A_266, %mul3A_268] : memref<10112x32xf32, #tpu.memory_space<hbm>> -> memref<632x16xf32, #tpu.memory_space<hbm>>
      %dma_start3A_270 = arith.constant 0 : i32
      %dma_start3A_271 = tpu.memref_slice %arg33[%mul3A_264, %dma_start3A_270] : memref<10112x16xf32, #tpu.memory_space<vmem_shared>> -> memref<632x16xf32, #tpu.memory_space<vmem_shared>>
      tpu.enqueue_dma source(%dma_start3A_271 : memref<632x16xf32, #tpu.memory_space<vmem_shared>>) target(%dma_start3A_269 : memref<632x16xf32, #tpu.memory_space<hbm>>) target_semaphore(%run_scoped3A : memref<!tpu.dma_semaphore, #tpu.memory_space<semaphore_mem>>)
      %dma_wait3A_272 = tpu.memref_slice %arg5[%mul3A_266, %mul3A_268] : memref<10112x32xf32, #tpu.memory_space<hbm>> -> memref<632x16xf32, #tpu.memory_space<hbm>>
      %dma_wait3A_273 = arith.constant 0 : i32
      %dma_wait3A_274 = tpu.memref_slice %arg33[%mul3A_264, %dma_wait3A_273] : memref<10112x16xf32, #tpu.memory_space<vmem_shared>> -> memref<632x16xf32, #tpu.memory_space<vmem_shared>>
      tpu.wait_dma2 semaphore(%run_scoped3A : memref<!tpu.dma_semaphore, #tpu.memory_space<semaphore_mem>>) src(%dma_wait3A_274 : memref<632x16xf32, #tpu.memory_space<vmem_shared>>) dst(%dma_wait3A_272 : memref<632x16xf32, #tpu.memory_space<hbm>>)
      tpu.yield
    }) : () -> ()
    return
  }
}

module attributes {stable_mosaic.version = 14 : i64} {
  func.func @_tc_matmul_body(%arg0: memref<10000x128xf32, #tpu.memory_space<vmem>>, %arg1: memref<128x32xf32, #tpu.memory_space<vmem>>, %arg2: memref<10112x32xf32, #tpu.memory_space<vmem>>) attributes {dimension_semantics = [], scalar_prefetch = 0 : i64, scratch_operands = 0 : i64, tpu.core_type = #tpu.core_type<tc>} {
    %get3A = arith.constant 0 : index
    %get3A_0 = arith.constant 0 : index
    %get3A_1 = vector.load %arg0[%get3A, %get3A_0] : memref<10000x128xf32, #tpu.memory_space<vmem>>, vector<10000x128xf32>
    %get3A_2 = arith.constant 0 : index
    %get3A_3 = arith.constant 0 : index
    %get3A_4 = vector.load %arg1[%get3A_2, %get3A_3] : memref<128x32xf32, #tpu.memory_space<vmem>>, vector<128x32xf32>
    %dot_general3A = arith.constant dense<0.000000e+00> : vector<10000x32xf32>
    %dot_general3A_5 = tpu.matmul %get3A_1, %get3A_4, %dot_general3A {dimension_numbers = #tpu.dot_dimension_numbers<[1], [0], [0], [1], [0, 0, 1, 1], [], []>, transpose_lhs_hint = false} : vector<10000x128xf32>, vector<128x32xf32>, vector<10000x32xf32> -> vector<10000x32xf32>
    %broadcast_in_dim3A = arith.constant 0.000000e+00 : f32
    %broadcast_in_dim3A_6 = vector.broadcast %broadcast_in_dim3A : f32 to vector<112x32xf32>
    %concatenate3A = tpu.concatenate %dot_general3A_5, %broadcast_in_dim3A_6 in 0 : vector<10000x32xf32>, vector<112x32xf32> -> vector<10112x32xf32>
    %swap3A = arith.constant 0 : index
    %swap3A_7 = arith.constant 0 : index
    %swap3A_8 = vector.load %arg2[%swap3A, %swap3A_7] : memref<10112x32xf32, #tpu.memory_space<vmem>>, vector<10112x32xf32>
    tpu.vector_store %arg2[%swap3A, %swap3A_7], %concatenate3A {strides = array<i32>} : memref<10112x32xf32, #tpu.memory_space<vmem>>, vector<10112x32xf32>,
    return
  }
}

module attributes {stable_mosaic.version = 14 : i64} {
  func.func @_tc_scale_body(%arg0: memref<2x10112xf32, #tpu.memory_space<vmem>>, %arg1: memref<10112x32xf32, #tpu.memory_space<vmem>>, %arg2: memref<10112x32xf32, #tpu.memory_space<vmem>>, %arg3: memref<10112x1xf32, #tpu.memory_space<vmem>>) attributes {dimension_semantics = [], scalar_prefetch = 0 : i64, scratch_operands = 0 : i64, tpu.core_type = #tpu.core_type<tc>} {
    %get3A = arith.constant 0 : index
    %get3A_0 = arith.constant 0 : index
    %get3A_1 = vector.load %arg0[%get3A, %get3A_0] : memref<2x10112xf32, #tpu.memory_space<vmem>>, vector<2x10112xf32>
    %slice3A = vector.extract_strided_slice %get3A_1 {offsets = [0, 0], sizes = [1, 10112], strides = [1, 1]} : vector<2x10112xf32> to vector<1x10112xf32>
    %slice3A_2 = vector.extract_strided_slice %get3A_1 {offsets = [1, 0], sizes = [1, 10112], strides = [1, 1]} : vector<2x10112xf32> to vector<1x10112xf32>
    %add3A = arith.addf %slice3A, %slice3A_2 : vector<1x10112xf32>
    %add3A_3 = arith.constant 1.000000e+00 : f32
    %add3A_4 = vector.broadcast %add3A_3 : f32 to vector<1x10112xf32>
    %add3A_5 = arith.addf %add3A, %add3A_4 : vector<1x10112xf32>
    %rsqrt3A = math.rsqrt %add3A_5 : vector<1x10112xf32>
    %reshape3A = vector.shape_cast %rsqrt3A : vector<1x10112xf32> to vector<10112x1xf32>
    %swap3A = arith.constant 0 : index
    %swap3A_6 = arith.constant 0 : index
    %swap3A_7 = vector.load %arg3[%swap3A, %swap3A_6] : memref<10112x1xf32, #tpu.memory_space<vmem>>, vector<10112x1xf32>
    tpu.vector_store %arg3[%swap3A, %swap3A_6], %reshape3A {strides = array<i32>} : memref<10112x1xf32, #tpu.memory_space<vmem>>, vector<10112x1xf32>,
    %get3A_8 = arith.constant 0 : index
    %get3A_9 = arith.constant 0 : index
    %get3A_10 = vector.load %arg1[%get3A_8, %get3A_9] : memref<10112x32xf32, #tpu.memory_space<vmem>>, vector<10112x32xf32>
    %mul3A = vector.broadcast %reshape3A : vector<10112x1xf32> to vector<10112x32xf32>
    %mul3A_11 = arith.mulf %get3A_10, %mul3A : vector<10112x32xf32>
    %swap3A_12 = arith.constant 0 : index
    %swap3A_13 = arith.constant 0 : index
    %swap3A_14 = vector.load %arg2[%swap3A_12, %swap3A_13] : memref<10112x32xf32, #tpu.memory_space<vmem>>, vector<10112x32xf32>
    tpu.vector_store %arg2[%swap3A_12, %swap3A_13], %mul3A_11 {strides = array<i32>} : memref<10112x32xf32, #tpu.memory_space<vmem>>, vector<10112x32xf32>,
    return
  }
}

module attributes {stable_mosaic.version = 14 : i64} {
  func.func @_tc_mid_body(%arg0: memref<10112x64xf32, #tpu.memory_space<vmem>>, %arg1: memref<10112x32xf32, #tpu.memory_space<vmem>>, %arg2: memref<10112x1xf32, #tpu.memory_space<vmem>>, %arg3: memref<1x32xf32, #tpu.memory_space<vmem>>, %arg4: memref<32x16xf32, #tpu.memory_space<vmem>>, %arg5: memref<10112x16xf32, #tpu.memory_space<vmem>>) attributes {dimension_semantics = [], scalar_prefetch = 0 : i64, scratch_operands = 0 : i64, tpu.core_type = #tpu.core_type<tc>} {
    %get3A = arith.constant 0 : index
    %get3A_0 = arith.constant 0 : index
    %get3A_1 = vector.load %arg2[%get3A, %get3A_0] : memref<10112x1xf32, #tpu.memory_space<vmem>>, vector<10112x1xf32>
    %get3A_2 = arith.constant 0 : index
    %get3A_3 = arith.constant 0 : index
    %get3A_4 = vector.load %arg0[%get3A_2, %get3A_3] : memref<10112x64xf32, #tpu.memory_space<vmem>>, vector<10112x64xf32>
    %slice3A = vector.extract_strided_slice %get3A_4 {offsets = [0, 0], sizes = [10112, 32], strides = [1, 1]} : vector<10112x64xf32> to vector<10112x32xf32>
    %slice3A_5 = vector.extract_strided_slice %get3A_4 {offsets = [0, 32], sizes = [10112, 32], strides = [1, 1]} : vector<10112x64xf32> to vector<10112x32xf32>
    %add3A = arith.addf %slice3A, %slice3A_5 : vector<10112x32xf32>
    %get3A_6 = arith.constant 0 : index
    %get3A_7 = arith.constant 0 : index
    %get3A_8 = vector.load %arg1[%get3A_6, %get3A_7] : memref<10112x32xf32, #tpu.memory_space<vmem>>, vector<10112x32xf32>
    %add3A_9 = arith.addf %add3A, %get3A_8 : vector<10112x32xf32>
    %mul3A = vector.broadcast %get3A_1 : vector<10112x1xf32> to vector<10112x32xf32>
    %mul3A_10 = arith.mulf %add3A_9, %mul3A : vector<10112x32xf32>
    %get3A_11 = arith.constant 0 : index
    %get3A_12 = arith.constant 0 : index
    %get3A_13 = vector.load %arg3[%get3A_11, %get3A_12] : memref<1x32xf32, #tpu.memory_space<vmem>>, vector<1x32xf32>
    %add3A_14 = vector.broadcast %get3A_13 : vector<1x32xf32> to vector<10112x32xf32>
    %add3A_15 = arith.addf %mul3A_10, %add3A_14 : vector<10112x32xf32>
    %max3A = arith.constant 0.000000e+00 : f32
    %max3A_16 = vector.broadcast %max3A : f32 to vector<10112x32xf32>
    %max3A_17 = arith.maximumf %add3A_15, %max3A_16 : vector<10112x32xf32>
    %get3A_18 = arith.constant 0 : index
    %get3A_19 = arith.constant 0 : index
    %get3A_20 = vector.load %arg4[%get3A_18, %get3A_19] : memref<32x16xf32, #tpu.memory_space<vmem>>, vector<32x16xf32>
    %dot_general3A = arith.constant dense<0.000000e+00> : vector<10112x16xf32>
    %dot_general3A_21 = tpu.matmul %max3A_17, %get3A_20, %dot_general3A {dimension_numbers = #tpu.dot_dimension_numbers<[1], [0], [0], [1], [0, 0, 1, 1], [], []>, transpose_lhs_hint = false} : vector<10112x32xf32>, vector<32x16xf32>, vector<10112x16xf32> -> vector<10112x16xf32>
    %iota3A = tpu.iota {dimensions = array<i32: 0>} : vector<10112x1xi32>
    %lt3A = arith.constant 10000 : i32
    %lt3A_22 = vector.broadcast %lt3A : i32 to vector<10112x1xi32>
    %lt3A_23 = arith.cmpi slt, %iota3A, %lt3A_22 : vector<10112x1xi32>
    %mul3A_24 = vector.broadcast %get3A_1 : vector<10112x1xf32> to vector<10112x16xf32>
    %mul3A_25 = arith.mulf %dot_general3A_21, %mul3A_24 : vector<10112x16xf32>
    %jit3A = arith.constant 0.000000e+00 : f32
    %broadcast_in_dim3A = vector.shape_cast %lt3A_23 : vector<10112x1xi1> to vector<10112x1xi1>
    %broadcast_in_dim3A_26 = vector.broadcast %broadcast_in_dim3A : vector<10112x1xi1> to vector<10112x16xi1>
    %broadcast_in_dim3A_27 = vector.broadcast %jit3A : f32 to vector<10112x16xf32>
    %select_n3A = arith.select %broadcast_in_dim3A_26, %mul3A_25, %broadcast_in_dim3A_27 : vector<10112x16xi1>, vector<10112x16xf32>
    %swap3A = arith.constant 0 : index
    %swap3A_28 = arith.constant 0 : index
    %swap3A_29 = vector.load %arg5[%swap3A, %swap3A_28] : memref<10112x16xf32, #tpu.memory_space<vmem>>, vector<10112x16xf32>
    tpu.vector_store %arg5[%swap3A, %swap3A_28], %select_n3A {strides = array<i32>} : memref<10112x16xf32, #tpu.memory_space<vmem>>, vector<10112x16xf32>,
    return
  }
}

module attributes {stable_mosaic.version = 14 : i64} {
  func.func @_tc_out_body(%arg0: memref<10112x32xf32, #tpu.memory_space<vmem>>, %arg1: memref<10112x16xf32, #tpu.memory_space<vmem>>, %arg2: memref<10112x1xf32, #tpu.memory_space<vmem>>, %arg3: memref<1x7xf32, #tpu.memory_space<vmem>>, %arg4: memref<10000x7xf32, #tpu.memory_space<vmem>>) attributes {dimension_semantics = [], scalar_prefetch = 0 : i64, scratch_operands = 0 : i64, tpu.core_type = #tpu.core_type<tc>} {
    %get3A = arith.constant 0 : index
    %get3A_0 = arith.constant 0 : index
    %get3A_1 = vector.load %arg0[%get3A, %get3A_0] : memref<10112x32xf32, #tpu.memory_space<vmem>>, vector<10112x32xf32>
    %slice3A = vector.extract_strided_slice %get3A_1 {offsets = [0, 0], sizes = [10112, 16], strides = [1, 1]} : vector<10112x32xf32> to vector<10112x16xf32>
    %slice3A_2 = vector.extract_strided_slice %get3A_1 {offsets = [0, 16], sizes = [10112, 16], strides = [1, 1]} : vector<10112x32xf32> to vector<10112x16xf32>
    %add3A = arith.addf %slice3A, %slice3A_2 : vector<10112x16xf32>
    %get3A_3 = arith.constant 0 : index
    %get3A_4 = arith.constant 0 : index
    %get3A_5 = vector.load %arg1[%get3A_3, %get3A_4] : memref<10112x16xf32, #tpu.memory_space<vmem>>, vector<10112x16xf32>
    %add3A_6 = arith.addf %add3A, %get3A_5 : vector<10112x16xf32>
    %get3A_7 = arith.constant 0 : index
    %get3A_8 = arith.constant 0 : index
    %get3A_9 = vector.load %arg2[%get3A_7, %get3A_8] : memref<10112x1xf32, #tpu.memory_space<vmem>>, vector<10112x1xf32>
    %mul3A = vector.broadcast %get3A_9 : vector<10112x1xf32> to vector<10112x16xf32>
    %mul3A_10 = arith.mulf %add3A_6, %mul3A : vector<10112x16xf32>
    %slice3A_11 = vector.extract_strided_slice %mul3A_10 {offsets = [0, 0], sizes = [10000, 7], strides = [1, 1]} : vector<10112x16xf32> to vector<10000x7xf32>
    %get3A_12 = arith.constant 0 : index
    %get3A_13 = arith.constant 0 : index
    %get3A_14 = vector.load %arg3[%get3A_12, %get3A_13] : memref<1x7xf32, #tpu.memory_space<vmem>>, vector<1x7xf32>
    %add3A_15 = vector.broadcast %get3A_14 : vector<1x7xf32> to vector<10000x7xf32>
    %add3A_16 = arith.addf %slice3A_11, %add3A_15 : vector<10000x7xf32>
    %reduce_max3A = arith.constant dense<0xFF800000> : vector<10000xf32>
    %reduce_max3A_17 = vector.multi_reduction <maximumf>, %add3A_16, %reduce_max3A [1] : vector<10000x7xf32> to vector<10000xf32>
    %broadcast_in_dim3A = vector.shape_cast %reduce_max3A_17 : vector<10000xf32> to vector<10000x1xf32>
    %sub3A = vector.broadcast %broadcast_in_dim3A : vector<10000x1xf32> to vector<10000x7xf32>
    %sub3A_18 = arith.subf %add3A_16, %sub3A : vector<10000x7xf32>
    %exp3A = math.exp %sub3A_18 : vector<10000x7xf32>
    %reduce_sum3A = arith.constant dense<0.000000e+00> : vector<10000xf32>
    %reduce_sum3A_19 = vector.multi_reduction <add>, %exp3A, %reduce_sum3A [1] : vector<10000x7xf32> to vector<10000xf32>
    %broadcast_in_dim3A_20 = vector.shape_cast %reduce_sum3A_19 : vector<10000xf32> to vector<10000x1xf32>
    %div3A = vector.broadcast %broadcast_in_dim3A_20 : vector<10000x1xf32> to vector<10000x7xf32>
    %div3A_21 = arith.divf %exp3A, %div3A : vector<10000x7xf32>
    %swap3A = arith.constant 0 : index
    %swap3A_22 = arith.constant 0 : index
    %swap3A_23 = vector.load %arg4[%swap3A, %swap3A_22] : memref<10000x7xf32, #tpu.memory_space<vmem>>, vector<10000x7xf32>
    tpu.vector_store %arg4[%swap3A, %swap3A_22], %div3A_21 {strides = array<i32>} : memref<10000x7xf32, #tpu.memory_space<vmem>>, vector<10000x7xf32>,
    return
  }
}

</mosaic_0001>

<sc_bundles>
// kernel: kernel.7.cloned.1.call-start
scs
__scs_entry_jumppad:
0x0: {  	(pc) =	sbr.rel $0x88, $3  }
0x1: {  	(tag) =	ssettag $0x0;
	lr =	simm.s32 $0x1  }
0x2: {  	[smem:$0x3F9B] =	sst lr;
	_ =	strace $0xD0000000  }
0x3: {  	_ = 	snop  }
0x4: {  	_ = 	snop  }
0x5: {  	_ = 	snop  }
0x6: {  	_ = 	snop  }
0x7: {  	_ = 	snop  }
__scs_overlays_trampoline_lowered:
0x8: {  	[smem:$0x3FAA] =	sst s0  }
0x9: {  	[smem:$0x3FAB] =	sst s1  }
0xa: {  	[smem:$0x3FAC] =	sst s2  }
0xb: {  	[smem:$0x3FAD] =	sst s3  }
0xc: {  	[smem:$0x3FAE] =	sst s4  }
0xd: {  	[smem:$0x3FAF] =	sst s5  }
0xe: {  	[smem:$0x3FB0] =	sst s6  }
0xf: {  	[smem:$0x3FB1] =	sst s7  }
0x10: {  	[smem:$0x3FB2] =	sst s8  }
0x11: {  	[smem:$0x3FB3] =	sst s9;
	s0 =	simm.s32 @!p0 $0x0  }
0x12: {  	s1 =	sld [smem:$0x3F99];
	s0 =	simm.s32 @p0 $0x1  }
0x13: {  	[smem:$0x3FB4] =	sst s0;
	s0 =	simm.s32 @!p1 $0x0  }
0x14: {  	s2 =	sld [smem:$0x3F98];
	s0 =	simm.s32 @p1 $0x1  }
0x15: {  	[smem:$0x3FB5] =	sst s0;
	s0 =	simm.s32 @!p2 $0x0  }
0x16: {  	s3 =	sld [smem:$0x3FDB];
	s0 =	simm.s32 @p2 $0x1  }
0x17: {  	s4 =	simm.s32 $0x1BF5;
	[smem:$0x3FB7] =	sst s0  }
0x18: {  	s0 =	sld [smem:$0x3F9A];
	_ =	swait.ge [sflag:s4], $0x0  }
0x19: {  	s7 =	sld [smem:$0x3F9B]  }
0x1a: {  	s8 =	sadd.s32 $0xFFFFE003, lr  }
0x1b: {  	s9 =	sadd.s32 $0xFFFFFEF7, lr;
	s5 =	simm.s32 $0xFFFFFFFF;
	p2 =	slt.u32 s8, $0xFFFFF086  }
0x1c: {  	p1 =	slt.u32 s9, $0xF7A;
	s5 =	simm.s32 @!p2 $0x0  }
0x1d: {  	s5 =	simm.s32 @p1 $0x1;
	p0 =	seq.s32 s7, s2  }
0x1e: {  	s7 =	smul.u32 @!p0 $0xF7A, s2;
	p2 =	seq.s32 @!p0 s5, $0x0  }
0x1f: {  	s9 =	smul.u32 $0xF7A, s1;
	s8 =	simm.s32 @!p0 $0x1BF5;
	p2 =	por !p2, p0  }
0x20: {  	[sflag:s8] =	ssyncset.s32 @!p0 $0xFFFFF086;
	s6 =	sadd.s32 @!p0 s3, s7;
	s7 =	simm.s32 @!p0 $0x108  }
0x21: {  	s3 =	sadd.s32 s3, s9;
	s6 =	sadd.s32 @!p0 $0x88, s6;
	s7 =	simm.s32 @p2 $0x1082  }
0x22: {  	[simem:s7], [sflag:s8] =	dma.local @!p0 [hbm:s6], $0xF7A  }
0x23: {  	s9 =	sor.u32 $0xD0000000, s2;
	s6 =	simm.s32 $0x108;
	_ =	swait.ge @!p0 [sflag:s8], $0x0  }
0x24: {  	s3 =	sadd.s32 $0x88, s3;
	s6 =	simm.s32 @!p1 $0x1082;
	[sflag:s4] =	ssyncset.s32 $0xFFFFF086  }
0x25: {  	[simem:s6], [sflag:s4] =	dma.local [hbm:s3], $0xF7A  }
0x26: {  	[smem:$0x3F9B] =	sst s1;
	(tag) =	ssettag s2;
	_ =	strace s9  }
0x27: {  	s1 =	sld [smem:$0x3FAB]  }
0x28: {  	s2 =	sld [smem:$0x3FAC]  }
0x29: {  	s4 =	sld [smem:$0x3FAE]  }
0x2a: {  	p0 =	seq.s32 s5, $0x0;
	s5 =	sld [smem:$0x3FAF]  }
0x2b: {  	s6 =	sld [smem:$0x3FB0]  }
0x2c: {  	s7 =	sld [smem:$0x3FB1]  }
0x2d: {  	s3 =	simm.s32 $0x108;
	s8 =	sld [smem:$0x3FB2]  }
0x2e: {  	s3 =	simm.s32 @!p0 $0x1082;
	s9 =	sld [smem:$0x3FB3]  }
0x2f: {  	lr =	sadd.s32 s0, s3;
	s0 =	sld [smem:$0x3FAA]  }
0x30: {  	s3 =	sld [smem:$0x3FAD]  }
0x31: {  	[smem:$0x3FB6] =	sst s10  }
0x32: {  	s10 =	sld [smem:$0x3FB4];
	_ =	sdelay $0x3  }
0x33: {  	p0 =	seq.s32 s10, $0x1;
	s10 =	sld [smem:$0x3FB6];
	_ =	sdelay $0x3  }
0x34: {  	[smem:$0x3FB6] =	sst s10  }
0x35: {  	s10 =	sld [smem:$0x3FB5];
	_ =	sdelay $0x3  }
0x36: {  	p1 =	seq.s32 s10, $0x1;
	s10 =	sld [smem:$0x3FB6];
	_ =	sdelay $0x3  }
0x37: {  	[smem:$0x3FB6] =	sst s10  }
0x38: {  	s10 =	sld [smem:$0x3FB7]  }
0x39: {  	_ = 	snop;
	(pc) =	sbr.ind lr, $3  }
0x3a: {  	_ = 	snop  }
0x3b: {  	_ = 	snop  }
0x3c: {  	p2 =	seq.s32 s10, $0x1;
	s10 =	sld [smem:$0x3FB6]  }
0x3d: {  	_ =	shalt  }
0x3e: {  	_ =	shalt  }
0x3f: {  	_ =	shalt  }
0x40: {  	_ =	shalt  }
0x41: {  	_ =	shalt  }
0x42: {  	_ =	shalt  }
0x43: {  	_ =	shalt  }
0x44: {  	_ =	shalt  }
0x45: {  	_ =	shalt  }
0x46: {  	_ =	shalt  }
0x47: {  	_ =	shalt  }
0x48: {  	_ =	shalt  }
0x49: {  	_ =	shalt  }
0x4a: {  	_ =	shalt  }
0x4b: {  	_ =	shalt  }
0x4c: {  	_ =	shalt  }
0x4d: {  	_ =	shalt  }
0x4e: {  	_ =	shalt  }
0x4f: {  	_ =	shalt  }
0x50: {  	_ =	shalt  }
0x51: {  	_ =	shalt  }
0x52: {  	_ =	shalt  }
0x53: {  	_ =	shalt  }
0x54: {  	_ =	shalt  }
0x55: {  	_ =	shalt  }
0x56: {  	_ =	shalt  }
0x57: {  	_ =	shalt  }
0x58: {  	_ =	shalt  }
0x59: {  	_ =	shalt  }
0x5a: {  	_ =	shalt  }
0x5b: {  	_ =	shalt  }
0x5c: {  	_ =	shalt  }
0x5d: {  	_ =	shalt  }
0x5e: {  	_ =	shalt  }
0x5f: {  	_ =	shalt  }
0x60: {  	_ =	shalt  }
0x61: {  	_ =	shalt  }
0x62: {  	_ =	shalt  }
0x63: {  	_ =	shalt  }
0x64: {  	_ =	shalt  }
0x65: {  	_ =	shalt  }
0x66: {  	_ =	shalt  }
0x67: {  	_ =	shalt  }
0x68: {  	_ =	shalt  }
0x69: {  	_ =	shalt  }
0x6a: {  	_ =	shalt  }
0x6b: {  	_ =	shalt  }
0x6c: {  	_ =	shalt  }
0x6d: {  	_ =	shalt  }
0x6e: {  	_ =	shalt  }
0x6f: {  	_ =	shalt  }
0x70: {  	_ =	shalt  }
0x71: {  	_ =	shalt  }
0x72: {  	_ =	shalt  }
0x73: {  	_ =	shalt  }
0x74: {  	_ =	shalt  }
0x75: {  	_ =	shalt  }
0x76: {  	_ =	shalt  }
0x77: {  	_ =	shalt  }
0x78: {  	_ =	shalt  }
0x79: {  	_ =	shalt  }
0x7a: {  	_ =	shalt  }
0x7b: {  	_ =	shalt  }
0x7c: {  	_ =	shalt  }
0x7d: {  	_ =	shalt  }
0x7e: {  	_ =	shalt  }
0x7f: {  	_ =	shalt  }
0x80: {  	_ =	shalt  }
0x81: {  	_ =	shalt  }
0x82: {  	_ =	shalt  }
0x83: {  	_ =	shalt  }
0x84: {  	_ =	shalt  }
0x85: {  	_ =	shalt  }
0x86: {  	_ =	shalt  }
0x87: {  	_ =	shalt  }
.Lfunc_end0:
.L_simem_size_0:
called_computation_lowered:
.L_overlay_start_0:
0x88: {  	s2 =	sld [smem:$0x3FD9]  }
0x89: {  	s3 =	sld [smem:$0x3FFE];
	_ =	sdelay $0x1  }
0x8a: {  	s1 =	srdreg.scid  }
0x8b: {  	s0 =	sand.u32 $0x1, s1  }
0x8c: {  	s17 =	sshll.u32 s0, $0xA;
	s2 =	sadd.s32 s3, s2  }
0x8d: {  	s2 =	sadd.s32 s2, s17  }
0x8e: {  	[smem:$0x3FC2] =	sst s2  }
0x8f: {  	_ = 	snop  }
0x90: {  	s2 =	sld [smem:$0x3FD0];
	(tm) =	ssettm $0x1  }
0x91: {  	s18 =	sld [smem:$0x3FFB];
	_ =	sdelay $0x3  }
0x92: {  	_ =	strace s18  }
0x93: {  	s3 =	sld [smem:$0x3FFC];
	_ =	sdelay $0x3  }
0x94: {  	_ =	strace s3  }
0x95: {  	s3 =	sld [smem:$0x3FFD];
	_ =	sdelay $0x3  }
0x96: {  	_ =	strace s3  }
0x97: {  	_ =	strace $0x8FFFFFFF  }
0x98: {  	s19 =	sld [smem:$0x3FDB];
	_ =	sdelay $0x1  }
0x99: {  	s4 =	simm.s32 $_scs_section_size  }
0x9a: {  	s5 =	simm.s32 $_size__tile_overlayer_lowered;
	s6 =	simm.s32 $_tile_overlayer_lowered  }
0x9b: {  	s22 =	simm.s32 $0x1BFF;
	s21 =	sshll.u32 s6, $0x1;
	s3 =	sadd.s32 s4, s19  }
0x9c: {  	s7 =	simm.s32 $0x0;
	s20 =	sshll.u32 s5, $0x1;
	s5 =	sadd.s32 s21, s3  }
0x9d: {  	[timem:s7], [sflag:s22] =	dma.local [hbm:s5], s20  }
0x9e: {  	_ =	swait.ge [sflag:s22], s20  }
0x9f: {  	s4 =	ssub.s32 $0x0, s20;
	[sflag:s22] =	ssyncset.done $0x0  }
0xa0: {  	[sflag:s22] =	ssyncadd.s32 s4;
	_ =	sdelay $0x1  }
0xa1: {  	s23 =	simm.s32 $0x1B8B  }
0xa2: {  	_ =	swait.ge [sflag:s23], $0x1  }
0xa3: {  	[sflag:s23] =	ssyncset.done $0x0  }
0xa4: {  	s25 =	simm.s32 $0x1B8E;
	s24 =	sld [smem:$0x3FFE];
	[sflag:s23] =	ssyncadd.s32 $0xFFFFFFFF  }
0xa5: {  	s26 =	simm.s32 $execute0_lowered;
	[smem:$0x3FD2] =	sst s25  }
0xa6: {  	s5 =	sshll.u32 s26, $0x1;
	_ =	strace $0x80000046;
	[dreg:$0x1] =	wrdreg $0xFFFFFFFF  }
0xa7: {  	s28 =	simm.s32 $_size_execute0_lowered;
	s3 =	sadd.s32 s3, s5;
	[dreg:$0x0] =	wrdreg $0x0  }
0xa8: {  	s5 =	sshll.u32 s28, $0x1;
	[dreg:$0x2] =	wrdreg s3  }
0xa9: {  	[dreg:$0x3] =	wrdreg s5  }
0xaa: {  	[dreg:$0x4] =	wrdreg $0xC0  }
0xab: {  	_ =	task [dreg:s7], $0x5FFFF  }
0xac: {  	[dreg:$0x1] =	wrdreg $0xFFFFFFFF  }
0xad: {  	[dreg:$0x0] =	wrdreg $0x60  }
0xae: {  	[dreg:$0x2] =	wrdreg s24  }
0xaf: {  	[dreg:$0x3] =	wrdreg s2  }
0xb0: {  	[dreg:$0x4] =	wrdreg $0x61F80  }
0xb1: {  	[dreg:$0x5] =	wrdreg $0x9  }
0xb2: {  	_ =	task.clear_ibuf [dreg:s7], $0x6FFFF;
	_ =	strace $0x90000046  }
0xb3: {  	s29 =	simm.s32 $0x9;
	_ =	strace $0x80000048  }
0xb4: {  	_ =	swait.ge [sflag:s29], $0x1  }
0xb5: {  	[sflag:s29] =	ssyncadd.s32 $0xFFFFFFFF  }
0xb6: {  	_ =	strace $0x90000048  }
0xb7: {  	_ =	sfence  }
0xb8: {  	s30 =	sld [smem:$0x0];
	_ =	sdelay $0x2  }
0xb9: {  	s31 =	sshll.u32 s1, $0xD;
	s1 =	sshrl.u32 s1, $0x2  }
0xba: {  	s3 =	sand.u32 $0x4000, s31;
	s1 =	sadd.s32 s1, s30  }
0xbb: {  	s0 =	sor.u32 s3, s0;
	s1 =	sshll.u32 s1, $0x11  }
0xbc: {  	s0 =	sor.u32 s1, s0  }
0xbd: {  	s0 =	sadd.s32 $0x8F2B, s0  }
0xbe: {  	[sflag:s0] =	ssyncadd.remote.s32 $0x1  }
0xbf: {  	_ =	sfence.sel $0xFFFF  }
0xc0: {  	[dreg:$0x0] =	wrdreg $0xFFFFFFFF;
	(pc) =	sbr.abs _section_cstart, $3  }
0xc1: {  	[dreg:$0x1] =	wrdreg $0xFFFFFFFF  }
0xc2: {  	_ =	task.clear_ibuf [dreg:s7], $0x2FFFF;
	_ =	strace $0x9FFFFFFF  }
0xc3: {  	(tm) =	ssettm $0x7FFFFFFF  }
tec
execute0_lowered:
.L_overlay_start_1:
0x0: {  	(tag) =	ssettag $0x1  }
0x1: {  	s5 =	rddreg [dreg:$0x0]  }
0x2: {  	s0 =	srdreg.scid;
	s10 =	rddreg [dreg:$0x1]  }
0x3: {  	s2 =	rddreg [dreg:$0x2];
	s3 =	simm.s32 $0x0;
	s13 =	simm.s32 $0x2  }
0x4: {  	s14 =	simm.s32 $0x1;
	s15 =	simm.s32 $0x80;
	s16 =	simm.s32 $0x2800  }
0x5: {  	s17 =	simm.s32 $0x3800;
	s4 =	sand.u32 $0x1, s0;
	s0 =	stileid.u32  }
0x6: {  	s18 =	simm.s32 $0x5F80;
	s19 =	simm.s32 $0x0;
	s7 =	smul.u32 $0x278, s0  }
0x7: {  	[smem:$0x7FF] =	sst s3;
	s1 =	sshll.u32 s4, $0x4;
	s9 =	smul.u32 $0x9E00, s0  }
0x8: {  	s8 =	ssub.s32 $0x2, s4;
	s12 =	smul.u32 $0x2780, s4;
	s1 =	sor.u32 s0, s1  }
0x9: {  	s11 =	sshrl.u32 s8, $0x1;
	s6 =	smul.u32 $0x500, s1;
	s1 =	rddreg [dreg:$0x3]  }
0xa: {  	_ =	strace $0x80000047;
	s11 =	ssub.s32 s8, s11;
	s31 =	sadd.s32 s7, s12  }
0xb: {  	s30 =	sshrl.u32 s9, $0x2;
	s12 =	sshrl.u32 s31, $0x3;
	s11 =	smax.u32 s11, $0x1  }
0xc: {  	s29 =	sadd.s32 s6, s5;
	s5 =	sadd.s32 s30, s2;
	s10 =	sadd.s32 s10, s12  }
0xd: {  	v2 =	vlaneseq.u32;
	s12 =	simm.s32 $0x3000;
	s4 =	sadd.s32 $0xBC00, s29;
	s6 =	sadd.s32 $0x800, s5  }
0xe: {  	v0 =	vimm.f32 $1.000000000e+00;
	v1 =	vimm.f32 $0.0e+00;
	v2 =	vmul.u32 $0x10, v2;
	s7 =	sadd.s32 $0x1000, s5;
	s8 =	sadd.s32 $0x1800, s5;
	s9 =	sadd.s32 $0x2000, s5  }
.LBB2_1:
0xf: {  	[tilespmem:s3], [sflag:$0x1] =	stream.linear.gather [hbm4b:s4+s3], $0x2800, $0x38;
	[tilespmem:$0x8978] =	vst v63  }
0x10: {  	s20 =	simm.s32 $0x0  }
.LBB2_2:
0x11: {  	p0 =	sne.s32 s20, $0x1FC0  }
.Ltmp0:
0x12: {  	_ = 	snop;
	(pc) =	sbr.rel @p0 .LBB2_2-.Ltmp0, $3  }
0x13: {  	_ =	sdelay $0x1  }
0x14: {  	s21 =	sshra.s32 s20, $0x2  }
0x15: {  	s20 =	sadd.s32 $0x40, s20;
	[tilespmem:s21+$0x2800] =	vst v0  }
0x16: {  	s20 =	simm.s32 $0x40;
	s21 =	simm.s32 $0x0  }
.LBB2_4:
0x17: {  	p0 =	sne.s32 s20, $0x1FC0;
	[tilespmem:s21+$0x3000] =	vst v1;
	s21 =	smov.u32 s20;
	s20 =	sadd.s32 $0x40, s20  }
.Ltmp1:
0x18: {  	(pc) =	sbr.rel @p0 .LBB2_4-.Ltmp1, $2  }
0x19: {  	_ =	sdelay $0x2  }
0x1a: {  	s21 =	sshra.s32 s21, $0x2  }
0x1b: {  	[tilespmem:s21+$0x3000] =	vst v1  }
0x1c: {  	[spmem:s5] =	stream.linear.scatter [tilespmem:s12], [sflag:$0x2], $0x800, $0x38;
	[tilespmem:$0x8978] =	vst v63  }
0x1d: {  	_ =	swait.ge [sflag:s13], $0x800  }
0x1e: {  	[sflag:s13] =	ssyncset.done $0x0  }
0x1f: {  	[sflag:s13] =	ssyncadd.s32 $0xFFFFF800  }
0x20: {  	[spmem:s6] =	stream.linear.scatter [tilespmem:s12], [sflag:$0x2], $0x800, $0x38;
	[tilespmem:$0x8978] =	vst v63  }
0x21: {  	_ =	swait.ge [sflag:s13], $0x800  }
0x22: {  	[sflag:s13] =	ssyncset.done $0x0  }
0x23: {  	[sflag:s13] =	ssyncadd.s32 $0xFFFFF800  }
0x24: {  	[spmem:s7] =	stream.linear.scatter [tilespmem:s12], [sflag:$0x2], $0x800, $0x38;
	[tilespmem:$0x8978] =	vst v63  }
0x25: {  	_ =	swait.ge [sflag:s13], $0x800  }
0x26: {  	[sflag:s13] =	ssyncset.done $0x0  }
0x27: {  	[sflag:s13] =	ssyncadd.s32 $0xFFFFF800  }
0x28: {  	[spmem:s8] =	stream.linear.scatter [tilespmem:s12], [sflag:$0x2], $0x800, $0x38;
	[tilespmem:$0x8978] =	vst v63  }
0x29: {  	_ =	swait.ge [sflag:s13], $0x800  }
0x2a: {  	[sflag:s13] =	ssyncset.done $0x0  }
0x2b: {  	[sflag:s13] =	ssyncadd.s32 $0xFFFFF800  }
0x2c: {  	[spmem:s9] =	stream.linear.scatter [tilespmem:s12], [sflag:$0x2], $0x780, $0x38;
	[tilespmem:$0x8978] =	vst v63  }
0x2d: {  	_ =	swait.ge [sflag:s13], $0x780  }
0x2e: {  	[sflag:s13] =	ssyncset.done $0x0  }
0x2f: {  	[sflag:s13] =	ssyncadd.s32 $0xFFFFF880  }
0x30: {  	_ =	swait.ge [sflag:s14], $0x2800  }
0x31: {  	[sflag:s14] =	ssyncset.done $0x0  }
0x32: {  	[sflag:s14] =	ssyncadd.s32 $0xFFFFD800  }
0x33: {  	s20 =	simm.s32 $0x0;
	[bflag:$0x0] =	sbarrier.arrive $0xFFFF  }
.LBB2_6:
0x34: {  	p0 =	sne.s32 s20, $0x9E00  }
.Ltmp2:
0x35: {  	_ = 	snop;
	(pc) =	sbr.rel @p0 .LBB2_6-.Ltmp2, $3  }
0x36: {  	_ =	sdelay $0x1  }
0x37: {  	s21 =	sshra.s32 s20, $0x2;
	s20 =	sadd.s32 $0x200, s20  }
0x38: {  	[spmem:s2] =	stream.indirect.scatter.add.f32 [tilespmem:s16], [sflag:$0x1], $0x10, s21, s15, $0xb8;
	[tilespmem:$0x8978] =	vst v63  }
0x39: {  	_ =	swait.ge [sflag:s14], $0x800  }
0x3a: {  	s20 =	simm.s32 $0x4F;
	[sflag:s14] =	ssyncset.done $0x0  }
.LBB2_8:
0x3b: {  	p0 =	sne.s32 s20, $0x1;
	s20 =	sadd.s32 $0xFFFFFFFF, s20;
	[sflag:s14] =	ssyncadd.s32 $0xFFFFF800  }
.Ltmp3:
0x3c: {  	(pc) =	sbr.rel @p0 .LBB2_8-.Ltmp3, $3  }
0x3d: {  	_ =	sdelay $0x1  }
0x3e: {  	_ =	swait.ge [sflag:s14], $0x800  }
0x3f: {  	[sflag:s14] =	ssyncset.done $0x0  }
0x40: {  	s20 =	simm.s32 $0x0  }
0x41: {  	v3 =	vmov s20  }
0x42: {  	[sflag:s14] =	ssyncadd.s32 $0xFFFFF800;
	v3 =	vshll.u32 v3, $0x4  }
0x43: {  	[bflag:$0x0] =	sbarrier.arrive $0xFFFF;
	v3 =	vor.u32 v2, v3  }
0x44: {  	[tilespmem:s17], [sflag:$0x2] =	stream.linear.gather [spmem:s5], $0x2780, $0x38;
	[tilespmem:$0x8978] =	vst v63  }
0x45: {  	_ =	swait.ge [sflag:s13], $0x2780  }
0x46: {  	s31 =	simm.s32 $0x10;
	[sflag:s13] =	ssyncset.done $0x0  }
0x47: {  	v4 =	vmov s31;
	[sflag:s13] =	ssyncadd.s32 $0xFFFFD880  }
0x48: {  	v4 =	vshll.u32 v4, $0x4;
	v3 =	vld.idx.msk [tilespmem:v3+s17+$0x0], $0xffff  }
0x49: {  	v5 =	vor.u32 v2, v4;
	_ =	sdelay $0x2  }
0x4a: {  	s20 =	simm.s32 $0x5F80  }
0x4b: {  	s21 =	simm.s32 $0x20;
	[tilespmem:s20+$0x0] =	vst v3  }
0x4c: {  	v4 =	vmov s21;
	s21 =	simm.s32 $0x30;
	v3 =	vld.idx.msk [tilespmem:v5+s17+$0x0], $0xffff  }
.LBB2_10:
0x4d: {  	p0 =	sne.s32 s21, $0x270;
	v4 =	vshll.u32 v4, $0x4  }
0x4e: {  	v5 =	vor.u32 v2, v4  }
.Ltmp4:
0x4f: {  	(pc) =	sbr.rel @p0 .LBB2_10-.Ltmp4, $4  }
0x50: {  	_ = 	snop  }
0x51: {  	s20 =	sadd.s32 $0x10, s20  }
0x52: {  	[tilespmem:s20+$0x0] =	vst v3  }
0x53: {  	v4 =	vmov s21;
	s21 =	sadd.s32 $0x10, s21;
	v3 =	vld.idx.msk [tilespmem:v5+s17+$0x0], $0xffff  }
0x54: {  	v4 =	vshll.u32 v4, $0x4  }
0x55: {  	v4 =	vor.u32 v2, v4;
	_ =	sdelay $0x2  }
0x56: {  	s20 =	sadd.s32 $0x10, s20  }
0x57: {  	[tilespmem:s20+$0x0] =	vst v3  }
0x58: {  	v3 =	vld.idx.msk [tilespmem:v4+s17+$0x0], $0xffff;
	_ =	sdelay $0x2  }
0x59: {  	s19 =	sadd.s32 $0x1, s19  }
0x5a: {  	p0 =	sne.s32 s19, s11;
	s20 =	sadd.s32 $0x10, s20  }
.Ltmp5:
0x5b: {  	[tilespmem:s20+$0x0] =	vst v3;
	(pc) =	sbr.rel @p0 .LBB2_1-.Ltmp5, $4  }
0x5c: {  	[hbm4b:s10+s3] =	stream.linear.scatter [tilespmem:s18], [sflag:$0x2], $0x278, $0x38;
	[tilespmem:$0x8978] =	vst v63  }
0x5d: {  	_ =	swait.ge [sflag:s13], $0x278  }
0x5e: {  	[sflag:s13] =	ssyncset.done $0x0  }
0x5f: {  	[sflag:s13] =	ssyncadd.s32 $0xFFFFFD88  }
0x60: {  	_ =	sfence.sel $0x180000  }
0x61: {  	[bflag:$0x0] =	sbarrier.arrive $0xFFFF  }
0x62: {  	p0 =	sne.s32 s0, $0x0;
	_ =	strace $0x90000047  }
0x63: {  	s0 =	sadd.s32 @!p0 $0x100000, s1;
	[bflag:$0x2] =	sbarrier.arrive $0xFFFF  }
0x64: {  	[sflag:s0] =	ssyncadd.tile.s32 @!p0 $0x1;
	_ =	shalt  }
.Lfunc_end2:
_tile_overlayer_lowered:
.L_overlay_start_2:
0x65: {  	(tag) =	ssettag $0x2  }
0x66: {  	s0 =	rddreg [dreg:$0x0];
	s2 =	stileid.u32  }
0x67: {  	s1 =	rddreg [dreg:$0x1];
	p0 =	sne.s32 s2, $0x0  }
0x68: {  	s3 =	rddreg [dreg:$0x2];
	[bflag:$0x3] =	sbarrier.arrive $0xFFFF;
	s2 =	simm.s32 @!p0 $0x1C02  }
0x69: {  	[timem:s3], [sflag:s2] =	dma.local @!p0 [hbm:s0], s1  }
0x6a: {  	s0 =	simm.s32 @!p0 $0x2  }
0x6b: {  	_ =	swait.ge @!p0 [sflag:s0], s1  }
0x6c: {  	s1 =	ssub.s32 @!p0 $0x0, s1;
	[sflag:s0] =	ssyncset.done @!p0 $0x0  }
0x6d: {  	[sflag:s0] =	ssyncadd.s32 @!p0 s1  }
0x6e: {  	[bflag:$0x3] =	sbarrier.arrive $0xFFFF  }
0x6f: {  	_ =	shalt  }

// kernel: sc_agg16.3.cloned.1.call-start
scs
__scs_entry_jumppad:
0x0: {  	(pc) =	sbr.rel $0x88, $3  }
0x1: {  	(tag) =	ssettag $0x0;
	lr =	simm.s32 $0x1  }
0x2: {  	[smem:$0x3F9B] =	sst lr;
	_ =	strace $0xD0000000  }
0x3: {  	_ = 	snop  }
0x4: {  	_ = 	snop  }
0x5: {  	_ = 	snop  }
0x6: {  	_ = 	snop  }
0x7: {  	_ = 	snop  }
__scs_overlays_trampoline_lowered:
0x8: {  	[smem:$0x3FAA] =	sst s0  }
0x9: {  	[smem:$0x3FAB] =	sst s1  }
0xa: {  	[smem:$0x3FAC] =	sst s2  }
0xb: {  	[smem:$0x3FAD] =	sst s3  }
0xc: {  	[smem:$0x3FAE] =	sst s4  }
0xd: {  	[smem:$0x3FAF] =	sst s5  }
0xe: {  	[smem:$0x3FB0] =	sst s6  }
0xf: {  	[smem:$0x3FB1] =	sst s7  }
0x10: {  	[smem:$0x3FB2] =	sst s8  }
0x11: {  	[smem:$0x3FB3] =	sst s9;
	s0 =	simm.s32 @!p0 $0x0  }
0x12: {  	s1 =	sld [smem:$0x3F99];
	s0 =	simm.s32 @p0 $0x1  }
0x13: {  	[smem:$0x3FB4] =	sst s0;
	s0 =	simm.s32 @!p1 $0x0  }
0x14: {  	s2 =	sld [smem:$0x3F98];
	s0 =	simm.s32 @p1 $0x1  }
0x15: {  	[smem:$0x3FB5] =	sst s0;
	s0 =	simm.s32 @!p2 $0x0  }
0x16: {  	s3 =	sld [smem:$0x3FDB];
	s0 =	simm.s32 @p2 $0x1  }
0x17: {  	s4 =	simm.s32 $0x1BF5;
	[smem:$0x3FB7] =	sst s0  }
0x18: {  	s0 =	sld [smem:$0x3F9A];
	_ =	swait.ge [sflag:s4], $0x0  }
0x19: {  	s7 =	sld [smem:$0x3F9B]  }
0x1a: {  	s8 =	sadd.s32 $0xFFFFE003, lr  }
0x1b: {  	s9 =	sadd.s32 $0xFFFFFEF7, lr;
	s5 =	simm.s32 $0xFFFFFFFF;
	p2 =	slt.u32 s8, $0xFFFFF086  }
0x1c: {  	p1 =	slt.u32 s9, $0xF7A;
	s5 =	simm.s32 @!p2 $0x0  }
0x1d: {  	s5 =	simm.s32 @p1 $0x1;
	p0 =	seq.s32 s7, s2  }
0x1e: {  	s7 =	smul.u32 @!p0 $0xF7A, s2;
	p2 =	seq.s32 @!p0 s5, $0x0  }
0x1f: {  	s9 =	smul.u32 $0xF7A, s1;
	s8 =	simm.s32 @!p0 $0x1BF5;
	p2 =	por !p2, p0  }
0x20: {  	[sflag:s8] =	ssyncset.s32 @!p0 $0xFFFFF086;
	s6 =	sadd.s32 @!p0 s3, s7;
	s7 =	simm.s32 @!p0 $0x108  }
0x21: {  	s3 =	sadd.s32 s3, s9;
	s6 =	sadd.s32 @!p0 $0x88, s6;
	s7 =	simm.s32 @p2 $0x1082  }
0x22: {  	[simem:s7], [sflag:s8] =	dma.local @!p0 [hbm:s6], $0xF7A  }
0x23: {  	s9 =	sor.u32 $0xD0000000, s2;
	s6 =	simm.s32 $0x108;
	_ =	swait.ge @!p0 [sflag:s8], $0x0  }
0x24: {  	s3 =	sadd.s32 $0x88, s3;
	s6 =	simm.s32 @!p1 $0x1082;
	[sflag:s4] =	ssyncset.s32 $0xFFFFF086  }
0x25: {  	[simem:s6], [sflag:s4] =	dma.local [hbm:s3], $0xF7A  }
0x26: {  	[smem:$0x3F9B] =	sst s1;
	(tag) =	ssettag s2;
	_ =	strace s9  }
0x27: {  	s1 =	sld [smem:$0x3FAB]  }
0x28: {  	s2 =	sld [smem:$0x3FAC]  }
0x29: {  	s4 =	sld [smem:$0x3FAE]  }
0x2a: {  	p0 =	seq.s32 s5, $0x0;
	s5 =	sld [smem:$0x3FAF]  }
0x2b: {  	s6 =	sld [smem:$0x3FB0]  }
0x2c: {  	s7 =	sld [smem:$0x3FB1]  }
0x2d: {  	s3 =	simm.s32 $0x108;
	s8 =	sld [smem:$0x3FB2]  }
0x2e: {  	s3 =	simm.s32 @!p0 $0x1082;
	s9 =	sld [smem:$0x3FB3]  }
0x2f: {  	lr =	sadd.s32 s0, s3;
	s0 =	sld [smem:$0x3FAA]  }
0x30: {  	s3 =	sld [smem:$0x3FAD]  }
0x31: {  	[smem:$0x3FB6] =	sst s10  }
0x32: {  	s10 =	sld [smem:$0x3FB4];
	_ =	sdelay $0x3  }
0x33: {  	p0 =	seq.s32 s10, $0x1;
	s10 =	sld [smem:$0x3FB6];
	_ =	sdelay $0x3  }
0x34: {  	[smem:$0x3FB6] =	sst s10  }
0x35: {  	s10 =	sld [smem:$0x3FB5];
	_ =	sdelay $0x3  }
0x36: {  	p1 =	seq.s32 s10, $0x1;
	s10 =	sld [smem:$0x3FB6];
	_ =	sdelay $0x3  }
0x37: {  	[smem:$0x3FB6] =	sst s10  }
0x38: {  	s10 =	sld [smem:$0x3FB7]  }
0x39: {  	_ = 	snop;
	(pc) =	sbr.ind lr, $3  }
0x3a: {  	_ = 	snop  }
0x3b: {  	_ = 	snop  }
0x3c: {  	p2 =	seq.s32 s10, $0x1;
	s10 =	sld [smem:$0x3FB6]  }
0x3d: {  	_ =	shalt  }
0x3e: {  	_ =	shalt  }
0x3f: {  	_ =	shalt  }
0x40: {  	_ =	shalt  }
0x41: {  	_ =	shalt  }
0x42: {  	_ =	shalt  }
0x43: {  	_ =	shalt  }
0x44: {  	_ =	shalt  }
0x45: {  	_ =	shalt  }
0x46: {  	_ =	shalt  }
0x47: {  	_ =	shalt  }
0x48: {  	_ =	shalt  }
0x49: {  	_ =	shalt  }
0x4a: {  	_ =	shalt  }
0x4b: {  	_ =	shalt  }
0x4c: {  	_ =	shalt  }
0x4d: {  	_ =	shalt  }
0x4e: {  	_ =	shalt  }
0x4f: {  	_ =	shalt  }
0x50: {  	_ =	shalt  }
0x51: {  	_ =	shalt  }
0x52: {  	_ =	shalt  }
0x53: {  	_ =	shalt  }
0x54: {  	_ =	shalt  }
0x55: {  	_ =	shalt  }
0x56: {  	_ =	shalt  }
0x57: {  	_ =	shalt  }
0x58: {  	_ =	shalt  }
0x59: {  	_ =	shalt  }
0x5a: {  	_ =	shalt  }
0x5b: {  	_ =	shalt  }
0x5c: {  	_ =	shalt  }
0x5d: {  	_ =	shalt  }
0x5e: {  	_ =	shalt  }
0x5f: {  	_ =	shalt  }
0x60: {  	_ =	shalt  }
0x61: {  	_ =	shalt  }
0x62: {  	_ =	shalt  }
0x63: {  	_ =	shalt  }
0x64: {  	_ =	shalt  }
0x65: {  	_ =	shalt  }
0x66: {  	_ =	shalt  }
0x67: {  	_ =	shalt  }
0x68: {  	_ =	shalt  }
0x69: {  	_ =	shalt  }
0x6a: {  	_ =	shalt  }
0x6b: {  	_ =	shalt  }
0x6c: {  	_ =	shalt  }
0x6d: {  	_ =	shalt  }
0x6e: {  	_ =	shalt  }
0x6f: {  	_ =	shalt  }
0x70: {  	_ =	shalt  }
0x71: {  	_ =	shalt  }
0x72: {  	_ =	shalt  }
0x73: {  	_ =	shalt  }
0x74: {  	_ =	shalt  }
0x75: {  	_ =	shalt  }
0x76: {  	_ =	shalt  }
0x77: {  	_ =	shalt  }
0x78: {  	_ =	shalt  }
0x79: {  	_ =	shalt  }
0x7a: {  	_ =	shalt  }
0x7b: {  	_ =	shalt  }
0x7c: {  	_ =	shalt  }
0x7d: {  	_ =	shalt  }
0x7e: {  	_ =	shalt  }
0x7f: {  	_ =	shalt  }
0x80: {  	_ =	shalt  }
0x81: {  	_ =	shalt  }
0x82: {  	_ =	shalt  }
0x83: {  	_ =	shalt  }
0x84: {  	_ =	shalt  }
0x85: {  	_ =	shalt  }
0x86: {  	_ =	shalt  }
0x87: {  	_ =	shalt  }
.Lfunc_end0:
.L_simem_size_0:
called_computation.2_lowered:
.L_overlay_start_0:
0x88: {  	s2 =	sld [smem:$0x3FD9]  }
0x89: {  	s3 =	sld [smem:$0x3FFE];
	_ =	sdelay $0x1  }
0x8a: {  	s1 =	srdreg.scid  }
0x8b: {  	s0 =	sand.u32 $0x1, s1  }
0x8c: {  	s16 =	sshll.u32 s0, $0xA;
	s2 =	sadd.s32 s3, s2  }
0x8d: {  	s2 =	sadd.s32 s2, s16  }
0x8e: {  	[smem:$0x3FC2] =	sst s2  }
0x8f: {  	_ = 	snop  }
0x90: {  	(tm) =	ssettm $0x1  }
0x91: {  	s17 =	sld [smem:$0x3FFB];
	_ =	sdelay $0x3  }
0x92: {  	_ =	strace s17  }
0x93: {  	s2 =	sld [smem:$0x3FFC];
	_ =	sdelay $0x3  }
0x94: {  	_ =	strace s2  }
0x95: {  	s2 =	sld [smem:$0x3FFD];
	_ =	sdelay $0x3  }
0x96: {  	_ =	strace s2  }
0x97: {  	_ =	strace $0x8FFFFFFF  }
0x98: {  	s18 =	sld [smem:$0x3FDB];
	_ =	sdelay $0x1  }
0x99: {  	s19 =	simm.s32 $_scs_section_size  }
0x9a: {  	s4 =	simm.s32 $_size__tile_overlayer_lowered;
	s5 =	simm.s32 $_tile_overlayer_lowered  }
0x9b: {  	s22 =	simm.s32 $0x1BFF;
	s21 =	sshll.u32 s5, $0x1;
	s2 =	sadd.s32 s19, s18  }
0x9c: {  	s6 =	simm.s32 $0x0;
	s20 =	sshll.u32 s4, $0x1;
	s4 =	sadd.s32 s21, s2  }
0x9d: {  	[timem:s6], [sflag:s22] =	dma.local [hbm:s4], s20  }
0x9e: {  	_ =	swait.ge [sflag:s22], s20  }
0x9f: {  	s3 =	ssub.s32 $0x0, s20;
	[sflag:s22] =	ssyncset.done $0x0  }
0xa0: {  	[sflag:s22] =	ssyncadd.s32 s3;
	_ =	sdelay $0x1  }
0xa1: {  	s23 =	simm.s32 $0x1B8B  }
0xa2: {  	_ =	swait.ge [sflag:s23], $0x1  }
0xa3: {  	[sflag:s23] =	ssyncset.done $0x0  }
0xa4: {  	s25 =	simm.s32 $0x1B8E;
	s24 =	sld [smem:$0x3FFE];
	[sflag:s23] =	ssyncadd.s32 $0xFFFFFFFF  }
0xa5: {  	s26 =	simm.s32 $execute0_lowered;
	[smem:$0x3FD2] =	sst s25  }
0xa6: {  	s4 =	sshll.u32 s26, $0x1;
	_ =	strace $0x8000004C;
	[dreg:$0x1] =	wrdreg $0xFFFFFFFF  }
0xa7: {  	s28 =	simm.s32 $_size_execute0_lowered;
	s2 =	sadd.s32 s2, s4;
	[dreg:$0x0] =	wrdreg $0x0  }
0xa8: {  	s4 =	sshll.u32 s28, $0x1;
	[dreg:$0x2] =	wrdreg s2  }
0xa9: {  	[dreg:$0x3] =	wrdreg s4  }
0xaa: {  	[dreg:$0x4] =	wrdreg $0xC0  }
0xab: {  	_ =	task [dreg:s6], $0x5FFFF  }
0xac: {  	[dreg:$0x1] =	wrdreg $0xFFFFFFFF  }
0xad: {  	[dreg:$0x0] =	wrdreg $0x60  }
0xae: {  	[dreg:$0x2] =	wrdreg s24  }
0xaf: {  	[dreg:$0x3] =	wrdreg $0x98000  }
0xb0: {  	[dreg:$0x4] =	wrdreg $0x9  }
0xb1: {  	_ =	task.clear_ibuf [dreg:s6], $0x5FFFF;
	_ =	strace $0x9000004C  }
0xb2: {  	s29 =	simm.s32 $0x9;
	_ =	strace $0x8000004E  }
0xb3: {  	_ =	swait.ge [sflag:s29], $0x1  }
0xb4: {  	[sflag:s29] =	ssyncadd.s32 $0xFFFFFFFF  }
0xb5: {  	_ =	strace $0x9000004E  }
0xb6: {  	_ =	sfence  }
0xb7: {  	s30 =	sld [smem:$0x0];
	_ =	sdelay $0x2  }
0xb8: {  	s31 =	sshll.u32 s1, $0xD;
	s1 =	sshrl.u32 s1, $0x2  }
0xb9: {  	s3 =	sand.u32 $0x4000, s31;
	s1 =	sadd.s32 s1, s30  }
0xba: {  	s0 =	sor.u32 s3, s0;
	s1 =	sshll.u32 s1, $0x11  }
0xbb: {  	s0 =	sor.u32 s1, s0  }
0xbc: {  	s0 =	sadd.s32 $0x8F2B, s0  }
0xbd: {  	[sflag:s0] =	ssyncadd.remote.s32 $0x1  }
0xbe: {  	_ =	sfence.sel $0xFFFF  }
0xbf: {  	[dreg:$0x0] =	wrdreg $0xFFFFFFFF;
	(pc) =	sbr.abs _section_cstart, $3  }
0xc0: {  	[dreg:$0x1] =	wrdreg $0xFFFFFFFF  }
0xc1: {  	_ =	task.clear_ibuf [dreg:s6], $0x2FFFF;
	_ =	strace $0x9FFFFFFF  }
0xc2: {  	(tm) =	ssettm $0x7FFFFFFF  }
0xc3: {  	_ =	shalt  }
tec
execute0_lowered:
.L_overlay_start_1:
0x0: {  	(tag) =	ssettag $0x1  }
0x1: {  	s0 =	srdreg.scid;
	s1 =	rddreg [dreg:$0x0]  }
0x2: {  	s7 =	stileid.u32;
	s2 =	rddreg [dreg:$0x1]  }
0x3: {  	s6 =	simm.s32 $0x0;
	s16 =	simm.s32 $0x11;
	s17 =	simm.s32 $0x1  }
0x4: {  	s18 =	simm.s32 $0x2;
	s19 =	simm.s32 $0x80;
	s28 =	simm.s32 $0x7000  }
0x5: {  	s30 =	simm.s32 $0x7800;
	s29 =	simm.s32 $0x5;
	s31 =	simm.s32 $0x6  }
0x6: {  	s14 =	simm.s32 $0x8;
	s8 =	simm.s32 $0xC;
	s9 =	simm.s32 $0xD  }
0x7: {  	s10 =	simm.s32 $0xE;
	s11 =	simm.s32 $0xF;
	s12 =	simm.s32 $0x10  }
0x8: {  	s13 =	simm.s32 $0x0;
	s0 =	sand.u32 $0x1, s0;
	[smem:$0x7FF] =	sst s6  }
0x9: {  	s20 =	smul.u32 $0x4F00, s7;
	s3 =	sshll.u32 s0, $0x4;
	s0 =	ssub.s32 $0x2, s0  }
0xa: {  	s4 =	sor.u32 s7, s3;
	s7 =	smul.u32 $0x9E00, s7;
	s21 =	sshrl.u32 s0, $0x1  }
0xb: {  	s6 =	simm.s32 $0xA;
	s5 =	smul.u32 $0x500, s4;
	s0 =	ssub.s32 s0, s21  }
0xc: {  	_ =	strace $0x8000004D;
	s7 =	sshrl.u32 s7, $0x2;
	s0 =	smax.u32 s0, $0x1  }
0xd: {  	s5 =	sadd.s32 s5, s1;
	s22 =	sadd.s32 s7, s2;
	[dreg:$0xb] =	wrdreg s0  }
0xe: {  	s3 =	sor.u32 s3, s20;
	s23 =	sadd.s32 $0x1C00, s5;
	[dreg:$0x3] =	wrdreg s22  }
0xf: {  	s20 =	simm.s32 $0x5000;
	s5 =	sadd.s32 $0xBC00, s5;
	[dreg:$0x4] =	wrdreg s23  }
0x10: {  	s4 =	sadd.s32 $0x15C00, s1;
	s24 =	sadd.s32 $0x800, s22;
	[dreg:$0x5] =	wrdreg s5  }
0x11: {  	s3 =	sshrl.u32 s3, $0x3;
	s25 =	sadd.s32 $0x1000, s22;
	[dreg:$0x6] =	wrdreg s24  }
0x12: {  	s21 =	simm.s32 $0x5800;
	s26 =	sadd.s32 $0x1800, s22;
	[dreg:$0x7] =	wrdreg s25  }
0x13: {  	s1 =	sadd.s32 s3, s1;
	s3 =	sadd.s32 $0x2000, s22;
	[dreg:$0x8] =	wrdreg s26  }
0x14: {  	s0 =	simm.s32 $0x7;
	s1 =	sadd.s32 $0x1AC00, s1;
	[dreg:$0x9] =	wrdreg s3  }
0x15: {  	s7 =	simm.s32 $0xB;
	s22 =	simm.s32 $0x8800;
	[dreg:$0xa] =	wrdreg s1  }
0x16: {  	s23 =	simm.s32 $0x6000;
	s25 =	simm.s32 $0x6800;
	s1 =	simm.s32 $0x8000  }
0x17: {  	v0 =	vimm.f32 $0.0e+00;
	s24 =	simm.s32 $0x3;
	s26 =	simm.s32 $0x4;
	s3 =	simm.s32 $0x9  }
.LBB2_1:
0x18: {  	[dreg:$0xc] =	wrdreg s13  }
0x19: {  	s5 =	simm.s32 $0x0;
	s15 =	rddreg [dreg:$0x4]  }
0x1a: {  	[tilespmem:s5], [sflag:$0x1] =	stream.linear.gather [hbm4b:s15+s5], $0x2800, $0x38;
	[tilespmem:$0xBF80] =	vst v63  }
0x1b: {  	s13 =	rddreg [dreg:$0x5];
	s15 =	simm.s32 $0x2800  }
0x1c: {  	[tilespmem:s15], [sflag:$0x2] =	stream.linear.gather [hbm4b:s13+s5], $0x2800, $0x38;
	[tilespmem:$0xBF80] =	vst v63  }
0x1d: {  	s5 =	simm.s32 $0x40;
	s15 =	simm.s32 $0x0  }
.LBB2_2:
0x1e: {  	p0 =	sne.s32 s5, $0x1FC0;
	[tilespmem:s15+$0x9000] =	vst v0;
	s15 =	smov.u32 s5;
	s5 =	sadd.s32 $0x40, s5  }
.Ltmp0:
0x1f: {  	(pc) =	sbr.rel @p0 .LBB2_2-.Ltmp0, $2  }
0x20: {  	_ =	sdelay $0x2  }
0x21: {  	s15 =	sshra.s32 s15, $0x2  }
0x22: {  	[tilespmem:s15+$0x9000] =	vst v0;
	s5 =	rddreg [dreg:$0x3];
	s13 =	simm.s32 $0x9000  }
0x23: {  	[spmem:s5] =	stream.linear.scatter [tilespmem:s13], [sflag:$0x11], $0x800, $0x38;
	[tilespmem:$0xBF80] =	vst v63  }
0x24: {  	_ =	swait.ge [sflag:s16], $0x800  }
0x25: {  	[sflag:s16] =	ssyncset.done $0x0  }
0x26: {  	s15 =	rddreg [dreg:$0x6];
	[sflag:s16] =	ssyncadd.s32 $0xFFFFF800  }
0x27: {  	[spmem:s15] =	stream.linear.scatter [tilespmem:s13], [sflag:$0x11], $0x800, $0x38;
	[tilespmem:$0xBF80] =	vst v63  }
0x28: {  	_ =	swait.ge [sflag:s16], $0x800  }
0x29: {  	[sflag:s16] =	ssyncset.done $0x0  }
0x2a: {  	s15 =	rddreg [dreg:$0x7];
	[sflag:s16] =	ssyncadd.s32 $0xFFFFF800  }
0x2b: {  	[spmem:s15] =	stream.linear.scatter [tilespmem:s13], [sflag:$0x11], $0x800, $0x38;
	[tilespmem:$0xBF80] =	vst v63  }
0x2c: {  	_ =	swait.ge [sflag:s16], $0x800  }
0x2d: {  	[sflag:s16] =	ssyncset.done $0x0  }
0x2e: {  	s15 =	rddreg [dreg:$0x8];
	[sflag:s16] =	ssyncadd.s32 $0xFFFFF800  }
0x2f: {  	[spmem:s15] =	stream.linear.scatter [tilespmem:s13], [sflag:$0x11], $0x800, $0x38;
	[tilespmem:$0xBF80] =	vst v63  }
0x30: {  	_ =	swait.ge [sflag:s16], $0x800  }
0x31: {  	[sflag:s16] =	ssyncset.done $0x0  }
0x32: {  	s15 =	rddreg [dreg:$0x9];
	[sflag:s16] =	ssyncadd.s32 $0xFFFFF800  }
0x33: {  	[spmem:s15] =	stream.linear.scatter [tilespmem:s13], [sflag:$0x11], $0x780, $0x38;
	[tilespmem:$0xBF80] =	vst v63  }
0x34: {  	_ =	swait.ge [sflag:s16], $0x780  }
0x35: {  	[sflag:s16] =	ssyncset.done $0x0  }
0x36: {  	[sflag:s16] =	ssyncadd.s32 $0xFFFFF880  }
0x37: {  	_ =	swait.ge [sflag:s17], $0x2800  }
0x38: {  	[sflag:s17] =	ssyncset.done $0x0  }
0x39: {  	[sflag:s17] =	ssyncadd.s32 $0xFFFFD800  }
0x3a: {  	_ =	swait.ge [sflag:s18], $0x2800  }
0x3b: {  	[sflag:s18] =	ssyncset.done $0x0  }
0x3c: {  	[sflag:s18] =	ssyncadd.s32 $0xFFFFD800  }
0x3d: {  	s13 =	simm.s32 $0x0;
	[bflag:$0x0] =	sbarrier.arrive $0xFFFF  }
0x3e: {  	[tilespmem:s20], [sflag:$0x1] =	stream.indirect.gather [hbm4b:s4+s19], $0x10, s13, s19, $0xb8;
	[tilespmem:$0xBF80] =	vst v63  }
0x3f: {  	_ = 	snop  }
0x40: {  	[tilespmem:s21], [sflag:$0x2] =	stream.indirect.gather [hbm4b:s4+s19], $0x10, s19, s19, $0xb8;
	[tilespmem:$0xBF80] =	vst v63  }
0x41: {  	s15 =	simm.s32 $0x100  }
0x42: {  	[tilespmem:s23], [sflag:$0x3] =	stream.indirect.gather [hbm4b:s4+s19], $0x10, s15, s19, $0xb8;
	[tilespmem:$0xBF80] =	vst v63  }
0x43: {  	s13 =	simm.s32 $0x180  }
0x44: {  	[tilespmem:s25], [sflag:$0x4] =	stream.indirect.gather [hbm4b:s4+s19], $0x10, s13, s19, $0xb8;
	[tilespmem:$0xBF80] =	vst v63  }
0x45: {  	s15 =	simm.s32 $0x200  }
0x46: {  	[tilespmem:s28], [sflag:$0x5] =	stream.indirect.gather [hbm4b:s4+s19], $0x10, s15, s19, $0xb8;
	[tilespmem:$0xBF80] =	vst v63  }
0x47: {  	s13 =	simm.s32 $0x280  }
0x48: {  	[tilespmem:s30], [sflag:$0x6] =	stream.indirect.gather [hbm4b:s4+s19], $0x10, s13, s19, $0xb8;
	[tilespmem:$0xBF80] =	vst v63  }
0x49: {  	s15 =	simm.s32 $0x300  }
0x4a: {  	[tilespmem:s1], [sflag:$0x7] =	stream.indirect.gather [hbm4b:s4+s19], $0x10, s15, s19, $0xb8;
	[tilespmem:$0xBF80] =	vst v63  }
0x4b: {  	s13 =	simm.s32 $0x380  }
0x4c: {  	[tilespmem:s22], [sflag:$0x8] =	stream.indirect.gather [hbm4b:s4+s19], $0x10, s13, s19, $0xb8;
	[tilespmem:$0xBF80] =	vst v63  }
0x4d: {  	_ =	swait.ge [sflag:s17], $0x800  }
0x4e: {  	[sflag:s17] =	ssyncset.done $0x0  }
0x4f: {  	s15 =	simm.s32 $0x2800;
	[sflag:s17] =	ssyncadd.s32 $0xFFFFF800  }
0x50: {  	[spmem:s2] =	stream.indirect.scatter.add.f32 [tilespmem:s20], [sflag:$0x9], $0x10, s15, s19, $0xb8;
	[tilespmem:$0xBF80] =	vst v63  }
0x51: {  	_ =	swait.ge [sflag:s18], $0x800  }
0x52: {  	[sflag:s18] =	ssyncset.done $0x0  }
0x53: {  	s13 =	simm.s32 $0x2880;
	[sflag:s18] =	ssyncadd.s32 $0xFFFFF800  }
0x54: {  	[spmem:s2] =	stream.indirect.scatter.add.f32 [tilespmem:s21], [sflag:$0xA], $0x10, s13, s19, $0xb8;
	[tilespmem:$0xBF80] =	vst v63  }
0x55: {  	_ =	swait.ge [sflag:s24], $0x800  }
0x56: {  	[sflag:s24] =	ssyncset.done $0x0  }
0x57: {  	s15 =	simm.s32 $0x2900;
	[sflag:s24] =	ssyncadd.s32 $0xFFFFF800  }
0x58: {  	[spmem:s2] =	stream.indirect.scatter.add.f32 [tilespmem:s23], [sflag:$0xB], $0x10, s15, s19, $0xb8;
	[tilespmem:$0xBF80] =	vst v63  }
0x59: {  	_ =	swait.ge [sflag:s26], $0x800  }
0x5a: {  	[sflag:s26] =	ssyncset.done $0x0  }
0x5b: {  	s13 =	simm.s32 $0x2980;
	[sflag:s26] =	ssyncadd.s32 $0xFFFFF800  }
0x5c: {  	[spmem:s2] =	stream.indirect.scatter.add.f32 [tilespmem:s25], [sflag:$0xC], $0x10, s13, s19, $0xb8;
	[tilespmem:$0xBF80] =	vst v63  }
0x5d: {  	_ =	swait.ge [sflag:s29], $0x800  }
0x5e: {  	[sflag:s29] =	ssyncset.done $0x0  }
0x5f: {  	s15 =	simm.s32 $0x2A00;
	[sflag:s29] =	ssyncadd.s32 $0xFFFFF800  }
0x60: {  	[spmem:s2] =	stream.indirect.scatter.add.f32 [tilespmem:s28], [sflag:$0xD], $0x10, s15, s19, $0xb8;
	[tilespmem:$0xBF80] =	vst v63  }
0x61: {  	_ =	swait.ge [sflag:s31], $0x800  }
0x62: {  	[sflag:s31] =	ssyncset.done $0x0  }
0x63: {  	s13 =	simm.s32 $0x2A80;
	[sflag:s31] =	ssyncadd.s32 $0xFFFFF800  }
0x64: {  	[spmem:s2] =	stream.indirect.scatter.add.f32 [tilespmem:s30], [sflag:$0xE], $0x10, s13, s19, $0xb8;
	[tilespmem:$0xBF80] =	vst v63  }
0x65: {  	_ =	swait.ge [sflag:s0], $0x800  }
0x66: {  	[sflag:s0] =	ssyncset.done $0x0  }
0x67: {  	s15 =	simm.s32 $0x2B00;
	[sflag:s0] =	ssyncadd.s32 $0xFFFFF800  }
0x68: {  	[spmem:s2] =	stream.indirect.scatter.add.f32 [tilespmem:s1], [sflag:$0xF], $0x10, s15, s19, $0xb8;
	[tilespmem:$0xBF80] =	vst v63  }
0x69: {  	_ =	swait.ge [sflag:s14], $0x800  }
0x6a: {  	[sflag:s14] =	ssyncset.done $0x0  }
0x6b: {  	s13 =	simm.s32 $0x2B80;
	[sflag:s14] =	ssyncadd.s32 $0xFFFFF800  }
0x6c: {  	[spmem:s2] =	stream.indirect.scatter.add.f32 [tilespmem:s22], [sflag:$0x10], $0x10, s13, s19, $0xb8;
	[tilespmem:$0xBF80] =	vst v63  }
0x6d: {  	_ =	swait.ge [sflag:s3], $0x800  }
0x6e: {  	[sflag:s3] =	ssyncset.done $0x0  }
0x6f: {  	s15 =	simm.s32 $0x400;
	[sflag:s3] =	ssyncadd.s32 $0xFFFFF800  }
0x70: {  	[tilespmem:s20], [sflag:$0x1] =	stream.indirect.gather [hbm4b:s4+s19], $0x10, s15, s19, $0xb8;
	[tilespmem:$0xBF80] =	vst v63  }
0x71: {  	_ =	swait.ge [sflag:s6], $0x800  }
0x72: {  	[sflag:s6] =	ssyncset.done $0x0  }
0x73: {  	s13 =	simm.s32 $0x480;
	[sflag:s6] =	ssyncadd.s32 $0xFFFFF800  }
0x74: {  	[tilespmem:s21], [sflag:$0x2] =	stream.indirect.gather [hbm4b:s4+s19], $0x10, s13, s19, $0xb8;
	[tilespmem:$0xBF80] =	vst v63  }
0x75: {  	_ =	swait.ge [sflag:s7], $0x800  }
0x76: {  	[sflag:s7] =	ssyncset.done $0x0  }
0x77: {  	s15 =	simm.s32 $0x500;
	[sflag:s7] =	ssyncadd.s32 $0xFFFFF800  }
0x78: {  	[tilespmem:s23], [sflag:$0x3] =	stream.indirect.gather [hbm4b:s4+s19], $0x10, s15, s19, $0xb8;
	[tilespmem:$0xBF80] =	vst v63  }
0x79: {  	_ =	swait.ge [sflag:s8], $0x800  }
0x7a: {  	[sflag:s8] =	ssyncset.done $0x0  }
0x7b: {  	s13 =	simm.s32 $0x580;
	[sflag:s8] =	ssyncadd.s32 $0xFFFFF800  }
0x7c: {  	[tilespmem:s25], [sflag:$0x4] =	stream.indirect.gather [hbm4b:s4+s19], $0x10, s13, s19, $0xb8;
	[tilespmem:$0xBF80] =	vst v63  }
0x7d: {  	_ =	swait.ge [sflag:s9], $0x800  }
0x7e: {  	[sflag:s9] =	ssyncset.done $0x0  }
0x7f: {  	s15 =	simm.s32 $0x600;
	[sflag:s9] =	ssyncadd.s32 $0xFFFFF800  }
0x80: {  	[tilespmem:s28], [sflag:$0x5] =	stream.indirect.gather [hbm4b:s4+s19], $0x10, s15, s19, $0xb8;
	[tilespmem:$0xBF80] =	vst v63  }
0x81: {  	_ =	swait.ge [sflag:s10], $0x800  }
0x82: {  	[sflag:s10] =	ssyncset.done $0x0  }
0x83: {  	s13 =	simm.s32 $0x680;
	[sflag:s10] =	ssyncadd.s32 $0xFFFFF800  }
0x84: {  	[tilespmem:s30], [sflag:$0x6] =	stream.indirect.gather [hbm4b:s4+s19], $0x10, s13, s19, $0xb8;
	[tilespmem:$0xBF80] =	vst v63  }
0x85: {  	_ =	swait.ge [sflag:s11], $0x800  }
0x86: {  	[sflag:s11] =	ssyncset.done $0x0  }
0x87: {  	s15 =	simm.s32 $0x700;
	[sflag:s11] =	ssyncadd.s32 $0xFFFFF800  }
0x88: {  	[tilespmem:s1], [sflag:$0x7] =	stream.indirect.gather [hbm4b:s4+s19], $0x10, s15, s19, $0xb8;
	[tilespmem:$0xBF80] =	vst v63  }
0x89: {  	_ =	swait.ge [sflag:s12], $0x800  }
0x8a: {  	[sflag:s12] =	ssyncset.done $0x0  }
0x8b: {  	s5 =	simm.s32 $0x1000;
	s15 =	simm.s32 $0x780;
	[sflag:s12] =	ssyncadd.s32 $0xFFFFF800  }
.LBB2_4:
0x8c: {  	[tilespmem:s22], [sflag:$0x8] =	stream.indirect.gather [hbm4b:s4+s19], $0x10, s15, s19, $0xb8;
	[tilespmem:$0xBF80] =	vst v63  }
0x8d: {  	s15 =	smov.u32 s5  }
0x8e: {  	p0 =	sne.s32 s5, $0x8000;
	s5 =	sadd.s32 $0x1000, s5;
	_ =	swait.ge [sflag:s17], $0x800  }
0x8f: {  	s15 =	sshra.s32 s15, $0x2;
	[sflag:s17] =	ssyncset.done $0x0  }
0x90: {  	s13 =	sadd.s32 $0x2800, s15;
	[sflag:s17] =	ssyncadd.s32 $0xFFFFF800  }
0x91: {  	[spmem:s2] =	stream.indirect.scatter.add.f32 [tilespmem:s20], [sflag:$0x9], $0x10, s13, s19, $0xb8;
	[tilespmem:$0xBF80] =	vst v63  }
0x92: {  	_ =	swait.ge [sflag:s18], $0x800  }
0x93: {  	[sflag:s18] =	ssyncset.done $0x0  }
0x94: {  	s13 =	sadd.s32 $0x2880, s15;
	[sflag:s18] =	ssyncadd.s32 $0xFFFFF800  }
0x95: {  	[spmem:s2] =	stream.indirect.scatter.add.f32 [tilespmem:s21], [sflag:$0xA], $0x10, s13, s19, $0xb8;
	[tilespmem:$0xBF80] =	vst v63  }
0x96: {  	_ =	swait.ge [sflag:s24], $0x800  }
0x97: {  	[sflag:s24] =	ssyncset.done $0x0  }
0x98: {  	s13 =	sadd.s32 $0x2900, s15;
	[sflag:s24] =	ssyncadd.s32 $0xFFFFF800  }
0x99: {  	[spmem:s2] =	stream.indirect.scatter.add.f32 [tilespmem:s23], [sflag:$0xB], $0x10, s13, s19, $0xb8;
	[tilespmem:$0xBF80] =	vst v63  }
0x9a: {  	_ =	swait.ge [sflag:s26], $0x800  }
0x9b: {  	[sflag:s26] =	ssyncset.done $0x0  }
0x9c: {  	s13 =	sadd.s32 $0x2980, s15;
	[sflag:s26] =	ssyncadd.s32 $0xFFFFF800  }
0x9d: {  	[spmem:s2] =	stream.indirect.scatter.add.f32 [tilespmem:s25], [sflag:$0xC], $0x10, s13, s19, $0xb8;
	[tilespmem:$0xBF80] =	vst v63  }
0x9e: {  	_ =	swait.ge [sflag:s29], $0x800  }
0x9f: {  	[sflag:s29] =	ssyncset.done $0x0  }
0xa0: {  	s13 =	sadd.s32 $0x2A00, s15;
	[sflag:s29] =	ssyncadd.s32 $0xFFFFF800  }
0xa1: {  	[spmem:s2] =	stream.indirect.scatter.add.f32 [tilespmem:s28], [sflag:$0xD], $0x10, s13, s19, $0xb8;
	[tilespmem:$0xBF80] =	vst v63  }
0xa2: {  	_ =	swait.ge [sflag:s31], $0x800  }
0xa3: {  	[sflag:s31] =	ssyncset.done $0x0  }
0xa4: {  	s13 =	sadd.s32 $0x2A80, s15;
	[sflag:s31] =	ssyncadd.s32 $0xFFFFF800  }
0xa5: {  	[spmem:s2] =	stream.indirect.scatter.add.f32 [tilespmem:s30], [sflag:$0xE], $0x10, s13, s19, $0xb8;
	[tilespmem:$0xBF80] =	vst v63  }
0xa6: {  	_ =	swait.ge [sflag:s0], $0x800  }
0xa7: {  	[sflag:s0] =	ssyncset.done $0x0  }
0xa8: {  	s13 =	sadd.s32 $0x2B00, s15;
	[sflag:s0] =	ssyncadd.s32 $0xFFFFF800  }
0xa9: {  	[spmem:s2] =	stream.indirect.scatter.add.f32 [tilespmem:s1], [sflag:$0xF], $0x10, s13, s19, $0xb8;
	[tilespmem:$0xBF80] =	vst v63  }
0xaa: {  	_ =	swait.ge [sflag:s14], $0x800  }
0xab: {  	[sflag:s14] =	ssyncset.done $0x0  }
0xac: {  	s13 =	sadd.s32 $0x2B80, s15;
	[sflag:s14] =	ssyncadd.s32 $0xFFFFF800  }
0xad: {  	[spmem:s2] =	stream.indirect.scatter.add.f32 [tilespmem:s22], [sflag:$0x10], $0x10, s13, s19, $0xb8;
	[tilespmem:$0xBF80] =	vst v63  }
0xae: {  	_ =	swait.ge [sflag:s3], $0x800  }
0xaf: {  	[sflag:s3] =	ssyncset.done $0x0  }
0xb0: {  	s13 =	sadd.s32 $0x400, s15;
	[sflag:s3] =	ssyncadd.s32 $0xFFFFF800  }
0xb1: {  	[tilespmem:s20], [sflag:$0x1] =	stream.indirect.gather [hbm4b:s4+s19], $0x10, s13, s19, $0xb8;
	[tilespmem:$0xBF80] =	vst v63  }
0xb2: {  	_ =	swait.ge [sflag:s6], $0x800  }
0xb3: {  	[sflag:s6] =	ssyncset.done $0x0  }
0xb4: {  	s13 =	sadd.s32 $0x480, s15;
	[sflag:s6] =	ssyncadd.s32 $0xFFFFF800  }
0xb5: {  	[tilespmem:s21], [sflag:$0x2] =	stream.indirect.gather [hbm4b:s4+s19], $0x10, s13, s19, $0xb8;
	[tilespmem:$0xBF80] =	vst v63  }
0xb6: {  	_ =	swait.ge [sflag:s7], $0x800  }
0xb7: {  	[sflag:s7] =	ssyncset.done $0x0  }
0xb8: {  	s13 =	sadd.s32 $0x500, s15;
	[sflag:s7] =	ssyncadd.s32 $0xFFFFF800  }
0xb9: {  	[tilespmem:s23], [sflag:$0x3] =	stream.indirect.gather [hbm4b:s4+s19], $0x10, s13, s19, $0xb8;
	[tilespmem:$0xBF80] =	vst v63  }
0xba: {  	_ =	swait.ge [sflag:s8], $0x800  }
0xbb: {  	[sflag:s8] =	ssyncset.done $0x0  }
0xbc: {  	s13 =	sadd.s32 $0x580, s15;
	[sflag:s8] =	ssyncadd.s32 $0xFFFFF800  }
0xbd: {  	[tilespmem:s25], [sflag:$0x4] =	stream.indirect.gather [hbm4b:s4+s19], $0x10, s13, s19, $0xb8;
	[tilespmem:$0xBF80] =	vst v63  }
0xbe: {  	_ =	swait.ge [sflag:s9], $0x800  }
0xbf: {  	[sflag:s9] =	ssyncset.done $0x0  }
0xc0: {  	s13 =	sadd.s32 $0x600, s15;
	[sflag:s9] =	ssyncadd.s32 $0xFFFFF800  }
0xc1: {  	[tilespmem:s28], [sflag:$0x5] =	stream.indirect.gather [hbm4b:s4+s19], $0x10, s13, s19, $0xb8;
	[tilespmem:$0xBF80] =	vst v63  }
0xc2: {  	_ =	swait.ge [sflag:s10], $0x800  }
0xc3: {  	[sflag:s10] =	ssyncset.done $0x0  }
0xc4: {  	s13 =	sadd.s32 $0x680, s15;
	[sflag:s10] =	ssyncadd.s32 $0xFFFFF800  }
0xc5: {  	[tilespmem:s30], [sflag:$0x6] =	stream.indirect.gather [hbm4b:s4+s19], $0x10, s13, s19, $0xb8;
	[tilespmem:$0xBF80] =	vst v63  }
0xc6: {  	_ =	swait.ge [sflag:s11], $0x800  }
0xc7: {  	[sflag:s11] =	ssyncset.done $0x0  }
.Ltmp1:
0xc8: {  	s13 =	sadd.s32 $0x700, s15;
	[sflag:s11] =	ssyncadd.s32 $0xFFFFF800;
	(pc) =	sbr.rel @p0 .LBB2_4-.Ltmp1, $4  }
0xc9: {  	[tilespmem:s1], [sflag:$0x7] =	stream.indirect.gather [hbm4b:s4+s19], $0x10, s13, s19, $0xb8;
	[tilespmem:$0xBF80] =	vst v63  }
0xca: {  	_ =	swait.ge [sflag:s12], $0x800  }
0xcb: {  	[sflag:s12] =	ssyncset.done $0x0  }
0xcc: {  	s15 =	sadd.s32 $0x780, s15;
	[sflag:s12] =	ssyncadd.s32 $0xFFFFF800  }
0xcd: {  	[tilespmem:s22], [sflag:$0x8] =	stream.indirect.gather [hbm4b:s4+s19], $0x10, s15, s19, $0xb8;
	[tilespmem:$0xBF80] =	vst v63  }
0xce: {  	_ =	swait.ge [sflag:s17], $0x800  }
0xcf: {  	[sflag:s17] =	ssyncset.done $0x0  }
0xd0: {  	s5 =	simm.s32 $0x4C00;
	[sflag:s17] =	ssyncadd.s32 $0xFFFFF800  }
0xd1: {  	[spmem:s2] =	stream.indirect.scatter.add.f32 [tilespmem:s20], [sflag:$0x9], $0x10, s5, s19, $0xb8;
	[tilespmem:$0xBF80] =	vst v63  }
0xd2: {  	_ =	swait.ge [sflag:s18], $0x800  }
0xd3: {  	[sflag:s18] =	ssyncset.done $0x0  }
0xd4: {  	s13 =	simm.s32 $0x4C80;
	[sflag:s18] =	ssyncadd.s32 $0xFFFFF800  }
0xd5: {  	[spmem:s2] =	stream.indirect.scatter.add.f32 [tilespmem:s21], [sflag:$0xA], $0x10, s13, s19, $0xb8;
	[tilespmem:$0xBF80] =	vst v63  }
0xd6: {  	_ =	swait.ge [sflag:s24], $0x800  }
0xd7: {  	[sflag:s24] =	ssyncset.done $0x0  }
0xd8: {  	s15 =	simm.s32 $0x4D00;
	[sflag:s24] =	ssyncadd.s32 $0xFFFFF800  }
0xd9: {  	[spmem:s2] =	stream.indirect.scatter.add.f32 [tilespmem:s23], [sflag:$0xB], $0x10, s15, s19, $0xb8;
	[tilespmem:$0xBF80] =	vst v63  }
0xda: {  	_ =	swait.ge [sflag:s26], $0x800  }
0xdb: {  	[sflag:s26] =	ssyncset.done $0x0  }
0xdc: {  	s13 =	simm.s32 $0x4D80;
	[sflag:s26] =	ssyncadd.s32 $0xFFFFF800  }
0xdd: {  	[spmem:s2] =	stream.indirect.scatter.add.f32 [tilespmem:s25], [sflag:$0xC], $0x10, s13, s19, $0xb8;
	[tilespmem:$0xBF80] =	vst v63  }
0xde: {  	_ =	swait.ge [sflag:s29], $0x800  }
0xdf: {  	[sflag:s29] =	ssyncset.done $0x0  }
0xe0: {  	s15 =	simm.s32 $0x4E00;
	[sflag:s29] =	ssyncadd.s32 $0xFFFFF800  }
0xe1: {  	[spmem:s2] =	stream.indirect.scatter.add.f32 [tilespmem:s28], [sflag:$0xD], $0x10, s15, s19, $0xb8;
	[tilespmem:$0xBF80] =	vst v63  }
0xe2: {  	_ =	swait.ge [sflag:s31], $0x800  }
0xe3: {  	[sflag:s31] =	ssyncset.done $0x0  }
0xe4: {  	s13 =	simm.s32 $0x4E80;
	[sflag:s31] =	ssyncadd.s32 $0xFFFFF800  }
0xe5: {  	[spmem:s2] =	stream.indirect.scatter.add.f32 [tilespmem:s30], [sflag:$0xE], $0x10, s13, s19, $0xb8;
	[tilespmem:$0xBF80] =	vst v63  }
0xe6: {  	_ =	swait.ge [sflag:s0], $0x800  }
0xe7: {  	[sflag:s0] =	ssyncset.done $0x0  }
0xe8: {  	s15 =	simm.s32 $0x4F00;
	[sflag:s0] =	ssyncadd.s32 $0xFFFFF800  }
0xe9: {  	[spmem:s2] =	stream.indirect.scatter.add.f32 [tilespmem:s1], [sflag:$0xF], $0x10, s15, s19, $0xb8;
	[tilespmem:$0xBF80] =	vst v63  }
0xea: {  	_ =	swait.ge [sflag:s14], $0x800  }
0xeb: {  	[sflag:s14] =	ssyncset.done $0x0  }
0xec: {  	s13 =	simm.s32 $0x4F80;
	[sflag:s14] =	ssyncadd.s32 $0xFFFFF800  }
0xed: {  	[spmem:s2] =	stream.indirect.scatter.add.f32 [tilespmem:s22], [sflag:$0x10], $0x10, s13, s19, $0xb8;
	[tilespmem:$0xBF80] =	vst v63  }
0xee: {  	_ =	swait.ge [sflag:s3], $0x800  }
0xef: {  	[sflag:s3] =	ssyncset.done $0x0  }
0xf0: {  	[sflag:s3] =	ssyncadd.s32 $0xFFFFF800  }
0xf1: {  	_ =	swait.ge [sflag:s6], $0x800  }
0xf2: {  	[sflag:s6] =	ssyncset.done $0x0  }
0xf3: {  	[sflag:s6] =	ssyncadd.s32 $0xFFFFF800  }
0xf4: {  	_ =	swait.ge [sflag:s7], $0x800  }
0xf5: {  	[sflag:s7] =	ssyncset.done $0x0  }
0xf6: {  	[sflag:s7] =	ssyncadd.s32 $0xFFFFF800  }
0xf7: {  	_ =	swait.ge [sflag:s8], $0x800  }
0xf8: {  	[sflag:s8] =	ssyncset.done $0x0  }
0xf9: {  	[sflag:s8] =	ssyncadd.s32 $0xFFFFF800  }
0xfa: {  	_ =	swait.ge [sflag:s9], $0x800  }
0xfb: {  	[sflag:s9] =	ssyncset.done $0x0  }
0xfc: {  	[sflag:s9] =	ssyncadd.s32 $0xFFFFF800  }
0xfd: {  	_ =	swait.ge [sflag:s10], $0x800  }
0xfe: {  	[sflag:s10] =	ssyncset.done $0x0  }
0xff: {  	[sflag:s10] =	ssyncadd.s32 $0xFFFFF800  }
0x100: {  	_ =	swait.ge [sflag:s11], $0x800  }
0x101: {  	[sflag:s11] =	ssyncset.done $0x0  }
0x102: {  	[sflag:s11] =	ssyncadd.s32 $0xFFFFF800  }
0x103: {  	_ =	swait.ge [sflag:s12], $0x800  }
0x104: {  	[sflag:s12] =	ssyncset.done $0x0  }
0x105: {  	[sflag:s12] =	ssyncadd.s32 $0xFFFFF800  }
0x106: {  	s15 =	stileid.u32;
	[bflag:$0x0] =	sbarrier.arrive $0xFFFF  }
0x107: {  	s5 =	sshll.u32 s15, $0x6;
	s13 =	rddreg [dreg:$0x3]  }
0x108: {  	s5 =	sor.u32 $0x1C11, s5;
	s15 =	rddreg [dreg:$0xa];
	s13 =	sshrl.u32 s13, $0x3  }
0x109: {  	[hbm:s15@s26], [sflag:s5] =	dma.strided [spmem:s13@s18], $0x4F0, s17, $0x2   }
0x10a: {  	_ =	swait.ge [sflag:s16], $0x4F0  }
0x10b: {  	s5 =	rddreg [dreg:$0xc]  }
0x10c: {  	s15 =	rddreg [dreg:$0xb];
	s13 =	sadd.s32 $0x1, s5  }
0x10d: {  	p0 =	sne.s32 s13, s15  }
.Ltmp2:
0x10e: {  	_ = 	snop;
	(pc) =	sbr.rel @p0 .LBB2_1-.Ltmp2, $3  }
0x10f: {  	_ =	sdelay $0x1  }
0x110: {  	[sflag:s16] =	ssyncset.done $0x0  }
0x111: {  	[sflag:s16] =	ssyncadd.s32 $0xFFFFFB10  }
0x112: {  	_ =	sfence.sel $0x180000  }
0x113: {  	[bflag:$0x0] =	sbarrier.arrive $0xFFFF  }
0x114: {  	_ =	strace $0x9000004D  }
0x115: {  	s0 =	stileid.u32;
	[bflag:$0x2] =	sbarrier.arrive $0xFFFF  }
0x116: {  	p0 =	sne.s32 s0, $0x0;
	s0 =	rddreg [dreg:$0x2]  }
0x117: {  	s0 =	sadd.s32 @!p0 $0x100000, s0  }
0x118: {  	[sflag:s0] =	ssyncadd.tile.s32 @!p0 $0x1;
	_ =	shalt  }
.Lfunc_end2:
_tile_overlayer_lowered:
.L_overlay_start_2:
0x119: {  	(tag) =	ssettag $0x2  }
0x11a: {  	s0 =	rddreg [dreg:$0x0];
	s2 =	stileid.u32  }
0x11b: {  	s1 =	rddreg [dreg:$0x1];
	p0 =	sne.s32 s2, $0x0  }
0x11c: {  	s3 =	rddreg [dreg:$0x2];
	[bflag:$0x3] =	sbarrier.arrive $0xFFFF;
	s2 =	simm.s32 @!p0 $0x1C11  }
0x11d: {  	[timem:s3], [sflag:s2] =	dma.local @!p0 [hbm:s0], s1  }
0x11e: {  	s0 =	simm.s32 @!p0 $0x11  }
0x11f: {  	_ =	swait.ge @!p0 [sflag:s0], s1  }
0x120: {  	s1 =	ssub.s32 @!p0 $0x0, s1;
	[sflag:s0] =	ssyncset.done @!p0 $0x0  }
0x121: {  	[sflag:s0] =	ssyncadd.s32 @!p0 s1  }
0x122: {  	[bflag:$0x3] =	sbarrier.arrive $0xFFFF  }
0x123: {  	_ =	shalt  }

// kernel: sc_agg32.3.cloned.1.call-start
scs
__scs_entry_jumppad:
0x0: {  	(pc) =	sbr.rel $0x88, $3  }
0x1: {  	(tag) =	ssettag $0x0;
	lr =	simm.s32 $0x1  }
0x2: {  	[smem:$0x3F9B] =	sst lr;
	_ =	strace $0xD0000000  }
0x3: {  	_ = 	snop  }
0x4: {  	_ = 	snop  }
0x5: {  	_ = 	snop  }
0x6: {  	_ = 	snop  }
0x7: {  	_ = 	snop  }
__scs_overlays_trampoline_lowered:
0x8: {  	[smem:$0x3FAA] =	sst s0  }
0x9: {  	[smem:$0x3FAB] =	sst s1  }
0xa: {  	[smem:$0x3FAC] =	sst s2  }
0xb: {  	[smem:$0x3FAD] =	sst s3  }
0xc: {  	[smem:$0x3FAE] =	sst s4  }
0xd: {  	[smem:$0x3FAF] =	sst s5  }
0xe: {  	[smem:$0x3FB0] =	sst s6  }
0xf: {  	[smem:$0x3FB1] =	sst s7  }
0x10: {  	[smem:$0x3FB2] =	sst s8  }
0x11: {  	[smem:$0x3FB3] =	sst s9;
	s0 =	simm.s32 @!p0 $0x0  }
0x12: {  	s1 =	sld [smem:$0x3F99];
	s0 =	simm.s32 @p0 $0x1  }
0x13: {  	[smem:$0x3FB4] =	sst s0;
	s0 =	simm.s32 @!p1 $0x0  }
0x14: {  	s2 =	sld [smem:$0x3F98];
	s0 =	simm.s32 @p1 $0x1  }
0x15: {  	[smem:$0x3FB5] =	sst s0;
	s0 =	simm.s32 @!p2 $0x0  }
0x16: {  	s3 =	sld [smem:$0x3FDB];
	s0 =	simm.s32 @p2 $0x1  }
0x17: {  	s4 =	simm.s32 $0x1BF5;
	[smem:$0x3FB7] =	sst s0  }
0x18: {  	s0 =	sld [smem:$0x3F9A];
	_ =	swait.ge [sflag:s4], $0x0  }
0x19: {  	s7 =	sld [smem:$0x3F9B]  }
0x1a: {  	s8 =	sadd.s32 $0xFFFFE003, lr  }
0x1b: {  	s9 =	sadd.s32 $0xFFFFFEF7, lr;
	s5 =	simm.s32 $0xFFFFFFFF;
	p2 =	slt.u32 s8, $0xFFFFF086  }
0x1c: {  	p1 =	slt.u32 s9, $0xF7A;
	s5 =	simm.s32 @!p2 $0x0  }
0x1d: {  	s5 =	simm.s32 @p1 $0x1;
	p0 =	seq.s32 s7, s2  }
0x1e: {  	s7 =	smul.u32 @!p0 $0xF7A, s2;
	p2 =	seq.s32 @!p0 s5, $0x0  }
0x1f: {  	s9 =	smul.u32 $0xF7A, s1;
	s8 =	simm.s32 @!p0 $0x1BF5;
	p2 =	por !p2, p0  }
0x20: {  	[sflag:s8] =	ssyncset.s32 @!p0 $0xFFFFF086;
	s6 =	sadd.s32 @!p0 s3, s7;
	s7 =	simm.s32 @!p0 $0x108  }
0x21: {  	s3 =	sadd.s32 s3, s9;
	s6 =	sadd.s32 @!p0 $0x88, s6;
	s7 =	simm.s32 @p2 $0x1082  }
0x22: {  	[simem:s7], [sflag:s8] =	dma.local @!p0 [hbm:s6], $0xF7A  }
0x23: {  	s9 =	sor.u32 $0xD0000000, s2;
	s6 =	simm.s32 $0x108;
	_ =	swait.ge @!p0 [sflag:s8], $0x0  }
0x24: {  	s3 =	sadd.s32 $0x88, s3;
	s6 =	simm.s32 @!p1 $0x1082;
	[sflag:s4] =	ssyncset.s32 $0xFFFFF086  }
0x25: {  	[simem:s6], [sflag:s4] =	dma.local [hbm:s3], $0xF7A  }
0x26: {  	[smem:$0x3F9B] =	sst s1;
	(tag) =	ssettag s2;
	_ =	strace s9  }
0x27: {  	s1 =	sld [smem:$0x3FAB]  }
0x28: {  	s2 =	sld [smem:$0x3FAC]  }
0x29: {  	s4 =	sld [smem:$0x3FAE]  }
0x2a: {  	p0 =	seq.s32 s5, $0x0;
	s5 =	sld [smem:$0x3FAF]  }
0x2b: {  	s6 =	sld [smem:$0x3FB0]  }
0x2c: {  	s7 =	sld [smem:$0x3FB1]  }
0x2d: {  	s3 =	simm.s32 $0x108;
	s8 =	sld [smem:$0x3FB2]  }
0x2e: {  	s3 =	simm.s32 @!p0 $0x1082;
	s9 =	sld [smem:$0x3FB3]  }
0x2f: {  	lr =	sadd.s32 s0, s3;
	s0 =	sld [smem:$0x3FAA]  }
0x30: {  	s3 =	sld [smem:$0x3FAD]  }
0x31: {  	[smem:$0x3FB6] =	sst s10  }
0x32: {  	s10 =	sld [smem:$0x3FB4];
	_ =	sdelay $0x3  }
0x33: {  	p0 =	seq.s32 s10, $0x1;
	s10 =	sld [smem:$0x3FB6];
	_ =	sdelay $0x3  }
0x34: {  	[smem:$0x3FB6] =	sst s10  }
0x35: {  	s10 =	sld [smem:$0x3FB5];
	_ =	sdelay $0x3  }
0x36: {  	p1 =	seq.s32 s10, $0x1;
	s10 =	sld [smem:$0x3FB6];
	_ =	sdelay $0x3  }
0x37: {  	[smem:$0x3FB6] =	sst s10  }
0x38: {  	s10 =	sld [smem:$0x3FB7]  }
0x39: {  	_ = 	snop;
	(pc) =	sbr.ind lr, $3  }
0x3a: {  	_ = 	snop  }
0x3b: {  	_ = 	snop  }
0x3c: {  	p2 =	seq.s32 s10, $0x1;
	s10 =	sld [smem:$0x3FB6]  }
0x3d: {  	_ =	shalt  }
0x3e: {  	_ =	shalt  }
0x3f: {  	_ =	shalt  }
0x40: {  	_ =	shalt  }
0x41: {  	_ =	shalt  }
0x42: {  	_ =	shalt  }
0x43: {  	_ =	shalt  }
0x44: {  	_ =	shalt  }
0x45: {  	_ =	shalt  }
0x46: {  	_ =	shalt  }
0x47: {  	_ =	shalt  }
0x48: {  	_ =	shalt  }
0x49: {  	_ =	shalt  }
0x4a: {  	_ =	shalt  }
0x4b: {  	_ =	shalt  }
0x4c: {  	_ =	shalt  }
0x4d: {  	_ =	shalt  }
0x4e: {  	_ =	shalt  }
0x4f: {  	_ =	shalt  }
0x50: {  	_ =	shalt  }
0x51: {  	_ =	shalt  }
0x52: {  	_ =	shalt  }
0x53: {  	_ =	shalt  }
0x54: {  	_ =	shalt  }
0x55: {  	_ =	shalt  }
0x56: {  	_ =	shalt  }
0x57: {  	_ =	shalt  }
0x58: {  	_ =	shalt  }
0x59: {  	_ =	shalt  }
0x5a: {  	_ =	shalt  }
0x5b: {  	_ =	shalt  }
0x5c: {  	_ =	shalt  }
0x5d: {  	_ =	shalt  }
0x5e: {  	_ =	shalt  }
0x5f: {  	_ =	shalt  }
0x60: {  	_ =	shalt  }
0x61: {  	_ =	shalt  }
0x62: {  	_ =	shalt  }
0x63: {  	_ =	shalt  }
0x64: {  	_ =	shalt  }
0x65: {  	_ =	shalt  }
0x66: {  	_ =	shalt  }
0x67: {  	_ =	shalt  }
0x68: {  	_ =	shalt  }
0x69: {  	_ =	shalt  }
0x6a: {  	_ =	shalt  }
0x6b: {  	_ =	shalt  }
0x6c: {  	_ =	shalt  }
0x6d: {  	_ =	shalt  }
0x6e: {  	_ =	shalt  }
0x6f: {  	_ =	shalt  }
0x70: {  	_ =	shalt  }
0x71: {  	_ =	shalt  }
0x72: {  	_ =	shalt  }
0x73: {  	_ =	shalt  }
0x74: {  	_ =	shalt  }
0x75: {  	_ =	shalt  }
0x76: {  	_ =	shalt  }
0x77: {  	_ =	shalt  }
0x78: {  	_ =	shalt  }
0x79: {  	_ =	shalt  }
0x7a: {  	_ =	shalt  }
0x7b: {  	_ =	shalt  }
0x7c: {  	_ =	shalt  }
0x7d: {  	_ =	shalt  }
0x7e: {  	_ =	shalt  }
0x7f: {  	_ =	shalt  }
0x80: {  	_ =	shalt  }
0x81: {  	_ =	shalt  }
0x82: {  	_ =	shalt  }
0x83: {  	_ =	shalt  }
0x84: {  	_ =	shalt  }
0x85: {  	_ =	shalt  }
0x86: {  	_ =	shalt  }
0x87: {  	_ =	shalt  }
.Lfunc_end0:
.L_simem_size_0:
called_computation.1_lowered:
.L_overlay_start_0:
0x88: {  	s2 =	sld [smem:$0x3FD9]  }
0x89: {  	s3 =	sld [smem:$0x3FFE];
	_ =	sdelay $0x1  }
0x8a: {  	s1 =	srdreg.scid  }
0x8b: {  	s0 =	sand.u32 $0x1, s1  }
0x8c: {  	s16 =	sshll.u32 s0, $0xA;
	s2 =	sadd.s32 s3, s2  }
0x8d: {  	s2 =	sadd.s32 s2, s16  }
0x8e: {  	[smem:$0x3FC2] =	sst s2  }
0x8f: {  	_ = 	snop  }
0x90: {  	(tm) =	ssettm $0x1  }
0x91: {  	s17 =	sld [smem:$0x3FFB];
	_ =	sdelay $0x3  }
0x92: {  	_ =	strace s17  }
0x93: {  	s2 =	sld [smem:$0x3FFC];
	_ =	sdelay $0x3  }
0x94: {  	_ =	strace s2  }
0x95: {  	s2 =	sld [smem:$0x3FFD];
	_ =	sdelay $0x3  }
0x96: {  	_ =	strace s2  }
0x97: {  	_ =	strace $0x8FFFFFFF  }
0x98: {  	s18 =	sld [smem:$0x3FDB];
	_ =	sdelay $0x1  }
0x99: {  	s19 =	simm.s32 $_scs_section_size  }
0x9a: {  	s4 =	simm.s32 $_size__tile_overlayer_lowered;
	s5 =	simm.s32 $_tile_overlayer_lowered  }
0x9b: {  	s22 =	simm.s32 $0x1BFF;
	s21 =	sshll.u32 s5, $0x1;
	s2 =	sadd.s32 s19, s18  }
0x9c: {  	s6 =	simm.s32 $0x0;
	s20 =	sshll.u32 s4, $0x1;
	s4 =	sadd.s32 s21, s2  }
0x9d: {  	[timem:s6], [sflag:s22] =	dma.local [hbm:s4], s20  }
0x9e: {  	_ =	swait.ge [sflag:s22], s20  }
0x9f: {  	s3 =	ssub.s32 $0x0, s20;
	[sflag:s22] =	ssyncset.done $0x0  }
0xa0: {  	[sflag:s22] =	ssyncadd.s32 s3;
	_ =	sdelay $0x1  }
0xa1: {  	s23 =	simm.s32 $0x1B8B  }
0xa2: {  	_ =	swait.ge [sflag:s23], $0x1  }
0xa3: {  	[sflag:s23] =	ssyncset.done $0x0  }
0xa4: {  	s25 =	simm.s32 $0x1B8E;
	s24 =	sld [smem:$0x3FFE];
	[sflag:s23] =	ssyncadd.s32 $0xFFFFFFFF  }
0xa5: {  	s26 =	simm.s32 $execute0_lowered;
	[smem:$0x3FD2] =	sst s25  }
0xa6: {  	s4 =	sshll.u32 s26, $0x1;
	_ =	strace $0x80000049;
	[dreg:$0x1] =	wrdreg $0xFFFFFFFF  }
0xa7: {  	s28 =	simm.s32 $_size_execute0_lowered;
	s2 =	sadd.s32 s2, s4;
	[dreg:$0x0] =	wrdreg $0x0  }
0xa8: {  	s4 =	sshll.u32 s28, $0x1;
	[dreg:$0x2] =	wrdreg s2  }
0xa9: {  	[dreg:$0x3] =	wrdreg s4  }
0xaa: {  	[dreg:$0x4] =	wrdreg $0xC0  }
0xab: {  	_ =	task [dreg:s6], $0x5FFFF  }
0xac: {  	[dreg:$0x1] =	wrdreg $0xFFFFFFFF  }
0xad: {  	[dreg:$0x0] =	wrdreg $0x60  }
0xae: {  	[dreg:$0x2] =	wrdreg s24  }
0xaf: {  	[dreg:$0x3] =	wrdreg $0xE0000  }
0xb0: {  	[dreg:$0x4] =	wrdreg $0x9  }
0xb1: {  	_ =	task.clear_ibuf [dreg:s6], $0x5FFFF;
	_ =	strace $0x90000049  }
0xb2: {  	s29 =	simm.s32 $0x9;
	_ =	strace $0x8000004B  }
0xb3: {  	_ =	swait.ge [sflag:s29], $0x1  }
0xb4: {  	[sflag:s29] =	ssyncadd.s32 $0xFFFFFFFF  }
0xb5: {  	_ =	strace $0x9000004B  }
0xb6: {  	_ =	sfence  }
0xb7: {  	s30 =	sld [smem:$0x0];
	_ =	sdelay $0x2  }
0xb8: {  	s31 =	sshll.u32 s1, $0xD;
	s1 =	sshrl.u32 s1, $0x2  }
0xb9: {  	s3 =	sand.u32 $0x4000, s31;
	s1 =	sadd.s32 s1, s30  }
0xba: {  	s0 =	sor.u32 s3, s0;
	s1 =	sshll.u32 s1, $0x11  }
0xbb: {  	s0 =	sor.u32 s1, s0  }
0xbc: {  	s0 =	sadd.s32 $0x8F2B, s0  }
0xbd: {  	[sflag:s0] =	ssyncadd.remote.s32 $0x1  }
0xbe: {  	_ =	sfence.sel $0xFFFF  }
0xbf: {  	[dreg:$0x0] =	wrdreg $0xFFFFFFFF;
	(pc) =	sbr.abs _section_cstart, $3  }
0xc0: {  	[dreg:$0x1] =	wrdreg $0xFFFFFFFF  }
0xc1: {  	_ =	task.clear_ibuf [dreg:s6], $0x2FFFF;
	_ =	strace $0x9FFFFFFF  }
0xc2: {  	(tm) =	ssettm $0x7FFFFFFF  }
0xc3: {  	_ =	shalt  }
tec
execute0_lowered:
.L_overlay_start_1:
0x0: {  	(tag) =	ssettag $0x1  }
0x1: {  	s0 =	srdreg.scid;
	s1 =	rddreg [dreg:$0x0]  }
0x2: {  	s2 =	rddreg [dreg:$0x1];
	s7 =	stileid.u32;
	s4 =	simm.s32 $0x0  }
0x3: {  	s16 =	simm.s32 $0x11;
	s17 =	simm.s32 $0x1;
	s18 =	simm.s32 $0x2  }
0x4: {  	s19 =	simm.s32 $0x80;
	s28 =	simm.s32 $0x9000;
	s30 =	simm.s32 $0xA000  }
0x5: {  	s29 =	simm.s32 $0x5;
	s31 =	simm.s32 $0x6;
	s14 =	simm.s32 $0x8  }
0x6: {  	s8 =	simm.s32 $0xC;
	s9 =	simm.s32 $0xD;
	s10 =	simm.s32 $0xE  }
0x7: {  	s11 =	simm.s32 $0xF;
	s12 =	simm.s32 $0x10;
	s13 =	simm.s32 $0x0  }
0x8: {  	s0 =	sand.u32 $0x1, s0;
	[smem:$0x7FF] =	sst s4;
	s5 =	smul.u32 $0x9E00, s7  }
0x9: {  	s3 =	sshll.u32 s0, $0x4;
	s6 =	sshll.u32 s0, $0x5;
	s0 =	ssub.s32 $0x2, s0  }
0xa: {  	s3 =	sor.u32 s7, s3;
	s7 =	smul.u32 $0x13C00, s7;
	s20 =	sshrl.u32 s0, $0x1  }
0xb: {  	s4 =	sadd.s32 $0x3D400, s1;
	s3 =	smul.u32 $0x500, s3;
	s0 =	ssub.s32 s0, s20  }
0xc: {  	_ =	strace $0x8000004A;
	s7 =	sshrl.u32 s7, $0x2;
	s0 =	smax.u32 s0, $0x1  }
0xd: {  	s3 =	sadd.s32 s3, s1;
	s21 =	sadd.s32 s7, s2;
	[dreg:$0xb] =	wrdreg s0  }
0xe: {  	s5 =	sor.u32 s6, s5;
	s22 =	sadd.s32 $0x1C00, s3;
	[dreg:$0x3] =	wrdreg s21  }
0xf: {  	s6 =	simm.s32 $0xA;
	s3 =	sadd.s32 $0xBC00, s3;
	[dreg:$0x4] =	wrdreg s22  }
0x10: {  	s5 =	sshrl.u32 s5, $0x3;
	s23 =	sadd.s32 $0x1000, s21;
	[dreg:$0x5] =	wrdreg s3  }
0x11: {  	s20 =	simm.s32 $0x5000;
	s24 =	sadd.s32 $0x2000, s21;
	[dreg:$0x6] =	wrdreg s23  }
0x12: {  	s1 =	sadd.s32 s5, s1;
	s25 =	sadd.s32 $0x3000, s21;
	[dreg:$0x7] =	wrdreg s24  }
0x13: {  	s0 =	simm.s32 $0xB000;
	s26 =	sadd.s32 $0x4000, s21;
	[dreg:$0x8] =	wrdreg s25  }
0x14: {  	s7 =	simm.s32 $0xB;
	s1 =	sadd.s32 $0x47200, s1;
	[dreg:$0x9] =	wrdreg s26  }
0x15: {  	s21 =	simm.s32 $0x6000;
	[dreg:$0xa] =	wrdreg s1;
	s23 =	simm.s32 $0x7000  }
0x16: {  	s25 =	simm.s32 $0x8000;
	s22 =	simm.s32 $0xC000;
	s24 =	simm.s32 $0x3  }
0x17: {  	v0 =	vimm.f32 $0.0e+00;
	s26 =	simm.s32 $0x4;
	s1 =	simm.s32 $0x7;
	s3 =	simm.s32 $0x9  }
.LBB2_1:
0x18: {  	[dreg:$0xc] =	wrdreg s13  }
0x19: {  	s5 =	simm.s32 $0x0;
	s15 =	rddreg [dreg:$0x4]  }
0x1a: {  	[tilespmem:s5], [sflag:$0x1] =	stream.linear.gather [hbm4b:s15+s5], $0x2800, $0x38;
	[tilespmem:$0x12F00] =	vst v63  }
0x1b: {  	s13 =	rddreg [dreg:$0x5];
	s15 =	simm.s32 $0x2800  }
0x1c: {  	[tilespmem:s15], [sflag:$0x2] =	stream.linear.gather [hbm4b:s13+s5], $0x2800, $0x38;
	[tilespmem:$0x12F00] =	vst v63  }
0x1d: {  	s5 =	simm.s32 $0x80;
	s15 =	simm.s32 $0x0  }
.LBB2_2:
0x1e: {  	p0 =	sne.s32 s5, $0x3F80;
	[tilespmem:s15+$0xD000] =	vst v0;
	s13 =	smov.u32 s5;
	s5 =	sadd.s32 $0x80, s5  }
.Ltmp0:
0x1f: {  	[tilespmem:s15+$0xD010] =	vst v0;
	(pc) =	sbr.rel @p0 .LBB2_2-.Ltmp0, $2  }
0x20: {  	_ =	sdelay $0x2  }
0x21: {  	s15 =	sshra.s32 s13, $0x2  }
0x22: {  	[tilespmem:s15+$0xD000] =	vst v0  }
0x23: {  	[tilespmem:s15+$0xD010] =	vst v0;
	s5 =	rddreg [dreg:$0x3];
	s13 =	simm.s32 $0xD000  }
0x24: {  	[spmem:s5] =	stream.linear.scatter [tilespmem:s13], [sflag:$0x11], $0x1000, $0x38;
	[tilespmem:$0x12F00] =	vst v63  }
0x25: {  	_ =	swait.ge [sflag:s16], $0x1000  }
0x26: {  	[sflag:s16] =	ssyncset.done $0x0  }
0x27: {  	s15 =	rddreg [dreg:$0x6];
	[sflag:s16] =	ssyncadd.s32 $0xFFFFF000  }
0x28: {  	[spmem:s15] =	stream.linear.scatter [tilespmem:s13], [sflag:$0x11], $0x1000, $0x38;
	[tilespmem:$0x12F00] =	vst v63  }
0x29: {  	_ =	swait.ge [sflag:s16], $0x1000  }
0x2a: {  	[sflag:s16] =	ssyncset.done $0x0  }
0x2b: {  	s15 =	rddreg [dreg:$0x7];
	[sflag:s16] =	ssyncadd.s32 $0xFFFFF000  }
0x2c: {  	[spmem:s15] =	stream.linear.scatter [tilespmem:s13], [sflag:$0x11], $0x1000, $0x38;
	[tilespmem:$0x12F00] =	vst v63  }
0x2d: {  	_ =	swait.ge [sflag:s16], $0x1000  }
0x2e: {  	[sflag:s16] =	ssyncset.done $0x0  }
0x2f: {  	s15 =	rddreg [dreg:$0x8];
	[sflag:s16] =	ssyncadd.s32 $0xFFFFF000  }
0x30: {  	[spmem:s15] =	stream.linear.scatter [tilespmem:s13], [sflag:$0x11], $0x1000, $0x38;
	[tilespmem:$0x12F00] =	vst v63  }
0x31: {  	_ =	swait.ge [sflag:s16], $0x1000  }
0x32: {  	[sflag:s16] =	ssyncset.done $0x0  }
0x33: {  	s15 =	rddreg [dreg:$0x9];
	[sflag:s16] =	ssyncadd.s32 $0xFFFFF000  }
0x34: {  	[spmem:s15] =	stream.linear.scatter [tilespmem:s13], [sflag:$0x11], $0xF00, $0x38;
	[tilespmem:$0x12F00] =	vst v63  }
0x35: {  	_ =	swait.ge [sflag:s16], $0xF00  }
0x36: {  	[sflag:s16] =	ssyncset.done $0x0  }
0x37: {  	[sflag:s16] =	ssyncadd.s32 $0xFFFFF100  }
0x38: {  	_ =	swait.ge [sflag:s17], $0x2800  }
0x39: {  	[sflag:s17] =	ssyncset.done $0x0  }
0x3a: {  	[sflag:s17] =	ssyncadd.s32 $0xFFFFD800  }
0x3b: {  	_ =	swait.ge [sflag:s18], $0x2800  }
0x3c: {  	[sflag:s18] =	ssyncset.done $0x0  }
0x3d: {  	[sflag:s18] =	ssyncadd.s32 $0xFFFFD800  }
0x3e: {  	s13 =	simm.s32 $0x0;
	[bflag:$0x0] =	sbarrier.arrive $0xFFFF  }
0x3f: {  	[tilespmem:s20], [sflag:$0x1] =	stream.indirect.gather [hbm4b:s4+s19], $0x20, s13, s19, $0xb8;
	[tilespmem:$0x12F00] =	vst v63  }
0x40: {  	_ = 	snop  }
0x41: {  	[tilespmem:s21], [sflag:$0x2] =	stream.indirect.gather [hbm4b:s4+s19], $0x20, s19, s19, $0xb8;
	[tilespmem:$0x12F00] =	vst v63  }
0x42: {  	s15 =	simm.s32 $0x100  }
0x43: {  	[tilespmem:s23], [sflag:$0x3] =	stream.indirect.gather [hbm4b:s4+s19], $0x20, s15, s19, $0xb8;
	[tilespmem:$0x12F00] =	vst v63  }
0x44: {  	s13 =	simm.s32 $0x180  }
0x45: {  	[tilespmem:s25], [sflag:$0x4] =	stream.indirect.gather [hbm4b:s4+s19], $0x20, s13, s19, $0xb8;
	[tilespmem:$0x12F00] =	vst v63  }
0x46: {  	s15 =	simm.s32 $0x200  }
0x47: {  	[tilespmem:s28], [sflag:$0x5] =	stream.indirect.gather [hbm4b:s4+s19], $0x20, s15, s19, $0xb8;
	[tilespmem:$0x12F00] =	vst v63  }
0x48: {  	s13 =	simm.s32 $0x280  }
0x49: {  	[tilespmem:s30], [sflag:$0x6] =	stream.indirect.gather [hbm4b:s4+s19], $0x20, s13, s19, $0xb8;
	[tilespmem:$0x12F00] =	vst v63  }
0x4a: {  	s15 =	simm.s32 $0x300  }
0x4b: {  	[tilespmem:s0], [sflag:$0x7] =	stream.indirect.gather [hbm4b:s4+s19], $0x20, s15, s19, $0xb8;
	[tilespmem:$0x12F00] =	vst v63  }
0x4c: {  	s13 =	simm.s32 $0x380  }
0x4d: {  	[tilespmem:s22], [sflag:$0x8] =	stream.indirect.gather [hbm4b:s4+s19], $0x20, s13, s19, $0xb8;
	[tilespmem:$0x12F00] =	vst v63  }
0x4e: {  	_ =	swait.ge [sflag:s17], $0x1000  }
0x4f: {  	[sflag:s17] =	ssyncset.done $0x0  }
0x50: {  	s15 =	simm.s32 $0x2800;
	[sflag:s17] =	ssyncadd.s32 $0xFFFFF000  }
0x51: {  	[spmem:s2] =	stream.indirect.scatter.add.f32 [tilespmem:s20], [sflag:$0x9], $0x20, s15, s19, $0xb8;
	[tilespmem:$0x12F00] =	vst v63  }
0x52: {  	_ =	swait.ge [sflag:s18], $0x1000  }
0x53: {  	[sflag:s18] =	ssyncset.done $0x0  }
0x54: {  	s13 =	simm.s32 $0x2880;
	[sflag:s18] =	ssyncadd.s32 $0xFFFFF000  }
0x55: {  	[spmem:s2] =	stream.indirect.scatter.add.f32 [tilespmem:s21], [sflag:$0xA], $0x20, s13, s19, $0xb8;
	[tilespmem:$0x12F00] =	vst v63  }
0x56: {  	_ =	swait.ge [sflag:s24], $0x1000  }
0x57: {  	[sflag:s24] =	ssyncset.done $0x0  }
0x58: {  	s15 =	simm.s32 $0x2900;
	[sflag:s24] =	ssyncadd.s32 $0xFFFFF000  }
0x59: {  	[spmem:s2] =	stream.indirect.scatter.add.f32 [tilespmem:s23], [sflag:$0xB], $0x20, s15, s19, $0xb8;
	[tilespmem:$0x12F00] =	vst v63  }
0x5a: {  	_ =	swait.ge [sflag:s26], $0x1000  }
0x5b: {  	[sflag:s26] =	ssyncset.done $0x0  }
0x5c: {  	s13 =	simm.s32 $0x2980;
	[sflag:s26] =	ssyncadd.s32 $0xFFFFF000  }
0x5d: {  	[spmem:s2] =	stream.indirect.scatter.add.f32 [tilespmem:s25], [sflag:$0xC], $0x20, s13, s19, $0xb8;
	[tilespmem:$0x12F00] =	vst v63  }
0x5e: {  	_ =	swait.ge [sflag:s29], $0x1000  }
0x5f: {  	[sflag:s29] =	ssyncset.done $0x0  }
0x60: {  	s15 =	simm.s32 $0x2A00;
	[sflag:s29] =	ssyncadd.s32 $0xFFFFF000  }
0x61: {  	[spmem:s2] =	stream.indirect.scatter.add.f32 [tilespmem:s28], [sflag:$0xD], $0x20, s15, s19, $0xb8;
	[tilespmem:$0x12F00] =	vst v63  }
0x62: {  	_ =	swait.ge [sflag:s31], $0x1000  }
0x63: {  	[sflag:s31] =	ssyncset.done $0x0  }
0x64: {  	s13 =	simm.s32 $0x2A80;
	[sflag:s31] =	ssyncadd.s32 $0xFFFFF000  }
0x65: {  	[spmem:s2] =	stream.indirect.scatter.add.f32 [tilespmem:s30], [sflag:$0xE], $0x20, s13, s19, $0xb8;
	[tilespmem:$0x12F00] =	vst v63  }
0x66: {  	_ =	swait.ge [sflag:s1], $0x1000  }
0x67: {  	[sflag:s1] =	ssyncset.done $0x0  }
0x68: {  	s15 =	simm.s32 $0x2B00;
	[sflag:s1] =	ssyncadd.s32 $0xFFFFF000  }
0x69: {  	[spmem:s2] =	stream.indirect.scatter.add.f32 [tilespmem:s0], [sflag:$0xF], $0x20, s15, s19, $0xb8;
	[tilespmem:$0x12F00] =	vst v63  }
0x6a: {  	_ =	swait.ge [sflag:s14], $0x1000  }
0x6b: {  	[sflag:s14] =	ssyncset.done $0x0  }
0x6c: {  	s13 =	simm.s32 $0x2B80;
	[sflag:s14] =	ssyncadd.s32 $0xFFFFF000  }
0x6d: {  	[spmem:s2] =	stream.indirect.scatter.add.f32 [tilespmem:s22], [sflag:$0x10], $0x20, s13, s19, $0xb8;
	[tilespmem:$0x12F00] =	vst v63  }
0x6e: {  	_ =	swait.ge [sflag:s3], $0x1000  }
0x6f: {  	[sflag:s3] =	ssyncset.done $0x0  }
0x70: {  	s15 =	simm.s32 $0x400;
	[sflag:s3] =	ssyncadd.s32 $0xFFFFF000  }
0x71: {  	[tilespmem:s20], [sflag:$0x1] =	stream.indirect.gather [hbm4b:s4+s19], $0x20, s15, s19, $0xb8;
	[tilespmem:$0x12F00] =	vst v63  }
0x72: {  	_ =	swait.ge [sflag:s6], $0x1000  }
0x73: {  	[sflag:s6] =	ssyncset.done $0x0  }
0x74: {  	s13 =	simm.s32 $0x480;
	[sflag:s6] =	ssyncadd.s32 $0xFFFFF000  }
0x75: {  	[tilespmem:s21], [sflag:$0x2] =	stream.indirect.gather [hbm4b:s4+s19], $0x20, s13, s19, $0xb8;
	[tilespmem:$0x12F00] =	vst v63  }
0x76: {  	_ =	swait.ge [sflag:s7], $0x1000  }
0x77: {  	[sflag:s7] =	ssyncset.done $0x0  }
0x78: {  	s15 =	simm.s32 $0x500;
	[sflag:s7] =	ssyncadd.s32 $0xFFFFF000  }
0x79: {  	[tilespmem:s23], [sflag:$0x3] =	stream.indirect.gather [hbm4b:s4+s19], $0x20, s15, s19, $0xb8;
	[tilespmem:$0x12F00] =	vst v63  }
0x7a: {  	_ =	swait.ge [sflag:s8], $0x1000  }
0x7b: {  	[sflag:s8] =	ssyncset.done $0x0  }
0x7c: {  	s13 =	simm.s32 $0x580;
	[sflag:s8] =	ssyncadd.s32 $0xFFFFF000  }
0x7d: {  	[tilespmem:s25], [sflag:$0x4] =	stream.indirect.gather [hbm4b:s4+s19], $0x20, s13, s19, $0xb8;
	[tilespmem:$0x12F00] =	vst v63  }
0x7e: {  	_ =	swait.ge [sflag:s9], $0x1000  }
0x7f: {  	[sflag:s9] =	ssyncset.done $0x0  }
0x80: {  	s15 =	simm.s32 $0x600;
	[sflag:s9] =	ssyncadd.s32 $0xFFFFF000  }
0x81: {  	[tilespmem:s28], [sflag:$0x5] =	stream.indirect.gather [hbm4b:s4+s19], $0x20, s15, s19, $0xb8;
	[tilespmem:$0x12F00] =	vst v63  }
0x82: {  	_ =	swait.ge [sflag:s10], $0x1000  }
0x83: {  	[sflag:s10] =	ssyncset.done $0x0  }
0x84: {  	s13 =	simm.s32 $0x680;
	[sflag:s10] =	ssyncadd.s32 $0xFFFFF000  }
0x85: {  	[tilespmem:s30], [sflag:$0x6] =	stream.indirect.gather [hbm4b:s4+s19], $0x20, s13, s19, $0xb8;
	[tilespmem:$0x12F00] =	vst v63  }
0x86: {  	_ =	swait.ge [sflag:s11], $0x1000  }
0x87: {  	[sflag:s11] =	ssyncset.done $0x0  }
0x88: {  	s15 =	simm.s32 $0x700;
	[sflag:s11] =	ssyncadd.s32 $0xFFFFF000  }
0x89: {  	[tilespmem:s0], [sflag:$0x7] =	stream.indirect.gather [hbm4b:s4+s19], $0x20, s15, s19, $0xb8;
	[tilespmem:$0x12F00] =	vst v63  }
0x8a: {  	_ =	swait.ge [sflag:s12], $0x1000  }
0x8b: {  	[sflag:s12] =	ssyncset.done $0x0  }
0x8c: {  	s5 =	simm.s32 $0x1000;
	s15 =	simm.s32 $0x780;
	[sflag:s12] =	ssyncadd.s32 $0xFFFFF000  }
.LBB2_4:
0x8d: {  	[tilespmem:s22], [sflag:$0x8] =	stream.indirect.gather [hbm4b:s4+s19], $0x20, s15, s19, $0xb8;
	[tilespmem:$0x12F00] =	vst v63  }
0x8e: {  	s13 =	smov.u32 s5  }
0x8f: {  	p0 =	sne.s32 s5, $0x8000;
	s5 =	sadd.s32 $0x1000, s5;
	_ =	swait.ge [sflag:s17], $0x1000  }
0x90: {  	s15 =	sshra.s32 s13, $0x2;
	[sflag:s17] =	ssyncset.done $0x0  }
0x91: {  	s13 =	sadd.s32 $0x2800, s15;
	[sflag:s17] =	ssyncadd.s32 $0xFFFFF000  }
0x92: {  	[spmem:s2] =	stream.indirect.scatter.add.f32 [tilespmem:s20], [sflag:$0x9], $0x20, s13, s19, $0xb8;
	[tilespmem:$0x12F00] =	vst v63  }
0x93: {  	_ =	swait.ge [sflag:s18], $0x1000  }
0x94: {  	[sflag:s18] =	ssyncset.done $0x0  }
0x95: {  	s13 =	sadd.s32 $0x2880, s15;
	[sflag:s18] =	ssyncadd.s32 $0xFFFFF000  }
0x96: {  	[spmem:s2] =	stream.indirect.scatter.add.f32 [tilespmem:s21], [sflag:$0xA], $0x20, s13, s19, $0xb8;
	[tilespmem:$0x12F00] =	vst v63  }
0x97: {  	_ =	swait.ge [sflag:s24], $0x1000  }
0x98: {  	[sflag:s24] =	ssyncset.done $0x0  }
0x99: {  	s13 =	sadd.s32 $0x2900, s15;
	[sflag:s24] =	ssyncadd.s32 $0xFFFFF000  }
0x9a: {  	[spmem:s2] =	stream.indirect.scatter.add.f32 [tilespmem:s23], [sflag:$0xB], $0x20, s13, s19, $0xb8;
	[tilespmem:$0x12F00] =	vst v63  }
0x9b: {  	_ =	swait.ge [sflag:s26], $0x1000  }
0x9c: {  	[sflag:s26] =	ssyncset.done $0x0  }
0x9d: {  	s13 =	sadd.s32 $0x2980, s15;
	[sflag:s26] =	ssyncadd.s32 $0xFFFFF000  }
0x9e: {  	[spmem:s2] =	stream.indirect.scatter.add.f32 [tilespmem:s25], [sflag:$0xC], $0x20, s13, s19, $0xb8;
	[tilespmem:$0x12F00] =	vst v63  }
0x9f: {  	_ =	swait.ge [sflag:s29], $0x1000  }
0xa0: {  	[sflag:s29] =	ssyncset.done $0x0  }
0xa1: {  	s13 =	sadd.s32 $0x2A00, s15;
	[sflag:s29] =	ssyncadd.s32 $0xFFFFF000  }
0xa2: {  	[spmem:s2] =	stream.indirect.scatter.add.f32 [tilespmem:s28], [sflag:$0xD], $0x20, s13, s19, $0xb8;
	[tilespmem:$0x12F00] =	vst v63  }
0xa3: {  	_ =	swait.ge [sflag:s31], $0x1000  }
0xa4: {  	[sflag:s31] =	ssyncset.done $0x0  }
0xa5: {  	s13 =	sadd.s32 $0x2A80, s15;
	[sflag:s31] =	ssyncadd.s32 $0xFFFFF000  }
0xa6: {  	[spmem:s2] =	stream.indirect.scatter.add.f32 [tilespmem:s30], [sflag:$0xE], $0x20, s13, s19, $0xb8;
	[tilespmem:$0x12F00] =	vst v63  }
0xa7: {  	_ =	swait.ge [sflag:s1], $0x1000  }
0xa8: {  	[sflag:s1] =	ssyncset.done $0x0  }
0xa9: {  	s13 =	sadd.s32 $0x2B00, s15;
	[sflag:s1] =	ssyncadd.s32 $0xFFFFF000  }
0xaa: {  	[spmem:s2] =	stream.indirect.scatter.add.f32 [tilespmem:s0], [sflag:$0xF], $0x20, s13, s19, $0xb8;
	[tilespmem:$0x12F00] =	vst v63  }
0xab: {  	_ =	swait.ge [sflag:s14], $0x1000  }
0xac: {  	[sflag:s14] =	ssyncset.done $0x0  }
0xad: {  	s13 =	sadd.s32 $0x2B80, s15;
	[sflag:s14] =	ssyncadd.s32 $0xFFFFF000  }
0xae: {  	[spmem:s2] =	stream.indirect.scatter.add.f32 [tilespmem:s22], [sflag:$0x10], $0x20, s13, s19, $0xb8;
	[tilespmem:$0x12F00] =	vst v63  }
0xaf: {  	_ =	swait.ge [sflag:s3], $0x1000  }
0xb0: {  	[sflag:s3] =	ssyncset.done $0x0  }
0xb1: {  	s13 =	sadd.s32 $0x400, s15;
	[sflag:s3] =	ssyncadd.s32 $0xFFFFF000  }
0xb2: {  	[tilespmem:s20], [sflag:$0x1] =	stream.indirect.gather [hbm4b:s4+s19], $0x20, s13, s19, $0xb8;
	[tilespmem:$0x12F00] =	vst v63  }
0xb3: {  	_ =	swait.ge [sflag:s6], $0x1000  }
0xb4: {  	[sflag:s6] =	ssyncset.done $0x0  }
0xb5: {  	s13 =	sadd.s32 $0x480, s15;
	[sflag:s6] =	ssyncadd.s32 $0xFFFFF000  }
0xb6: {  	[tilespmem:s21], [sflag:$0x2] =	stream.indirect.gather [hbm4b:s4+s19], $0x20, s13, s19, $0xb8;
	[tilespmem:$0x12F00] =	vst v63  }
0xb7: {  	_ =	swait.ge [sflag:s7], $0x1000  }
0xb8: {  	[sflag:s7] =	ssyncset.done $0x0  }
0xb9: {  	s13 =	sadd.s32 $0x500, s15;
	[sflag:s7] =	ssyncadd.s32 $0xFFFFF000  }
0xba: {  	[tilespmem:s23], [sflag:$0x3] =	stream.indirect.gather [hbm4b:s4+s19], $0x20, s13, s19, $0xb8;
	[tilespmem:$0x12F00] =	vst v63  }
0xbb: {  	_ =	swait.ge [sflag:s8], $0x1000  }
0xbc: {  	[sflag:s8] =	ssyncset.done $0x0  }
0xbd: {  	s13 =	sadd.s32 $0x580, s15;
	[sflag:s8] =	ssyncadd.s32 $0xFFFFF000  }
0xbe: {  	[tilespmem:s25], [sflag:$0x4] =	stream.indirect.gather [hbm4b:s4+s19], $0x20, s13, s19, $0xb8;
	[tilespmem:$0x12F00] =	vst v63  }
0xbf: {  	_ =	swait.ge [sflag:s9], $0x1000  }
0xc0: {  	[sflag:s9] =	ssyncset.done $0x0  }
0xc1: {  	s13 =	sadd.s32 $0x600, s15;
	[sflag:s9] =	ssyncadd.s32 $0xFFFFF000  }
0xc2: {  	[tilespmem:s28], [sflag:$0x5] =	stream.indirect.gather [hbm4b:s4+s19], $0x20, s13, s19, $0xb8;
	[tilespmem:$0x12F00] =	vst v63  }
0xc3: {  	_ =	swait.ge [sflag:s10], $0x1000  }
0xc4: {  	[sflag:s10] =	ssyncset.done $0x0  }
0xc5: {  	s13 =	sadd.s32 $0x680, s15;
	[sflag:s10] =	ssyncadd.s32 $0xFFFFF000  }
0xc6: {  	[tilespmem:s30], [sflag:$0x6] =	stream.indirect.gather [hbm4b:s4+s19], $0x20, s13, s19, $0xb8;
	[tilespmem:$0x12F00] =	vst v63  }
0xc7: {  	_ =	swait.ge [sflag:s11], $0x1000  }
0xc8: {  	[sflag:s11] =	ssyncset.done $0x0  }
.Ltmp1:
0xc9: {  	s13 =	sadd.s32 $0x700, s15;
	[sflag:s11] =	ssyncadd.s32 $0xFFFFF000;
	(pc) =	sbr.rel @p0 .LBB2_4-.Ltmp1, $4  }
0xca: {  	[tilespmem:s0], [sflag:$0x7] =	stream.indirect.gather [hbm4b:s4+s19], $0x20, s13, s19, $0xb8;
	[tilespmem:$0x12F00] =	vst v63  }
0xcb: {  	_ =	swait.ge [sflag:s12], $0x1000  }
0xcc: {  	[sflag:s12] =	ssyncset.done $0x0  }
0xcd: {  	s15 =	sadd.s32 $0x780, s15;
	[sflag:s12] =	ssyncadd.s32 $0xFFFFF000  }
0xce: {  	[tilespmem:s22], [sflag:$0x8] =	stream.indirect.gather [hbm4b:s4+s19], $0x20, s15, s19, $0xb8;
	[tilespmem:$0x12F00] =	vst v63  }
0xcf: {  	_ =	swait.ge [sflag:s17], $0x1000  }
0xd0: {  	[sflag:s17] =	ssyncset.done $0x0  }
0xd1: {  	s5 =	simm.s32 $0x4C00;
	[sflag:s17] =	ssyncadd.s32 $0xFFFFF000  }
0xd2: {  	[spmem:s2] =	stream.indirect.scatter.add.f32 [tilespmem:s20], [sflag:$0x9], $0x20, s5, s19, $0xb8;
	[tilespmem:$0x12F00] =	vst v63  }
0xd3: {  	_ =	swait.ge [sflag:s18], $0x1000  }
0xd4: {  	[sflag:s18] =	ssyncset.done $0x0  }
0xd5: {  	s13 =	simm.s32 $0x4C80;
	[sflag:s18] =	ssyncadd.s32 $0xFFFFF000  }
0xd6: {  	[spmem:s2] =	stream.indirect.scatter.add.f32 [tilespmem:s21], [sflag:$0xA], $0x20, s13, s19, $0xb8;
	[tilespmem:$0x12F00] =	vst v63  }
0xd7: {  	_ =	swait.ge [sflag:s24], $0x1000  }
0xd8: {  	[sflag:s24] =	ssyncset.done $0x0  }
0xd9: {  	s15 =	simm.s32 $0x4D00;
	[sflag:s24] =	ssyncadd.s32 $0xFFFFF000  }
0xda: {  	[spmem:s2] =	stream.indirect.scatter.add.f32 [tilespmem:s23], [sflag:$0xB], $0x20, s15, s19, $0xb8;
	[tilespmem:$0x12F00] =	vst v63  }
0xdb: {  	_ =	swait.ge [sflag:s26], $0x1000  }
0xdc: {  	[sflag:s26] =	ssyncset.done $0x0  }
0xdd: {  	s13 =	simm.s32 $0x4D80;
	[sflag:s26] =	ssyncadd.s32 $0xFFFFF000  }
0xde: {  	[spmem:s2] =	stream.indirect.scatter.add.f32 [tilespmem:s25], [sflag:$0xC], $0x20, s13, s19, $0xb8;
	[tilespmem:$0x12F00] =	vst v63  }
0xdf: {  	_ =	swait.ge [sflag:s29], $0x1000  }
0xe0: {  	[sflag:s29] =	ssyncset.done $0x0  }
0xe1: {  	s15 =	simm.s32 $0x4E00;
	[sflag:s29] =	ssyncadd.s32 $0xFFFFF000  }
0xe2: {  	[spmem:s2] =	stream.indirect.scatter.add.f32 [tilespmem:s28], [sflag:$0xD], $0x20, s15, s19, $0xb8;
	[tilespmem:$0x12F00] =	vst v63  }
0xe3: {  	_ =	swait.ge [sflag:s31], $0x1000  }
0xe4: {  	[sflag:s31] =	ssyncset.done $0x0  }
0xe5: {  	s13 =	simm.s32 $0x4E80;
	[sflag:s31] =	ssyncadd.s32 $0xFFFFF000  }
0xe6: {  	[spmem:s2] =	stream.indirect.scatter.add.f32 [tilespmem:s30], [sflag:$0xE], $0x20, s13, s19, $0xb8;
	[tilespmem:$0x12F00] =	vst v63  }
0xe7: {  	_ =	swait.ge [sflag:s1], $0x1000  }
0xe8: {  	[sflag:s1] =	ssyncset.done $0x0  }
0xe9: {  	s15 =	simm.s32 $0x4F00;
	[sflag:s1] =	ssyncadd.s32 $0xFFFFF000  }
0xea: {  	[spmem:s2] =	stream.indirect.scatter.add.f32 [tilespmem:s0], [sflag:$0xF], $0x20, s15, s19, $0xb8;
	[tilespmem:$0x12F00] =	vst v63  }
0xeb: {  	_ =	swait.ge [sflag:s14], $0x1000  }
0xec: {  	[sflag:s14] =	ssyncset.done $0x0  }
0xed: {  	s13 =	simm.s32 $0x4F80;
	[sflag:s14] =	ssyncadd.s32 $0xFFFFF000  }
0xee: {  	[spmem:s2] =	stream.indirect.scatter.add.f32 [tilespmem:s22], [sflag:$0x10], $0x20, s13, s19, $0xb8;
	[tilespmem:$0x12F00] =	vst v63  }
0xef: {  	_ =	swait.ge [sflag:s3], $0x1000  }
0xf0: {  	[sflag:s3] =	ssyncset.done $0x0  }
0xf1: {  	[sflag:s3] =	ssyncadd.s32 $0xFFFFF000  }
0xf2: {  	_ =	swait.ge [sflag:s6], $0x1000  }
0xf3: {  	[sflag:s6] =	ssyncset.done $0x0  }
0xf4: {  	[sflag:s6] =	ssyncadd.s32 $0xFFFFF000  }
0xf5: {  	_ =	swait.ge [sflag:s7], $0x1000  }
0xf6: {  	[sflag:s7] =	ssyncset.done $0x0  }
0xf7: {  	[sflag:s7] =	ssyncadd.s32 $0xFFFFF000  }
0xf8: {  	_ =	swait.ge [sflag:s8], $0x1000  }
0xf9: {  	[sflag:s8] =	ssyncset.done $0x0  }
0xfa: {  	[sflag:s8] =	ssyncadd.s32 $0xFFFFF000  }
0xfb: {  	_ =	swait.ge [sflag:s9], $0x1000  }
0xfc: {  	[sflag:s9] =	ssyncset.done $0x0  }
0xfd: {  	[sflag:s9] =	ssyncadd.s32 $0xFFFFF000  }
0xfe: {  	_ =	swait.ge [sflag:s10], $0x1000  }
0xff: {  	[sflag:s10] =	ssyncset.done $0x0  }
0x100: {  	[sflag:s10] =	ssyncadd.s32 $0xFFFFF000  }
0x101: {  	_ =	swait.ge [sflag:s11], $0x1000  }
0x102: {  	[sflag:s11] =	ssyncset.done $0x0  }
0x103: {  	[sflag:s11] =	ssyncadd.s32 $0xFFFFF000  }
0x104: {  	_ =	swait.ge [sflag:s12], $0x1000  }
0x105: {  	[sflag:s12] =	ssyncset.done $0x0  }
0x106: {  	[sflag:s12] =	ssyncadd.s32 $0xFFFFF000  }
0x107: {  	s15 =	stileid.u32;
	[bflag:$0x0] =	sbarrier.arrive $0xFFFF  }
0x108: {  	s5 =	sshll.u32 s15, $0x6;
	s13 =	rddreg [dreg:$0x3]  }
0x109: {  	s5 =	sor.u32 $0x1C11, s5;
	s15 =	rddreg [dreg:$0xa];
	s13 =	sshrl.u32 s13, $0x3  }
0x10a: {  	[hbm:s15@s14], [sflag:s5] =	dma.strided [spmem:s13@s26], $0x9E0, s17, $0x4   }
0x10b: {  	_ =	swait.ge [sflag:s16], $0x9E0  }
0x10c: {  	s5 =	rddreg [dreg:$0xc]  }
0x10d: {  	s15 =	rddreg [dreg:$0xb];
	s13 =	sadd.s32 $0x1, s5  }
0x10e: {  	p0 =	sne.s32 s13, s15  }
.Ltmp2:
0x10f: {  	_ = 	snop;
	(pc) =	sbr.rel @p0 .LBB2_1-.Ltmp2, $3  }
0x110: {  	_ =	sdelay $0x1  }
0x111: {  	[sflag:s16] =	ssyncset.done $0x0  }
0x112: {  	[sflag:s16] =	ssyncadd.s32 $0xFFFFF620  }
0x113: {  	_ =	sfence.sel $0x180000  }
0x114: {  	[bflag:$0x0] =	sbarrier.arrive $0xFFFF  }
0x115: {  	_ =	strace $0x9000004A  }
0x116: {  	s0 =	stileid.u32;
	[bflag:$0x2] =	sbarrier.arrive $0xFFFF  }
0x117: {  	p0 =	sne.s32 s0, $0x0;
	s0 =	rddreg [dreg:$0x2]  }
0x118: {  	s0 =	sadd.s32 @!p0 $0x100000, s0  }
0x119: {  	[sflag:s0] =	ssyncadd.tile.s32 @!p0 $0x1;
	_ =	shalt  }
.Lfunc_end2:
_tile_overlayer_lowered:
.L_overlay_start_2:
0x11a: {  	(tag) =	ssettag $0x2  }
0x11b: {  	s0 =	rddreg [dreg:$0x0];
	s2 =	stileid.u32  }
0x11c: {  	s1 =	rddreg [dreg:$0x1];
	p0 =	sne.s32 s2, $0x0  }
0x11d: {  	s3 =	rddreg [dreg:$0x2];
	[bflag:$0x3] =	sbarrier.arrive $0xFFFF;
	s2 =	simm.s32 @!p0 $0x1C11  }
0x11e: {  	[timem:s3], [sflag:s2] =	dma.local @!p0 [hbm:s0], s1  }
0x11f: {  	s0 =	simm.s32 @!p0 $0x11  }
0x120: {  	_ =	swait.ge @!p0 [sflag:s0], s1  }
0x121: {  	s1 =	ssub.s32 @!p0 $0x0, s1;
	[sflag:s0] =	ssyncset.done @!p0 $0x0  }
0x122: {  	[sflag:s0] =	ssyncadd.s32 @!p0 s1  }
0x123: {  	[bflag:$0x3] =	sbarrier.arrive $0xFFFF  }
0x124: {  	_ =	shalt  }

</sc_bundles>
